<compile_context>
chip_gen: v7x
topology: tpu7x:2x2x1
jax: 0.10.2.dev20260603
libtpu: 0.0.44.dev20260713+nightly
codegen_flags: <defaults>
</compile_context>

<pallas_src>
import functools

import jax
import jax.numpy as jnp
from jax import lax
from jax.experimental import pallas as pl
from jax.experimental.pallas import tpu as pltpu
from jax.experimental.pallas import tpu_sc as plsc

_EPS = 1e-15
_N = 10000
_E = 320000
_D = 128
_B = 8
_M = 20
_NSEG = _B * _M

_BS = 1000
_K = 40
_NW = 32
_EW = _E // _NW
_NCH = _EW // _K
_NP = 10240
_RPS = _NP // 16



def _nrm(x):
    return jnp.sqrt(jnp.sum(x * x, axis=-1, keepdims=True) + _EPS)


def _artanh(x):
    x = jnp.clip(x, -1.0 + 1e-7, 1.0 - 1e-7)
    return 0.5 * jnp.log((1.0 + x) / (1.0 - x))


def _expmap0(u):
    n = _nrm(u)
    return jnp.tanh(n) * u / n


def _logmap0(p):
    n = _nrm(p)
    return _artanh(n) * p / n


def _proj(x):
    maxnorm = 1.0 - 1e-5
    n = _nrm(x)
    return jnp.where(n > maxnorm, x / n * maxnorm, x)


def _mobius_add(x, y):
    x2 = jnp.sum(x * x, -1, keepdims=True)
    y2 = jnp.sum(y * y, -1, keepdims=True)
    xy = jnp.sum(x * y, -1, keepdims=True)
    num = (1.0 + 2.0 * xy + y2) * x + (1.0 - x2) * y
    den = 1.0 + 2.0 * xy + x2 * y2
    return num / jnp.maximum(den, _EPS)


def _hyplinear_log(x, W, b):
    xn = _nrm(x)
    mx = lax.dot_general(x, W, (((1,), (1,)), ((), ())),
                         preferred_element_type=jnp.float32)
    mxn = _nrm(mx)
    mv = _proj(jnp.tanh(mxn / xn * _artanh(xn)) * mx / mxn)
    hb = _proj(_expmap0(b))
    res = _proj(_mobius_add(mv, hb))
    return _logmap0(res)


def _post_agg(acc, deg):
    s = acc[0] + acc[1]
    d = deg[0, :, 0:1] + deg[1, :, 0:1]
    agg = s / jnp.maximum(d, 1.0)
    out = _proj(_expmap0(agg))
    xt = jax.nn.relu(_logmap0(out))
    return _proj(_expmap0(xt))



def _stage1_body(h_ref, W_ref, b_ref, o_ref):
    x = _proj(_expmap0(h_ref[...]))
    o_ref[...] = _hyplinear_log(x, W_ref[...], b_ref[...])


def _stage2_body(acc_ref, deg_ref, W_ref, b_ref, o_ref):
    x = _post_agg(acc_ref[...], deg_ref[...])
    o_ref[...] = _hyplinear_log(x, W_ref[...], b_ref[...])


def _stage3_body(acc_ref, deg_ref, ca_ref, o_ref, cnt_ref):
    i = pl.program_id(0)
    x = _post_agg(acc_ref[...], deg_ref[...])
    ht = _logmap0(_proj(x))
    ca = ca_ref[...]
    onehot = (ca == lax.broadcasted_iota(jnp.int32, (_BS, _NSEG), 1)
              ).astype(jnp.float32)

    @pl.when(i == 0)
    def _():
        o_ref[...] = jnp.zeros_like(o_ref)
        cnt_ref[...] = jnp.zeros_like(cnt_ref)

    o_ref[...] += lax.dot_general(onehot, ht, (((0,), (0,)), ((), ())),
                                  preferred_element_type=jnp.float32)
    cnt_ref[...] += lax.dot_general(onehot, jnp.ones((_BS, _D), jnp.float32),
                                    (((0,), (0,)), ((), ())),
                                    preferred_element_type=jnp.float32)

    @pl.when(i == pl.num_programs(0) - 1)
    def _():
        mean = o_ref[...] / jnp.maximum(cnt_ref[...], 1.0)
        o_ref[...] = _proj(_expmap0(mean))


_stage1 = pl.pallas_call(
    _stage1_body,
    grid=(_N // _BS,),
    in_specs=[pl.BlockSpec((_BS, _D), lambda i: (i, 0)),
              pl.BlockSpec((_D, _D), lambda i: (0, 0)),
              pl.BlockSpec((1, _D), lambda i: (0, 0))],
    out_specs=pl.BlockSpec((_BS, _D), lambda i: (i, 0)),
    out_shape=jax.ShapeDtypeStruct((_N, _D), jnp.float32),
)

_stage2 = pl.pallas_call(
    _stage2_body,
    grid=(_N // _BS,),
    in_specs=[pl.BlockSpec((2, _BS, _D), lambda i: (0, i, 0)),
              pl.BlockSpec((2, _BS, _D), lambda i: (0, i, 0)),
              pl.BlockSpec((_D, _D), lambda i: (0, 0)),
              pl.BlockSpec((1, _D), lambda i: (0, 0))],
    out_specs=pl.BlockSpec((_BS, _D), lambda i: (i, 0)),
    out_shape=jax.ShapeDtypeStruct((_N, _D), jnp.float32),
)

_stage3 = pl.pallas_call(
    _stage3_body,
    grid=(_N // _BS,),
    in_specs=[pl.BlockSpec((2, _BS, _D), lambda i: (0, i, 0)),
              pl.BlockSpec((2, _BS, _D), lambda i: (0, i, 0)),
              pl.BlockSpec((_BS, 1), lambda i: (i, 0))],
    out_specs=pl.BlockSpec((_NSEG, _D), lambda i: (0, 0)),
    out_shape=jax.ShapeDtypeStruct((_NSEG, _D), jnp.float32),
    scratch_shapes=[pltpu.VMEM((_NSEG, _D), jnp.float32)],
)



_NBUF = 5
_GLEAD = 4
_KD = 80
_NCHD = _EW // _KD
_DWIN = 8


def _sc_agg_body(xt_hbm, src_hbm, dst_hbm, znd_hbm, acc_out,
                 src_v, dst_v, r0, r1, r2, r3, r4, acc_sh,
                 g0, g1, g2, g3, g4, s0, s1, s2, s3, s4):
    cid = lax.axis_index("c")
    sid = lax.axis_index("s")
    row0 = sid * _RPS
    wid = sid * 2 + cid
    rows = (r0, r1, r2, r3, r4)
    gsem = (g0, g1, g2, g3, g4)
    ssem = (s0, s1, s2, s3, s4)

    pltpu.sync_copy(src_hbm.at[pl.ds(wid * _EW, _EW)], src_v)
    pltpu.sync_copy(dst_hbm.at[pl.ds(wid * _EW, _EW)], dst_v)

    def _gather(j, b):
        return pltpu.make_async_copy(
            xt_hbm.at[src_v.at[pl.ds(j * _K, _K)]], rows[b], gsem[b])

    def _scatter(j, b):
        return pltpu.make_async_copy(
            rows[b], acc_sh.at[dst_v.at[pl.ds(j * _K, _K)]], ssem[b])

    def _scatter_start(j, b):
        pltpu.async_copy(rows[b], acc_sh.at[dst_v.at[pl.ds(j * _K, _K)]],
                         ssem[b], add=True)

    for c in range(_GLEAD):
        _gather(c, c).start()
    pltpu.sync_copy(znd_hbm.at[pl.ds(row0, _RPS)], acc_sh.at[pl.ds(row0, _RPS)])
    plsc.subcore_barrier()

    _S = _NBUF - _GLEAD

    for j in range(_S):
        _gather(j, j % _NBUF).wait()
        _scatter_start(j, j % _NBUF)
        _gather(j + _GLEAD, (j + _GLEAD) % _NBUF).start()

    @pl.loop(_S, _NCH - _GLEAD, step=_NBUF)
    def _(ci):
        for u in range(_NBUF):
            b = (_S + u) % _NBUF
            bn = (_S + u + _GLEAD) % _NBUF
            j = ci + u
            _gather(j, b).wait()
            _scatter_start(j, b)
            _scatter(j - _S, bn).wait()
            _gather(j + _GLEAD, bn).start()

    for j in range(_NCH - _GLEAD, _NCH):
        b = j % _NBUF
        bn = (j + _GLEAD) % _NBUF
        _gather(j, b).wait()
        _scatter_start(j, b)
        _scatter(j - _S, bn).wait()
    for j in range(_NCH - _S, _NCH):
        _scatter(j, j % _NBUF).wait()

    plsc.subcore_barrier()
    pltpu.sync_copy(acc_sh.at[pl.ds(row0, _RPS)],
                    acc_out.at[cid, pl.ds(row0, _RPS)])


def _sc_deg_body(dst_hbm, znd_hbm, ones_hbm,
                 deg_out, dst_v, ones_v, deg_sh, sem):
    cid = lax.axis_index("c")
    sid = lax.axis_index("s")
    row0 = sid * _RPS
    wid = sid * 2 + cid
    pltpu.sync_copy(znd_hbm.at[pl.ds(row0, _RPS)], deg_sh.at[pl.ds(row0, _RPS)])
    pltpu.sync_copy(ones_hbm, ones_v)
    pltpu.sync_copy(dst_hbm.at[pl.ds(wid * _EW, _EW)], dst_v)
    plsc.subcore_barrier()

    def _sc(j):
        return pltpu.make_async_copy(
            ones_v, deg_sh.at[dst_v.at[pl.ds(j * _KD, _KD)]], sem)

    def _sc_start(j):
        pltpu.async_copy(ones_v, deg_sh.at[dst_v.at[pl.ds(j * _KD, _KD)]],
                         sem, add=True)

    for j in range(_DWIN):
        _sc_start(j)

    @pl.loop(_DWIN, _NCHD)
    def _(j):
        _sc(j - _DWIN).wait()
        _sc_start(j)

    for j in range(_NCHD - _DWIN, _NCHD):
        _sc(j).wait()

    plsc.subcore_barrier()
    pltpu.sync_copy(deg_sh.at[pl.ds(row0, _RPS)],
                    deg_out.at[cid, pl.ds(row0, _RPS)])


@functools.cache
def _get_sc_kernels():
    mesh = plsc.VectorSubcoreMesh(core_axis_name="c", subcore_axis_name="s")
    agg = pl.kernel(
        _sc_agg_body,
        out_type=jax.ShapeDtypeStruct((2, _NP, _D), jnp.float32),
        mesh=mesh,
        scratch_types=(
            [pltpu.VMEM((_EW,), jnp.int32),
             pltpu.VMEM((_EW,), jnp.int32)]
            + [pltpu.VMEM((_K, _D), jnp.float32) for _ in range(_NBUF)]
            + [pltpu.VMEM_SHARED((_NP, _D), jnp.float32)]
            + [pltpu.SemaphoreType.DMA] * (2 * _NBUF)
        ),
    )
    deg = pl.kernel(
        _sc_deg_body,
        out_type=jax.ShapeDtypeStruct((2, _NP, _D), jnp.float32),
        mesh=mesh,
        scratch_types=[
            pltpu.VMEM((_EW,), jnp.int32),
            pltpu.VMEM((_KD, _D), jnp.float32),
            pltpu.VMEM_SHARED((_NP, _D), jnp.float32),
            pltpu.SemaphoreType.DMA,
        ],
    )
    return agg, deg



def kernel(h, W1, b1, W2, b2, edge_index, comment_assignment):
    src = edge_index[0].astype(jnp.int32)
    dst = edge_index[1].astype(jnp.int32)
    ca = comment_assignment.astype(jnp.int32).reshape(_N, 1)
    zeros_nd = jnp.zeros((_NP, _D), jnp.float32)
    ones_k = jnp.ones((_KD, _D), jnp.float32)

    sc_agg, sc_deg = _get_sc_kernels()
    deg = sc_deg(dst, zeros_nd, ones_k)
    xt1 = _stage1(h, W1, b1.reshape(1, _D))
    acc1 = sc_agg(xt1, src, dst, zeros_nd)
    xt2 = _stage2(acc1, deg, W2, b2.reshape(1, _D))
    acc2 = sc_agg(xt2, src, dst, zeros_nd)
    out = _stage3(acc2, deg, ca)
    return out.reshape(_B, _M, _D)

# --- scband reference (transcript-rebuilt; emitter-appended) ---
"""Pipeline reference for scband-ssrcom-enc-42795054137730 (READ-ONLY COPY).

The authoritative reference and input builder live on the scoring server;
editing this copy changes nothing except your own understanding.
"""

import jax, jax.numpy as jnp
import numpy as np

EPS = 1e-15
C = 1.0
N = 10000
E = 320000
D = 128
B = 8
M = 20


def _norm(x):
    return jnp.sqrt(jnp.sum(x * x, axis=-1, keepdims=True) + EPS)


def artanh(x):
    x = jnp.clip(x, -1.0 + 1e-7, 1.0 - 1e-7)
    return 0.5 * jnp.log((1.0 + x) / (1.0 - x))


def expmap0(u, c):
    sqrt_c = c ** 0.5
    u_norm = _norm(u)
    return jnp.tanh(sqrt_c * u_norm) * u / (sqrt_c * u_norm)


def logmap0(p, c):
    sqrt_c = c ** 0.5
    p_norm = _norm(p)
    return artanh(sqrt_c * p_norm) * p / (sqrt_c * p_norm)


def proj(x, c):
    maxnorm = (1.0 - 1e-5) / (c ** 0.5)
    nrm = _norm(x)
    return jnp.where(nrm > maxnorm, x / nrm * maxnorm, x)


def mobius_add(x, y, c):
    x2 = jnp.sum(x * x, -1, keepdims=True)
    y2 = jnp.sum(y * y, -1, keepdims=True)
    xy = jnp.sum(x * y, -1, keepdims=True)
    num = (1.0 + 2.0 * c * xy + c * y2) * x + (1.0 - c * x2) * y
    den = 1.0 + 2.0 * c * xy + c * c * x2 * y2
    return num / jnp.maximum(den, EPS)


def mobius_matvec(W, x, c):
    sqrt_c = c ** 0.5
    x_norm = _norm(x)
    mx = x @ W.T
    mx_norm = _norm(mx)
    return jnp.tanh(mx_norm / x_norm * artanh(sqrt_c * x_norm)) * mx / (mx_norm * sqrt_c)


def hyp_conv(x_h, W, b, src, dst, c):
    # HypLinear: mobius matvec + hyperbolic bias add
    mv = proj(mobius_matvec(W, x_h, c), c)
    hyp_b = proj(expmap0(b.reshape(1, -1), c), c)
    res = proj(mobius_add(mv, hyp_b, c), c)
    # HypAgg: aggregate neighbors in tangent space (mean over in-edges)
    xt = logmap0(res, c)
    msgs = jnp.take(xt, src, axis=0)
    agg = jax.ops.segment_sum(msgs, dst, num_segments=N)
    deg = jax.ops.segment_sum(jnp.ones((E,), xt.dtype), dst, num_segments=N)
    agg = agg / jnp.maximum(deg, 1.0)[:, None]
    out = proj(expmap0(agg, c), c)
    # HypAct: relu in tangent space
    xt2 = jax.nn.relu(logmap0(out, c))
    return proj(expmap0(xt2, c), c)


def setup_inputs(seed: int = 0) -> dict:
    key = jax.random.key(seed)
    k1, k2, k3, k4, k5, k6, k7 = jax.random.split(key, 7)
    h = jax.random.normal(k1, (N, D), dtype=jnp.float32)
    edge_index = jax.random.randint(k2, (2, E), 0, N, dtype=jnp.int64)
    comment_assignment = jnp.sort(jax.random.randint(k3, (N,), 0, B * M, dtype=jnp.int64))
    scale = 1.0 / np.sqrt(D)
    W1 = jax.random.normal(k4, (D, D), dtype=jnp.float32) * scale
    b1 = jax.random.normal(k5, (D,), dtype=jnp.float32) * 0.01
    W2 = jax.random.normal(k6, (D, D), dtype=jnp.float32) * scale
    b2 = jax.random.normal(k7, (D,), dtype=jnp.float32) * 0.01
    return {"h": h, "W1": W1, "b1": b1, "W2": W2, "b2": b2,
            "edge_index": edge_index, "comment_assignment": comment_assignment}


def reference(h, W1, b1, W2, b2, edge_index, comment_assignment):
    src = edge_index[0]
    dst = edge_index[1]
    # lift node features onto the Poincare ball (proj_tan0 is identity)
    x = proj(expmap0(h, C), C)
    x = hyp_conv(x, W1, b1, src, dst, C)
    x = hyp_conv(x, W2, b2, src, dst, C)
    # back to tangent space at origin
    ht = logmap0(proj(x, C), C)
    # per-comment subgraph mean (dgl.mean_nodes over node_subgraph) via segment mean
    sums = jax.ops.segment_sum(ht, comment_assignment, num_segments=B * M)
    cnts = jax.ops.segment_sum(jnp.ones((N,), ht.dtype), comment_assignment, num_segments=B * M)
    mean = sums / jnp.maximum(cnts, 1.0)[:, None]
    agg = mean.reshape(B, M, D)
    ret = proj(expmap0(agg, C), C)
    return ret

if __name__ == "__main__":
    import jax
    _d = setup_inputs()
    print(jax.jit(kernel)(*tuple(_d.values())))

</pallas_src>

<mosaic_0001>
#map = affine_map<(d0, d1) -> (0, 0)>
#map1 = affine_map<(d0, d1) -> (0)>
#map2 = affine_map<(d0, d1) -> (0, 0, 0)>
module attributes {stable_mosaic.version = 14 : i64} {
  func.func @_sc_agg_body(%arg0: i32, %arg1: i32, %arg2: memref<10000x128xf32, #tpu.memory_space<hbm>>, %arg3: memref<320000xi32, #tpu.memory_space<hbm>>, %arg4: memref<320000xi32, #tpu.memory_space<hbm>>, %arg5: memref<10240x128xf32, #tpu.memory_space<hbm>>, %arg6: memref<2x10240x128xf32, #tpu.memory_space<hbm>>, %arg7: memref<10000xi32, #tpu.memory_space<vmem>>, %arg8: memref<10000xi32, #tpu.memory_space<vmem>>, %arg9: memref<40x128xf32, #tpu.memory_space<vmem>>, %arg10: memref<40x128xf32, #tpu.memory_space<vmem>>, %arg11: memref<40x128xf32, #tpu.memory_space<vmem>>, %arg12: memref<40x128xf32, #tpu.memory_space<vmem>>, %arg13: memref<40x128xf32, #tpu.memory_space<vmem>>, %arg14: memref<10240x128xf32, #tpu.memory_space<vmem_shared>>, %arg15: memref<!tpu.dma_semaphore, #tpu.memory_space<semaphore_mem>>, %arg16: memref<!tpu.dma_semaphore, #tpu.memory_space<semaphore_mem>>, %arg17: memref<!tpu.dma_semaphore, #tpu.memory_space<semaphore_mem>>, %arg18: memref<!tpu.dma_semaphore, #tpu.memory_space<semaphore_mem>>, %arg19: memref<!tpu.dma_semaphore, #tpu.memory_space<semaphore_mem>>, %arg20: memref<!tpu.dma_semaphore, #tpu.memory_space<semaphore_mem>>, %arg21: memref<!tpu.dma_semaphore, #tpu.memory_space<semaphore_mem>>, %arg22: memref<!tpu.dma_semaphore, #tpu.memory_space<semaphore_mem>>, %arg23: memref<!tpu.dma_semaphore, #tpu.memory_space<semaphore_mem>>, %arg24: memref<!tpu.dma_semaphore, #tpu.memory_space<semaphore_mem>>) attributes {dimension_semantics = [#tpu.dimension_semantics<core_parallel>, #tpu.dimension_semantics<subcore_parallel>], iteration_bounds = array<i64: 2, 16>, scalar_prefetch = 0 : i64, scratch_operands = 18 : i64, tpu.core_type = #tpu.core_type<sc_vector_subcore>, window_params = [{transform_indices = #map}, {transform_indices = #map1}, {transform_indices = #map1}, {transform_indices = #map}, {transform_indices = #map2}]} {
    %mul3A = arith.constant 640 : i32
    %mul3A_0 = arith.muli %arg1, %mul3A : i32
    %mul3A_1 = arith.constant 2 : i32
    %mul3A_2 = arith.muli %arg1, %mul3A_1 : i32
    %add3A = arith.addi %mul3A_2, %arg0 : i32
    %mul3A_3 = arith.constant 10000 : i32
    %mul3A_4 = arith.muli %add3A, %mul3A_3 : i32
    "tpu.region"() ({
      %run_scoped3A = tpu.sem_alloc : memref<!tpu.dma_semaphore, #tpu.memory_space<semaphore_mem>>
      %dma_start3A_110 = tpu.memref_slice %arg3[%mul3A_4] : memref<320000xi32, #tpu.memory_space<hbm>> -> memref<10000xi32, #tpu.memory_space<hbm>>
      %dma_start3A_111 = tpu.memref_slice %arg3[%mul3A_4] : memref<320000xi32, #tpu.memory_space<hbm>> -> memref<10000xi32, #tpu.memory_space<hbm>>
      tpu.enqueue_dma source(%dma_start3A_111 : memref<10000xi32, #tpu.memory_space<hbm>>) target(%arg7 : memref<10000xi32, #tpu.memory_space<vmem>>) target_semaphore(%run_scoped3A : memref<!tpu.dma_semaphore, #tpu.memory_space<semaphore_mem>>)
      %dma_wait3A_112 = tpu.memref_slice %arg3[%mul3A_4] : memref<320000xi32, #tpu.memory_space<hbm>> -> memref<10000xi32, #tpu.memory_space<hbm>>
      %dma_wait3A_113 = tpu.memref_slice %arg3[%mul3A_4] : memref<320000xi32, #tpu.memory_space<hbm>> -> memref<10000xi32, #tpu.memory_space<hbm>>
      tpu.wait_dma2 semaphore(%run_scoped3A : memref<!tpu.dma_semaphore, #tpu.memory_space<semaphore_mem>>) src(%dma_wait3A_113 : memref<10000xi32, #tpu.memory_space<hbm>>) dst(%arg7 : memref<10000xi32, #tpu.memory_space<vmem>>)
      tpu.yield
    }) : () -> ()
    %mul3A_5 = arith.constant 10000 : i32
    %mul3A_6 = arith.muli %add3A, %mul3A_5 : i32
    "tpu.region"() ({
      %run_scoped3A = tpu.sem_alloc : memref<!tpu.dma_semaphore, #tpu.memory_space<semaphore_mem>>
      %dma_start3A_110 = tpu.memref_slice %arg4[%mul3A_6] : memref<320000xi32, #tpu.memory_space<hbm>> -> memref<10000xi32, #tpu.memory_space<hbm>>
      %dma_start3A_111 = tpu.memref_slice %arg4[%mul3A_6] : memref<320000xi32, #tpu.memory_space<hbm>> -> memref<10000xi32, #tpu.memory_space<hbm>>
      tpu.enqueue_dma source(%dma_start3A_111 : memref<10000xi32, #tpu.memory_space<hbm>>) target(%arg8 : memref<10000xi32, #tpu.memory_space<vmem>>) target_semaphore(%run_scoped3A : memref<!tpu.dma_semaphore, #tpu.memory_space<semaphore_mem>>)
      %dma_wait3A_112 = tpu.memref_slice %arg4[%mul3A_6] : memref<320000xi32, #tpu.memory_space<hbm>> -> memref<10000xi32, #tpu.memory_space<hbm>>
      %dma_wait3A_113 = tpu.memref_slice %arg4[%mul3A_6] : memref<320000xi32, #tpu.memory_space<hbm>> -> memref<10000xi32, #tpu.memory_space<hbm>>
      tpu.wait_dma2 semaphore(%run_scoped3A : memref<!tpu.dma_semaphore, #tpu.memory_space<semaphore_mem>>) src(%dma_wait3A_113 : memref<10000xi32, #tpu.memory_space<hbm>>) dst(%arg8 : memref<10000xi32, #tpu.memory_space<vmem>>)
      tpu.yield
    }) : () -> ()
    %dma_start3A = arith.constant 0 : i32
    %dma_start3A_7 = tpu.memref_slice %arg7[%dma_start3A] : memref<10000xi32, #tpu.memory_space<vmem>> -> memref<40xi32, #tpu.memory_space<vmem>>
    %dma_start3A_8 = arith.constant 0 : i32
    %dma_start3A_9 = arith.constant 0 : i32
    %dma_start3A_10 = tpu.memref_slice %arg2[%dma_start3A_8, %dma_start3A_9] : memref<10000x128xf32, #tpu.memory_space<hbm>> -> memref<10000x128xf32, #tpu.memory_space<hbm>>
    tpu.enqueue_indirect_dma source(%dma_start3A_10 : memref<10000x128xf32, #tpu.memory_space<hbm>>) target(%arg9 : memref<40x128xf32, #tpu.memory_space<vmem>>) offsets(%dma_start3A_7 : memref<40xi32, #tpu.memory_space<vmem>>) semaphore(%arg15 : memref<!tpu.dma_semaphore, #tpu.memory_space<semaphore_mem>>)
    %dma_start3A_11 = arith.constant 40 : i32
    %dma_start3A_12 = tpu.memref_slice %arg7[%dma_start3A_11] : memref<10000xi32, #tpu.memory_space<vmem>> -> memref<40xi32, #tpu.memory_space<vmem>>
    %dma_start3A_13 = arith.constant 0 : i32
    %dma_start3A_14 = arith.constant 0 : i32
    %dma_start3A_15 = tpu.memref_slice %arg2[%dma_start3A_13, %dma_start3A_14] : memref<10000x128xf32, #tpu.memory_space<hbm>> -> memref<10000x128xf32, #tpu.memory_space<hbm>>
    tpu.enqueue_indirect_dma source(%dma_start3A_15 : memref<10000x128xf32, #tpu.memory_space<hbm>>) target(%arg10 : memref<40x128xf32, #tpu.memory_space<vmem>>) offsets(%dma_start3A_12 : memref<40xi32, #tpu.memory_space<vmem>>) semaphore(%arg16 : memref<!tpu.dma_semaphore, #tpu.memory_space<semaphore_mem>>)
    %dma_start3A_16 = arith.constant 80 : i32
    %dma_start3A_17 = tpu.memref_slice %arg7[%dma_start3A_16] : memref<10000xi32, #tpu.memory_space<vmem>> -> memref<40xi32, #tpu.memory_space<vmem>>
    %dma_start3A_18 = arith.constant 0 : i32
    %dma_start3A_19 = arith.constant 0 : i32
    %dma_start3A_20 = tpu.memref_slice %arg2[%dma_start3A_18, %dma_start3A_19] : memref<10000x128xf32, #tpu.memory_space<hbm>> -> memref<10000x128xf32, #tpu.memory_space<hbm>>
    tpu.enqueue_indirect_dma source(%dma_start3A_20 : memref<10000x128xf32, #tpu.memory_space<hbm>>) target(%arg11 : memref<40x128xf32, #tpu.memory_space<vmem>>) offsets(%dma_start3A_17 : memref<40xi32, #tpu.memory_space<vmem>>) semaphore(%arg17 : memref<!tpu.dma_semaphore, #tpu.memory_space<semaphore_mem>>)
    %dma_start3A_21 = arith.constant 120 : i32
    %dma_start3A_22 = tpu.memref_slice %arg7[%dma_start3A_21] : memref<10000xi32, #tpu.memory_space<vmem>> -> memref<40xi32, #tpu.memory_space<vmem>>
    %dma_start3A_23 = arith.constant 0 : i32
    %dma_start3A_24 = arith.constant 0 : i32
    %dma_start3A_25 = tpu.memref_slice %arg2[%dma_start3A_23, %dma_start3A_24] : memref<10000x128xf32, #tpu.memory_space<hbm>> -> memref<10000x128xf32, #tpu.memory_space<hbm>>
    tpu.enqueue_indirect_dma source(%dma_start3A_25 : memref<10000x128xf32, #tpu.memory_space<hbm>>) target(%arg12 : memref<40x128xf32, #tpu.memory_space<vmem>>) offsets(%dma_start3A_22 : memref<40xi32, #tpu.memory_space<vmem>>) semaphore(%arg18 : memref<!tpu.dma_semaphore, #tpu.memory_space<semaphore_mem>>)
    "tpu.region"() ({
      %run_scoped3A = tpu.sem_alloc : memref<!tpu.dma_semaphore, #tpu.memory_space<semaphore_mem>>
      %dma_start3A_110 = arith.constant 0 : i32
      %dma_start3A_111 = tpu.memref_slice %arg14[%mul3A_0, %dma_start3A_110] : memref<10240x128xf32, #tpu.memory_space<vmem_shared>> -> memref<640x128xf32, #tpu.memory_space<vmem_shared>>
      %dma_start3A_112 = arith.constant 0 : i32
      %dma_start3A_113 = tpu.memref_slice %arg5[%mul3A_0, %dma_start3A_112] : memref<10240x128xf32, #tpu.memory_space<hbm>> -> memref<640x128xf32, #tpu.memory_space<hbm>>
      tpu.enqueue_dma source(%dma_start3A_113 : memref<640x128xf32, #tpu.memory_space<hbm>>) target(%dma_start3A_111 : memref<640x128xf32, #tpu.memory_space<vmem_shared>>) target_semaphore(%run_scoped3A : memref<!tpu.dma_semaphore, #tpu.memory_space<semaphore_mem>>)
      %dma_wait3A_114 = arith.constant 0 : i32
      %dma_wait3A_115 = tpu.memref_slice %arg14[%mul3A_0, %dma_wait3A_114] : memref<10240x128xf32, #tpu.memory_space<vmem_shared>> -> memref<640x128xf32, #tpu.memory_space<vmem_shared>>
      %dma_wait3A_116 = arith.constant 0 : i32
      %dma_wait3A_117 = tpu.memref_slice %arg5[%mul3A_0, %dma_wait3A_116] : memref<10240x128xf32, #tpu.memory_space<hbm>> -> memref<640x128xf32, #tpu.memory_space<hbm>>
      tpu.wait_dma2 semaphore(%run_scoped3A : memref<!tpu.dma_semaphore, #tpu.memory_space<semaphore_mem>>) src(%dma_wait3A_117 : memref<640x128xf32, #tpu.memory_space<hbm>>) dst(%dma_wait3A_115 : memref<640x128xf32, #tpu.memory_space<vmem_shared>>)
      tpu.yield
    }) : () -> ()
    %barrier3A = arith.constant 0 : index
    tpu.barrier barrier_id(%barrier3A)
    %dma_wait3A = arith.constant 0 : i32
    %dma_wait3A_26 = tpu.memref_slice %arg7[%dma_wait3A] : memref<10000xi32, #tpu.memory_space<vmem>> -> memref<40xi32, #tpu.memory_space<vmem>>
    %dma_wait3A_27 = arith.constant 0 : i32
    %dma_wait3A_28 = arith.constant 0 : i32
    %dma_wait3A_29 = tpu.memref_slice %arg2[%dma_wait3A_27, %dma_wait3A_28] : memref<10000x128xf32, #tpu.memory_space<hbm>> -> memref<10000x128xf32, #tpu.memory_space<hbm>>
    tpu.wait_indirect_dma semaphore(%arg15 : memref<!tpu.dma_semaphore, #tpu.memory_space<semaphore_mem>>) src(%dma_wait3A_29 : memref<10000x128xf32, #tpu.memory_space<hbm>>) dst(%arg9 : memref<40x128xf32, #tpu.memory_space<vmem>>)
    %dma_start3A_30 = arith.constant 0 : i32
    %dma_start3A_31 = tpu.memref_slice %arg8[%dma_start3A_30] : memref<10000xi32, #tpu.memory_space<vmem>> -> memref<40xi32, #tpu.memory_space<vmem>>
    %dma_start3A_32 = arith.constant 0 : i32
    %dma_start3A_33 = arith.constant 0 : i32
    %dma_start3A_34 = tpu.memref_slice %arg14[%dma_start3A_32, %dma_start3A_33] : memref<10240x128xf32, #tpu.memory_space<vmem_shared>> -> memref<10240x128xf32, #tpu.memory_space<vmem_shared>>
    tpu.enqueue_indirect_dma source(%arg9 : memref<40x128xf32, #tpu.memory_space<vmem>>) target(%dma_start3A_34 : memref<10240x128xf32, #tpu.memory_space<vmem_shared>>) offsets(%dma_start3A_31 : memref<40xi32, #tpu.memory_space<vmem>>) semaphore(%arg20 : memref<!tpu.dma_semaphore, #tpu.memory_space<semaphore_mem>>) {add = true}
    %dma_start3A_35 = arith.constant 160 : i32
    %dma_start3A_36 = tpu.memref_slice %arg7[%dma_start3A_35] : memref<10000xi32, #tpu.memory_space<vmem>> -> memref<40xi32, #tpu.memory_space<vmem>>
    %dma_start3A_37 = arith.constant 0 : i32
    %dma_start3A_38 = arith.constant 0 : i32
    %dma_start3A_39 = tpu.memref_slice %arg2[%dma_start3A_37, %dma_start3A_38] : memref<10000x128xf32, #tpu.memory_space<hbm>> -> memref<10000x128xf32, #tpu.memory_space<hbm>>
    tpu.enqueue_indirect_dma source(%dma_start3A_39 : memref<10000x128xf32, #tpu.memory_space<hbm>>) target(%arg13 : memref<40x128xf32, #tpu.memory_space<vmem>>) offsets(%dma_start3A_36 : memref<40xi32, #tpu.memory_space<vmem>>) semaphore(%arg19 : memref<!tpu.dma_semaphore, #tpu.memory_space<semaphore_mem>>)
    %scan3A = arith.constant 0 : i32
    %scan3A_40 = arith.constant 49 : i32
    %scan3A_41 = arith.addi %scan3A, %scan3A_40 : i32
    %scan3A_42 = arith.constant 1 : i32
    scf.for %scan3A_110 = %scan3A to %scan3A_41 step %scan3A_42  : i32 {
      %mul3A_111 = arith.constant 5 : i32
      %mul3A_112 = arith.muli %scan3A_110, %mul3A_111 : i32
      %add3A_113 = arith.constant 1 : i32
      %add3A_114 = arith.addi %add3A_113, %mul3A_112 : i32
      %add3A_115 = arith.constant 0 : i32
      %add3A_116 = arith.addi %add3A_114, %add3A_115 : i32
      %mul3A_117 = arith.constant 40 : i32
      %mul3A_118 = arith.muli %add3A_116, %mul3A_117 : i32
      %dma_wait3A_119 = tpu.memref_slice %arg7[%mul3A_118] : memref<10000xi32, #tpu.memory_space<vmem>> -> memref<40xi32, #tpu.memory_space<vmem>>
      %dma_wait3A_120 = arith.constant 0 : i32
      %dma_wait3A_121 = arith.constant 0 : i32
      %dma_wait3A_122 = tpu.memref_slice %arg2[%dma_wait3A_120, %dma_wait3A_121] : memref<10000x128xf32, #tpu.memory_space<hbm>> -> memref<10000x128xf32, #tpu.memory_space<hbm>>
      tpu.wait_indirect_dma semaphore(%arg16 : memref<!tpu.dma_semaphore, #tpu.memory_space<semaphore_mem>>) src(%dma_wait3A_122 : memref<10000x128xf32, #tpu.memory_space<hbm>>) dst(%arg10 : memref<40x128xf32, #tpu.memory_space<vmem>>)
      %mul3A_123 = arith.constant 40 : i32
      %mul3A_124 = arith.muli %add3A_116, %mul3A_123 : i32
      %dma_start3A_125 = tpu.memref_slice %arg8[%mul3A_124] : memref<10000xi32, #tpu.memory_space<vmem>> -> memref<40xi32, #tpu.memory_space<vmem>>
      %dma_start3A_126 = arith.constant 0 : i32
      %dma_start3A_127 = arith.constant 0 : i32
      %dma_start3A_128 = tpu.memref_slice %arg14[%dma_start3A_126, %dma_start3A_127] : memref<10240x128xf32, #tpu.memory_space<vmem_shared>> -> memref<10240x128xf32, #tpu.memory_space<vmem_shared>>
      tpu.enqueue_indirect_dma source(%arg10 : memref<40x128xf32, #tpu.memory_space<vmem>>) target(%dma_start3A_128 : memref<10240x128xf32, #tpu.memory_space<vmem_shared>>) offsets(%dma_start3A_125 : memref<40xi32, #tpu.memory_space<vmem>>) semaphore(%arg21 : memref<!tpu.dma_semaphore, #tpu.memory_space<semaphore_mem>>) {add = true}
      %sub3A = arith.constant 1 : i32
      %sub3A_129 = arith.subi %add3A_116, %sub3A : i32
      %mul3A_130 = arith.constant 40 : i32
      %mul3A_131 = arith.muli %sub3A_129, %mul3A_130 : i32
      %dma_wait3A_132 = tpu.memref_slice %arg8[%mul3A_131] : memref<10000xi32, #tpu.memory_space<vmem>> -> memref<40xi32, #tpu.memory_space<vmem>>
      %dma_wait3A_133 = arith.constant 0 : i32
      %dma_wait3A_134 = arith.constant 0 : i32
      %dma_wait3A_135 = tpu.memref_slice %arg14[%dma_wait3A_133, %dma_wait3A_134] : memref<10240x128xf32, #tpu.memory_space<vmem_shared>> -> memref<10240x128xf32, #tpu.memory_space<vmem_shared>>
      tpu.wait_indirect_dma semaphore(%arg20 : memref<!tpu.dma_semaphore, #tpu.memory_space<semaphore_mem>>) src(%arg9 : memref<40x128xf32, #tpu.memory_space<vmem>>) dst(%dma_wait3A_135 : memref<10240x128xf32, #tpu.memory_space<vmem_shared>>)
      %add3A_136 = arith.constant 4 : i32
      %add3A_137 = arith.addi %add3A_116, %add3A_136 : i32
      %mul3A_138 = arith.constant 40 : i32
      %mul3A_139 = arith.muli %add3A_137, %mul3A_138 : i32
      %dma_start3A_140 = tpu.memref_slice %arg7[%mul3A_139] : memref<10000xi32, #tpu.memory_space<vmem>> -> memref<40xi32, #tpu.memory_space<vmem>>
      %dma_start3A_141 = arith.constant 0 : i32
      %dma_start3A_142 = arith.constant 0 : i32
      %dma_start3A_143 = tpu.memref_slice %arg2[%dma_start3A_141, %dma_start3A_142] : memref<10000x128xf32, #tpu.memory_space<hbm>> -> memref<10000x128xf32, #tpu.memory_space<hbm>>
      tpu.enqueue_indirect_dma source(%dma_start3A_143 : memref<10000x128xf32, #tpu.memory_space<hbm>>) target(%arg9 : memref<40x128xf32, #tpu.memory_space<vmem>>) offsets(%dma_start3A_140 : memref<40xi32, #tpu.memory_space<vmem>>) semaphore(%arg15 : memref<!tpu.dma_semaphore, #tpu.memory_space<semaphore_mem>>)
      %add3A_144 = arith.constant 1 : i32
      %add3A_145 = arith.addi %add3A_114, %add3A_144 : i32
      %mul3A_146 = arith.constant 40 : i32
      %mul3A_147 = arith.muli %add3A_145, %mul3A_146 : i32
      %dma_wait3A_148 = tpu.memref_slice %arg7[%mul3A_147] : memref<10000xi32, #tpu.memory_space<vmem>> -> memref<40xi32, #tpu.memory_space<vmem>>
      %dma_wait3A_149 = arith.constant 0 : i32
      %dma_wait3A_150 = arith.constant 0 : i32
      %dma_wait3A_151 = tpu.memref_slice %arg2[%dma_wait3A_149, %dma_wait3A_150] : memref<10000x128xf32, #tpu.memory_space<hbm>> -> memref<10000x128xf32, #tpu.memory_space<hbm>>
      tpu.wait_indirect_dma semaphore(%arg17 : memref<!tpu.dma_semaphore, #tpu.memory_space<semaphore_mem>>) src(%dma_wait3A_151 : memref<10000x128xf32, #tpu.memory_space<hbm>>) dst(%arg11 : memref<40x128xf32, #tpu.memory_space<vmem>>)
      %mul3A_152 = arith.constant 40 : i32
      %mul3A_153 = arith.muli %add3A_145, %mul3A_152 : i32
      %dma_start3A_154 = tpu.memref_slice %arg8[%mul3A_153] : memref<10000xi32, #tpu.memory_space<vmem>> -> memref<40xi32, #tpu.memory_space<vmem>>
      %dma_start3A_155 = arith.constant 0 : i32
      %dma_start3A_156 = arith.constant 0 : i32
      %dma_start3A_157 = tpu.memref_slice %arg14[%dma_start3A_155, %dma_start3A_156] : memref<10240x128xf32, #tpu.memory_space<vmem_shared>> -> memref<10240x128xf32, #tpu.memory_space<vmem_shared>>
      tpu.enqueue_indirect_dma source(%arg11 : memref<40x128xf32, #tpu.memory_space<vmem>>) target(%dma_start3A_157 : memref<10240x128xf32, #tpu.memory_space<vmem_shared>>) offsets(%dma_start3A_154 : memref<40xi32, #tpu.memory_space<vmem>>) semaphore(%arg22 : memref<!tpu.dma_semaphore, #tpu.memory_space<semaphore_mem>>) {add = true}
      %sub3A_158 = arith.constant 1 : i32
      %sub3A_159 = arith.subi %add3A_145, %sub3A_158 : i32
      %mul3A_160 = arith.constant 40 : i32
      %mul3A_161 = arith.muli %sub3A_159, %mul3A_160 : i32
      %dma_wait3A_162 = tpu.memref_slice %arg8[%mul3A_161] : memref<10000xi32, #tpu.memory_space<vmem>> -> memref<40xi32, #tpu.memory_space<vmem>>
      %dma_wait3A_163 = arith.constant 0 : i32
      %dma_wait3A_164 = arith.constant 0 : i32
      %dma_wait3A_165 = tpu.memref_slice %arg14[%dma_wait3A_163, %dma_wait3A_164] : memref<10240x128xf32, #tpu.memory_space<vmem_shared>> -> memref<10240x128xf32, #tpu.memory_space<vmem_shared>>
      tpu.wait_indirect_dma semaphore(%arg21 : memref<!tpu.dma_semaphore, #tpu.memory_space<semaphore_mem>>) src(%arg10 : memref<40x128xf32, #tpu.memory_space<vmem>>) dst(%dma_wait3A_165 : memref<10240x128xf32, #tpu.memory_space<vmem_shared>>)
      %add3A_166 = arith.constant 4 : i32
      %add3A_167 = arith.addi %add3A_145, %add3A_166 : i32
      %mul3A_168 = arith.constant 40 : i32
      %mul3A_169 = arith.muli %add3A_167, %mul3A_168 : i32
      %dma_start3A_170 = tpu.memref_slice %arg7[%mul3A_169] : memref<10000xi32, #tpu.memory_space<vmem>> -> memref<40xi32, #tpu.memory_space<vmem>>
      %dma_start3A_171 = arith.constant 0 : i32
      %dma_start3A_172 = arith.constant 0 : i32
      %dma_start3A_173 = tpu.memref_slice %arg2[%dma_start3A_171, %dma_start3A_172] : memref<10000x128xf32, #tpu.memory_space<hbm>> -> memref<10000x128xf32, #tpu.memory_space<hbm>>
      tpu.enqueue_indirect_dma source(%dma_start3A_173 : memref<10000x128xf32, #tpu.memory_space<hbm>>) target(%arg10 : memref<40x128xf32, #tpu.memory_space<vmem>>) offsets(%dma_start3A_170 : memref<40xi32, #tpu.memory_space<vmem>>) semaphore(%arg16 : memref<!tpu.dma_semaphore, #tpu.memory_space<semaphore_mem>>)
      %add3A_174 = arith.constant 2 : i32
      %add3A_175 = arith.addi %add3A_114, %add3A_174 : i32
      %mul3A_176 = arith.constant 40 : i32
      %mul3A_177 = arith.muli %add3A_175, %mul3A_176 : i32
      %dma_wait3A_178 = tpu.memref_slice %arg7[%mul3A_177] : memref<10000xi32, #tpu.memory_space<vmem>> -> memref<40xi32, #tpu.memory_space<vmem>>
      %dma_wait3A_179 = arith.constant 0 : i32
      %dma_wait3A_180 = arith.constant 0 : i32
      %dma_wait3A_181 = tpu.memref_slice %arg2[%dma_wait3A_179, %dma_wait3A_180] : memref<10000x128xf32, #tpu.memory_space<hbm>> -> memref<10000x128xf32, #tpu.memory_space<hbm>>
      tpu.wait_indirect_dma semaphore(%arg18 : memref<!tpu.dma_semaphore, #tpu.memory_space<semaphore_mem>>) src(%dma_wait3A_181 : memref<10000x128xf32, #tpu.memory_space<hbm>>) dst(%arg12 : memref<40x128xf32, #tpu.memory_space<vmem>>)
      %mul3A_182 = arith.constant 40 : i32
      %mul3A_183 = arith.muli %add3A_175, %mul3A_182 : i32
      %dma_start3A_184 = tpu.memref_slice %arg8[%mul3A_183] : memref<10000xi32, #tpu.memory_space<vmem>> -> memref<40xi32, #tpu.memory_space<vmem>>
      %dma_start3A_185 = arith.constant 0 : i32
      %dma_start3A_186 = arith.constant 0 : i32
      %dma_start3A_187 = tpu.memref_slice %arg14[%dma_start3A_185, %dma_start3A_186] : memref<10240x128xf32, #tpu.memory_space<vmem_shared>> -> memref<10240x128xf32, #tpu.memory_space<vmem_shared>>
      tpu.enqueue_indirect_dma source(%arg12 : memref<40x128xf32, #tpu.memory_space<vmem>>) target(%dma_start3A_187 : memref<10240x128xf32, #tpu.memory_space<vmem_shared>>) offsets(%dma_start3A_184 : memref<40xi32, #tpu.memory_space<vmem>>) semaphore(%arg23 : memref<!tpu.dma_semaphore, #tpu.memory_space<semaphore_mem>>) {add = true}
      %sub3A_188 = arith.constant 1 : i32
      %sub3A_189 = arith.subi %add3A_175, %sub3A_188 : i32
      %mul3A_190 = arith.constant 40 : i32
      %mul3A_191 = arith.muli %sub3A_189, %mul3A_190 : i32
      %dma_wait3A_192 = tpu.memref_slice %arg8[%mul3A_191] : memref<10000xi32, #tpu.memory_space<vmem>> -> memref<40xi32, #tpu.memory_space<vmem>>
      %dma_wait3A_193 = arith.constant 0 : i32
      %dma_wait3A_194 = arith.constant 0 : i32
      %dma_wait3A_195 = tpu.memref_slice %arg14[%dma_wait3A_193, %dma_wait3A_194] : memref<10240x128xf32, #tpu.memory_space<vmem_shared>> -> memref<10240x128xf32, #tpu.memory_space<vmem_shared>>
      tpu.wait_indirect_dma semaphore(%arg22 : memref<!tpu.dma_semaphore, #tpu.memory_space<semaphore_mem>>) src(%arg11 : memref<40x128xf32, #tpu.memory_space<vmem>>) dst(%dma_wait3A_195 : memref<10240x128xf32, #tpu.memory_space<vmem_shared>>)
      %add3A_196 = arith.constant 4 : i32
      %add3A_197 = arith.addi %add3A_175, %add3A_196 : i32
      %mul3A_198 = arith.constant 40 : i32
      %mul3A_199 = arith.muli %add3A_197, %mul3A_198 : i32
      %dma_start3A_200 = tpu.memref_slice %arg7[%mul3A_199] : memref<10000xi32, #tpu.memory_space<vmem>> -> memref<40xi32, #tpu.memory_space<vmem>>
      %dma_start3A_201 = arith.constant 0 : i32
      %dma_start3A_202 = arith.constant 0 : i32
      %dma_start3A_203 = tpu.memref_slice %arg2[%dma_start3A_201, %dma_start3A_202] : memref<10000x128xf32, #tpu.memory_space<hbm>> -> memref<10000x128xf32, #tpu.memory_space<hbm>>
      tpu.enqueue_indirect_dma source(%dma_start3A_203 : memref<10000x128xf32, #tpu.memory_space<hbm>>) target(%arg11 : memref<40x128xf32, #tpu.memory_space<vmem>>) offsets(%dma_start3A_200 : memref<40xi32, #tpu.memory_space<vmem>>) semaphore(%arg17 : memref<!tpu.dma_semaphore, #tpu.memory_space<semaphore_mem>>)
      %add3A_204 = arith.constant 3 : i32
      %add3A_205 = arith.addi %add3A_114, %add3A_204 : i32
      %mul3A_206 = arith.constant 40 : i32
      %mul3A_207 = arith.muli %add3A_205, %mul3A_206 : i32
      %dma_wait3A_208 = tpu.memref_slice %arg7[%mul3A_207] : memref<10000xi32, #tpu.memory_space<vmem>> -> memref<40xi32, #tpu.memory_space<vmem>>
      %dma_wait3A_209 = arith.constant 0 : i32
      %dma_wait3A_210 = arith.constant 0 : i32
      %dma_wait3A_211 = tpu.memref_slice %arg2[%dma_wait3A_209, %dma_wait3A_210] : memref<10000x128xf32, #tpu.memory_space<hbm>> -> memref<10000x128xf32, #tpu.memory_space<hbm>>
      tpu.wait_indirect_dma semaphore(%arg19 : memref<!tpu.dma_semaphore, #tpu.memory_space<semaphore_mem>>) src(%dma_wait3A_211 : memref<10000x128xf32, #tpu.memory_space<hbm>>) dst(%arg13 : memref<40x128xf32, #tpu.memory_space<vmem>>)
      %mul3A_212 = arith.constant 40 : i32
      %mul3A_213 = arith.muli %add3A_205, %mul3A_212 : i32
      %dma_start3A_214 = tpu.memref_slice %arg8[%mul3A_213] : memref<10000xi32, #tpu.memory_space<vmem>> -> memref<40xi32, #tpu.memory_space<vmem>>
      %dma_start3A_215 = arith.constant 0 : i32
      %dma_start3A_216 = arith.constant 0 : i32
      %dma_start3A_217 = tpu.memref_slice %arg14[%dma_start3A_215, %dma_start3A_216] : memref<10240x128xf32, #tpu.memory_space<vmem_shared>> -> memref<10240x128xf32, #tpu.memory_space<vmem_shared>>
      tpu.enqueue_indirect_dma source(%arg13 : memref<40x128xf32, #tpu.memory_space<vmem>>) target(%dma_start3A_217 : memref<10240x128xf32, #tpu.memory_space<vmem_shared>>) offsets(%dma_start3A_214 : memref<40xi32, #tpu.memory_space<vmem>>) semaphore(%arg24 : memref<!tpu.dma_semaphore, #tpu.memory_space<semaphore_mem>>) {add = true}
      %sub3A_218 = arith.constant 1 : i32
      %sub3A_219 = arith.subi %add3A_205, %sub3A_218 : i32
      %mul3A_220 = arith.constant 40 : i32
      %mul3A_221 = arith.muli %sub3A_219, %mul3A_220 : i32
      %dma_wait3A_222 = tpu.memref_slice %arg8[%mul3A_221] : memref<10000xi32, #tpu.memory_space<vmem>> -> memref<40xi32, #tpu.memory_space<vmem>>
      %dma_wait3A_223 = arith.constant 0 : i32
      %dma_wait3A_224 = arith.constant 0 : i32
      %dma_wait3A_225 = tpu.memref_slice %arg14[%dma_wait3A_223, %dma_wait3A_224] : memref<10240x128xf32, #tpu.memory_space<vmem_shared>> -> memref<10240x128xf32, #tpu.memory_space<vmem_shared>>
      tpu.wait_indirect_dma semaphore(%arg23 : memref<!tpu.dma_semaphore, #tpu.memory_space<semaphore_mem>>) src(%arg12 : memref<40x128xf32, #tpu.memory_space<vmem>>) dst(%dma_wait3A_225 : memref<10240x128xf32, #tpu.memory_space<vmem_shared>>)
      %add3A_226 = arith.constant 4 : i32
      %add3A_227 = arith.addi %add3A_205, %add3A_226 : i32
      %mul3A_228 = arith.constant 40 : i32
      %mul3A_229 = arith.muli %add3A_227, %mul3A_228 : i32
      %dma_start3A_230 = tpu.memref_slice %arg7[%mul3A_229] : memref<10000xi32, #tpu.memory_space<vmem>> -> memref<40xi32, #tpu.memory_space<vmem>>
      %dma_start3A_231 = arith.constant 0 : i32
      %dma_start3A_232 = arith.constant 0 : i32
      %dma_start3A_233 = tpu.memref_slice %arg2[%dma_start3A_231, %dma_start3A_232] : memref<10000x128xf32, #tpu.memory_space<hbm>> -> memref<10000x128xf32, #tpu.memory_space<hbm>>
      tpu.enqueue_indirect_dma source(%dma_start3A_233 : memref<10000x128xf32, #tpu.memory_space<hbm>>) target(%arg12 : memref<40x128xf32, #tpu.memory_space<vmem>>) offsets(%dma_start3A_230 : memref<40xi32, #tpu.memory_space<vmem>>) semaphore(%arg18 : memref<!tpu.dma_semaphore, #tpu.memory_space<semaphore_mem>>)
      %add3A_234 = arith.constant 4 : i32
      %add3A_235 = arith.addi %add3A_114, %add3A_234 : i32
      %mul3A_236 = arith.constant 40 : i32
      %mul3A_237 = arith.muli %add3A_235, %mul3A_236 : i32
      %dma_wait3A_238 = tpu.memref_slice %arg7[%mul3A_237] : memref<10000xi32, #tpu.memory_space<vmem>> -> memref<40xi32, #tpu.memory_space<vmem>>
      %dma_wait3A_239 = arith.constant 0 : i32
      %dma_wait3A_240 = arith.constant 0 : i32
      %dma_wait3A_241 = tpu.memref_slice %arg2[%dma_wait3A_239, %dma_wait3A_240] : memref<10000x128xf32, #tpu.memory_space<hbm>> -> memref<10000x128xf32, #tpu.memory_space<hbm>>
      tpu.wait_indirect_dma semaphore(%arg15 : memref<!tpu.dma_semaphore, #tpu.memory_space<semaphore_mem>>) src(%dma_wait3A_241 : memref<10000x128xf32, #tpu.memory_space<hbm>>) dst(%arg9 : memref<40x128xf32, #tpu.memory_space<vmem>>)
      %mul3A_242 = arith.constant 40 : i32
      %mul3A_243 = arith.muli %add3A_235, %mul3A_242 : i32
      %dma_start3A_244 = tpu.memref_slice %arg8[%mul3A_243] : memref<10000xi32, #tpu.memory_space<vmem>> -> memref<40xi32, #tpu.memory_space<vmem>>
      %dma_start3A_245 = arith.constant 0 : i32
      %dma_start3A_246 = arith.constant 0 : i32
      %dma_start3A_247 = tpu.memref_slice %arg14[%dma_start3A_245, %dma_start3A_246] : memref<10240x128xf32, #tpu.memory_space<vmem_shared>> -> memref<10240x128xf32, #tpu.memory_space<vmem_shared>>
      tpu.enqueue_indirect_dma source(%arg9 : memref<40x128xf32, #tpu.memory_space<vmem>>) target(%dma_start3A_247 : memref<10240x128xf32, #tpu.memory_space<vmem_shared>>) offsets(%dma_start3A_244 : memref<40xi32, #tpu.memory_space<vmem>>) semaphore(%arg20 : memref<!tpu.dma_semaphore, #tpu.memory_space<semaphore_mem>>) {add = true}
      %sub3A_248 = arith.constant 1 : i32
      %sub3A_249 = arith.subi %add3A_235, %sub3A_248 : i32
      %mul3A_250 = arith.constant 40 : i32
      %mul3A_251 = arith.muli %sub3A_249, %mul3A_250 : i32
      %dma_wait3A_252 = tpu.memref_slice %arg8[%mul3A_251] : memref<10000xi32, #tpu.memory_space<vmem>> -> memref<40xi32, #tpu.memory_space<vmem>>
      %dma_wait3A_253 = arith.constant 0 : i32
      %dma_wait3A_254 = arith.constant 0 : i32
      %dma_wait3A_255 = tpu.memref_slice %arg14[%dma_wait3A_253, %dma_wait3A_254] : memref<10240x128xf32, #tpu.memory_space<vmem_shared>> -> memref<10240x128xf32, #tpu.memory_space<vmem_shared>>
      tpu.wait_indirect_dma semaphore(%arg24 : memref<!tpu.dma_semaphore, #tpu.memory_space<semaphore_mem>>) src(%arg13 : memref<40x128xf32, #tpu.memory_space<vmem>>) dst(%dma_wait3A_255 : memref<10240x128xf32, #tpu.memory_space<vmem_shared>>)
      %add3A_256 = arith.constant 4 : i32
      %add3A_257 = arith.addi %add3A_235, %add3A_256 : i32
      %mul3A_258 = arith.constant 40 : i32
      %mul3A_259 = arith.muli %add3A_257, %mul3A_258 : i32
      %dma_start3A_260 = tpu.memref_slice %arg7[%mul3A_259] : memref<10000xi32, #tpu.memory_space<vmem>> -> memref<40xi32, #tpu.memory_space<vmem>>
      %dma_start3A_261 = arith.constant 0 : i32
      %dma_start3A_262 = arith.constant 0 : i32
      %dma_start3A_263 = tpu.memref_slice %arg2[%dma_start3A_261, %dma_start3A_262] : memref<10000x128xf32, #tpu.memory_space<hbm>> -> memref<10000x128xf32, #tpu.memory_space<hbm>>
      tpu.enqueue_indirect_dma source(%dma_start3A_263 : memref<10000x128xf32, #tpu.memory_space<hbm>>) target(%arg13 : memref<40x128xf32, #tpu.memory_space<vmem>>) offsets(%dma_start3A_260 : memref<40xi32, #tpu.memory_space<vmem>>) semaphore(%arg19 : memref<!tpu.dma_semaphore, #tpu.memory_space<semaphore_mem>>)
    }
    %scan3A_43 = arith.constant 49 : i32
    %dma_wait3A_44 = arith.constant 9840 : i32
    %dma_wait3A_45 = tpu.memref_slice %arg7[%dma_wait3A_44] : memref<10000xi32, #tpu.memory_space<vmem>> -> memref<40xi32, #tpu.memory_space<vmem>>
    %dma_wait3A_46 = arith.constant 0 : i32
    %dma_wait3A_47 = arith.constant 0 : i32
    %dma_wait3A_48 = tpu.memref_slice %arg2[%dma_wait3A_46, %dma_wait3A_47] : memref<10000x128xf32, #tpu.memory_space<hbm>> -> memref<10000x128xf32, #tpu.memory_space<hbm>>
    tpu.wait_indirect_dma semaphore(%arg16 : memref<!tpu.dma_semaphore, #tpu.memory_space<semaphore_mem>>) src(%dma_wait3A_48 : memref<10000x128xf32, #tpu.memory_space<hbm>>) dst(%arg10 : memref<40x128xf32, #tpu.memory_space<vmem>>)
    %dma_start3A_49 = arith.constant 9840 : i32
    %dma_start3A_50 = tpu.memref_slice %arg8[%dma_start3A_49] : memref<10000xi32, #tpu.memory_space<vmem>> -> memref<40xi32, #tpu.memory_space<vmem>>
    %dma_start3A_51 = arith.constant 0 : i32
    %dma_start3A_52 = arith.constant 0 : i32
    %dma_start3A_53 = tpu.memref_slice %arg14[%dma_start3A_51, %dma_start3A_52] : memref<10240x128xf32, #tpu.memory_space<vmem_shared>> -> memref<10240x128xf32, #tpu.memory_space<vmem_shared>>
    tpu.enqueue_indirect_dma source(%arg10 : memref<40x128xf32, #tpu.memory_space<vmem>>) target(%dma_start3A_53 : memref<10240x128xf32, #tpu.memory_space<vmem_shared>>) offsets(%dma_start3A_50 : memref<40xi32, #tpu.memory_space<vmem>>) semaphore(%arg21 : memref<!tpu.dma_semaphore, #tpu.memory_space<semaphore_mem>>) {add = true}
    %dma_wait3A_54 = arith.constant 9800 : i32
    %dma_wait3A_55 = tpu.memref_slice %arg8[%dma_wait3A_54] : memref<10000xi32, #tpu.memory_space<vmem>> -> memref<40xi32, #tpu.memory_space<vmem>>
    %dma_wait3A_56 = arith.constant 0 : i32
    %dma_wait3A_57 = arith.constant 0 : i32
    %dma_wait3A_58 = tpu.memref_slice %arg14[%dma_wait3A_56, %dma_wait3A_57] : memref<10240x128xf32, #tpu.memory_space<vmem_shared>> -> memref<10240x128xf32, #tpu.memory_space<vmem_shared>>
    tpu.wait_indirect_dma semaphore(%arg20 : memref<!tpu.dma_semaphore, #tpu.memory_space<semaphore_mem>>) src(%arg9 : memref<40x128xf32, #tpu.memory_space<vmem>>) dst(%dma_wait3A_58 : memref<10240x128xf32, #tpu.memory_space<vmem_shared>>)
    %dma_wait3A_59 = arith.constant 9880 : i32
    %dma_wait3A_60 = tpu.memref_slice %arg7[%dma_wait3A_59] : memref<10000xi32, #tpu.memory_space<vmem>> -> memref<40xi32, #tpu.memory_space<vmem>>
    %dma_wait3A_61 = arith.constant 0 : i32
    %dma_wait3A_62 = arith.constant 0 : i32
    %dma_wait3A_63 = tpu.memref_slice %arg2[%dma_wait3A_61, %dma_wait3A_62] : memref<10000x128xf32, #tpu.memory_space<hbm>> -> memref<10000x128xf32, #tpu.memory_space<hbm>>
    tpu.wait_indirect_dma semaphore(%arg17 : memref<!tpu.dma_semaphore, #tpu.memory_space<semaphore_mem>>) src(%dma_wait3A_63 : memref<10000x128xf32, #tpu.memory_space<hbm>>) dst(%arg11 : memref<40x128xf32, #tpu.memory_space<vmem>>)
    %dma_start3A_64 = arith.constant 9880 : i32
    %dma_start3A_65 = tpu.memref_slice %arg8[%dma_start3A_64] : memref<10000xi32, #tpu.memory_space<vmem>> -> memref<40xi32, #tpu.memory_space<vmem>>
    %dma_start3A_66 = arith.constant 0 : i32
    %dma_start3A_67 = arith.constant 0 : i32
    %dma_start3A_68 = tpu.memref_slice %arg14[%dma_start3A_66, %dma_start3A_67] : memref<10240x128xf32, #tpu.memory_space<vmem_shared>> -> memref<10240x128xf32, #tpu.memory_space<vmem_shared>>
    tpu.enqueue_indirect_dma source(%arg11 : memref<40x128xf32, #tpu.memory_space<vmem>>) target(%dma_start3A_68 : memref<10240x128xf32, #tpu.memory_space<vmem_shared>>) offsets(%dma_start3A_65 : memref<40xi32, #tpu.memory_space<vmem>>) semaphore(%arg22 : memref<!tpu.dma_semaphore, #tpu.memory_space<semaphore_mem>>) {add = true}
    %dma_wait3A_69 = arith.constant 9840 : i32
    %dma_wait3A_70 = tpu.memref_slice %arg8[%dma_wait3A_69] : memref<10000xi32, #tpu.memory_space<vmem>> -> memref<40xi32, #tpu.memory_space<vmem>>
    %dma_wait3A_71 = arith.constant 0 : i32
    %dma_wait3A_72 = arith.constant 0 : i32
    %dma_wait3A_73 = tpu.memref_slice %arg14[%dma_wait3A_71, %dma_wait3A_72] : memref<10240x128xf32, #tpu.memory_space<vmem_shared>> -> memref<10240x128xf32, #tpu.memory_space<vmem_shared>>
    tpu.wait_indirect_dma semaphore(%arg21 : memref<!tpu.dma_semaphore, #tpu.memory_space<semaphore_mem>>) src(%arg10 : memref<40x128xf32, #tpu.memory_space<vmem>>) dst(%dma_wait3A_73 : memref<10240x128xf32, #tpu.memory_space<vmem_shared>>)
    %dma_wait3A_74 = arith.constant 9920 : i32
    %dma_wait3A_75 = tpu.memref_slice %arg7[%dma_wait3A_74] : memref<10000xi32, #tpu.memory_space<vmem>> -> memref<40xi32, #tpu.memory_space<vmem>>
    %dma_wait3A_76 = arith.constant 0 : i32
    %dma_wait3A_77 = arith.constant 0 : i32
    %dma_wait3A_78 = tpu.memref_slice %arg2[%dma_wait3A_76, %dma_wait3A_77] : memref<10000x128xf32, #tpu.memory_space<hbm>> -> memref<10000x128xf32, #tpu.memory_space<hbm>>
    tpu.wait_indirect_dma semaphore(%arg18 : memref<!tpu.dma_semaphore, #tpu.memory_space<semaphore_mem>>) src(%dma_wait3A_78 : memref<10000x128xf32, #tpu.memory_space<hbm>>) dst(%arg12 : memref<40x128xf32, #tpu.memory_space<vmem>>)
    %dma_start3A_79 = arith.constant 9920 : i32
    %dma_start3A_80 = tpu.memref_slice %arg8[%dma_start3A_79] : memref<10000xi32, #tpu.memory_space<vmem>> -> memref<40xi32, #tpu.memory_space<vmem>>
    %dma_start3A_81 = arith.constant 0 : i32
    %dma_start3A_82 = arith.constant 0 : i32
    %dma_start3A_83 = tpu.memref_slice %arg14[%dma_start3A_81, %dma_start3A_82] : memref<10240x128xf32, #tpu.memory_space<vmem_shared>> -> memref<10240x128xf32, #tpu.memory_space<vmem_shared>>
    tpu.enqueue_indirect_dma source(%arg12 : memref<40x128xf32, #tpu.memory_space<vmem>>) target(%dma_start3A_83 : memref<10240x128xf32, #tpu.memory_space<vmem_shared>>) offsets(%dma_start3A_80 : memref<40xi32, #tpu.memory_space<vmem>>) semaphore(%arg23 : memref<!tpu.dma_semaphore, #tpu.memory_space<semaphore_mem>>) {add = true}
    %dma_wait3A_84 = arith.constant 9880 : i32
    %dma_wait3A_85 = tpu.memref_slice %arg8[%dma_wait3A_84] : memref<10000xi32, #tpu.memory_space<vmem>> -> memref<40xi32, #tpu.memory_space<vmem>>
    %dma_wait3A_86 = arith.constant 0 : i32
    %dma_wait3A_87 = arith.constant 0 : i32
    %dma_wait3A_88 = tpu.memref_slice %arg14[%dma_wait3A_86, %dma_wait3A_87] : memref<10240x128xf32, #tpu.memory_space<vmem_shared>> -> memref<10240x128xf32, #tpu.memory_space<vmem_shared>>
    tpu.wait_indirect_dma semaphore(%arg22 : memref<!tpu.dma_semaphore, #tpu.memory_space<semaphore_mem>>) src(%arg11 : memref<40x128xf32, #tpu.memory_space<vmem>>) dst(%dma_wait3A_88 : memref<10240x128xf32, #tpu.memory_space<vmem_shared>>)
    %dma_wait3A_89 = arith.constant 9960 : i32
    %dma_wait3A_90 = tpu.memref_slice %arg7[%dma_wait3A_89] : memref<10000xi32, #tpu.memory_space<vmem>> -> memref<40xi32, #tpu.memory_space<vmem>>
    %dma_wait3A_91 = arith.constant 0 : i32
    %dma_wait3A_92 = arith.constant 0 : i32
    %dma_wait3A_93 = tpu.memref_slice %arg2[%dma_wait3A_91, %dma_wait3A_92] : memref<10000x128xf32, #tpu.memory_space<hbm>> -> memref<10000x128xf32, #tpu.memory_space<hbm>>
    tpu.wait_indirect_dma semaphore(%arg19 : memref<!tpu.dma_semaphore, #tpu.memory_space<semaphore_mem>>) src(%dma_wait3A_93 : memref<10000x128xf32, #tpu.memory_space<hbm>>) dst(%arg13 : memref<40x128xf32, #tpu.memory_space<vmem>>)
    %dma_start3A_94 = arith.constant 9960 : i32
    %dma_start3A_95 = tpu.memref_slice %arg8[%dma_start3A_94] : memref<10000xi32, #tpu.memory_space<vmem>> -> memref<40xi32, #tpu.memory_space<vmem>>
    %dma_start3A_96 = arith.constant 0 : i32
    %dma_start3A_97 = arith.constant 0 : i32
    %dma_start3A_98 = tpu.memref_slice %arg14[%dma_start3A_96, %dma_start3A_97] : memref<10240x128xf32, #tpu.memory_space<vmem_shared>> -> memref<10240x128xf32, #tpu.memory_space<vmem_shared>>
    tpu.enqueue_indirect_dma source(%arg13 : memref<40x128xf32, #tpu.memory_space<vmem>>) target(%dma_start3A_98 : memref<10240x128xf32, #tpu.memory_space<vmem_shared>>) offsets(%dma_start3A_95 : memref<40xi32, #tpu.memory_space<vmem>>) semaphore(%arg24 : memref<!tpu.dma_semaphore, #tpu.memory_space<semaphore_mem>>) {add = true}
    %dma_wait3A_99 = arith.constant 9920 : i32
    %dma_wait3A_100 = tpu.memref_slice %arg8[%dma_wait3A_99] : memref<10000xi32, #tpu.memory_space<vmem>> -> memref<40xi32, #tpu.memory_space<vmem>>
    %dma_wait3A_101 = arith.constant 0 : i32
    %dma_wait3A_102 = arith.constant 0 : i32
    %dma_wait3A_103 = tpu.memref_slice %arg14[%dma_wait3A_101, %dma_wait3A_102] : memref<10240x128xf32, #tpu.memory_space<vmem_shared>> -> memref<10240x128xf32, #tpu.memory_space<vmem_shared>>
    tpu.wait_indirect_dma semaphore(%arg23 : memref<!tpu.dma_semaphore, #tpu.memory_space<semaphore_mem>>) src(%arg12 : memref<40x128xf32, #tpu.memory_space<vmem>>) dst(%dma_wait3A_103 : memref<10240x128xf32, #tpu.memory_space<vmem_shared>>)
    %dma_wait3A_104 = arith.constant 9960 : i32
    %dma_wait3A_105 = tpu.memref_slice %arg8[%dma_wait3A_104] : memref<10000xi32, #tpu.memory_space<vmem>> -> memref<40xi32, #tpu.memory_space<vmem>>
    %dma_wait3A_106 = arith.constant 0 : i32
    %dma_wait3A_107 = arith.constant 0 : i32
    %dma_wait3A_108 = tpu.memref_slice %arg14[%dma_wait3A_106, %dma_wait3A_107] : memref<10240x128xf32, #tpu.memory_space<vmem_shared>> -> memref<10240x128xf32, #tpu.memory_space<vmem_shared>>
    tpu.wait_indirect_dma semaphore(%arg24 : memref<!tpu.dma_semaphore, #tpu.memory_space<semaphore_mem>>) src(%arg13 : memref<40x128xf32, #tpu.memory_space<vmem>>) dst(%dma_wait3A_108 : memref<10240x128xf32, #tpu.memory_space<vmem_shared>>)
    %barrier3A_109 = arith.constant 0 : index
    tpu.barrier barrier_id(%barrier3A_109)
    "tpu.region"() ({
      %run_scoped3A = tpu.sem_alloc : memref<!tpu.dma_semaphore, #tpu.memory_space<semaphore_mem>>
      %dma_start3A_110 = arith.constant 0 : i32
      %dma_start3A_111 = tpu.memref_slice %arg6[%arg0, %mul3A_0, %dma_start3A_110] : memref<2x10240x128xf32, #tpu.memory_space<hbm>> -> memref<1x640x128xf32, #tpu.memory_space<hbm>>
      %dma_start3A_112 = tpu.memref_squeeze %dma_start3A_111 : memref<1x640x128xf32, #tpu.memory_space<hbm>> -> memref<640x128xf32, #tpu.memory_space<hbm>>
      %dma_start3A_113 = arith.constant 0 : i32
      %dma_start3A_114 = tpu.memref_slice %arg14[%mul3A_0, %dma_start3A_113] : memref<10240x128xf32, #tpu.memory_space<vmem_shared>> -> memref<640x128xf32, #tpu.memory_space<vmem_shared>>
      tpu.enqueue_dma source(%dma_start3A_114 : memref<640x128xf32, #tpu.memory_space<vmem_shared>>) target(%dma_start3A_112 : memref<640x128xf32, #tpu.memory_space<hbm>>) target_semaphore(%run_scoped3A : memref<!tpu.dma_semaphore, #tpu.memory_space<semaphore_mem>>)
      %dma_wait3A_115 = arith.constant 0 : i32
      %dma_wait3A_116 = tpu.memref_slice %arg6[%arg0, %mul3A_0, %dma_wait3A_115] : memref<2x10240x128xf32, #tpu.memory_space<hbm>> -> memref<1x640x128xf32, #tpu.memory_space<hbm>>
      %dma_wait3A_117 = tpu.memref_squeeze %dma_wait3A_116 : memref<1x640x128xf32, #tpu.memory_space<hbm>> -> memref<640x128xf32, #tpu.memory_space<hbm>>
      %dma_wait3A_118 = arith.constant 0 : i32
      %dma_wait3A_119 = tpu.memref_slice %arg14[%mul3A_0, %dma_wait3A_118] : memref<10240x128xf32, #tpu.memory_space<vmem_shared>> -> memref<640x128xf32, #tpu.memory_space<vmem_shared>>
      tpu.wait_dma2 semaphore(%run_scoped3A : memref<!tpu.dma_semaphore, #tpu.memory_space<semaphore_mem>>) src(%dma_wait3A_119 : memref<640x128xf32, #tpu.memory_space<vmem_shared>>) dst(%dma_wait3A_117 : memref<640x128xf32, #tpu.memory_space<hbm>>)
      tpu.yield
    }) : () -> ()
    return
  }
}

#map = affine_map<(d0, d1) -> (0, 0)>
#map1 = affine_map<(d0, d1) -> (0)>
#map2 = affine_map<(d0, d1) -> (0, 0, 0)>
module attributes {stable_mosaic.version = 14 : i64} {
  func.func @_sc_agg_body(%arg0: i32, %arg1: i32, %arg2: memref<10000x128xf32, #tpu.memory_space<hbm>>, %arg3: memref<320000xi32, #tpu.memory_space<hbm>>, %arg4: memref<320000xi32, #tpu.memory_space<hbm>>, %arg5: memref<10240x128xf32, #tpu.memory_space<hbm>>, %arg6: memref<2x10240x128xf32, #tpu.memory_space<hbm>>, %arg7: memref<10000xi32, #tpu.memory_space<vmem>>, %arg8: memref<10000xi32, #tpu.memory_space<vmem>>, %arg9: memref<40x128xf32, #tpu.memory_space<vmem>>, %arg10: memref<40x128xf32, #tpu.memory_space<vmem>>, %arg11: memref<40x128xf32, #tpu.memory_space<vmem>>, %arg12: memref<40x128xf32, #tpu.memory_space<vmem>>, %arg13: memref<40x128xf32, #tpu.memory_space<vmem>>, %arg14: memref<10240x128xf32, #tpu.memory_space<vmem_shared>>, %arg15: memref<!tpu.dma_semaphore, #tpu.memory_space<semaphore_mem>>, %arg16: memref<!tpu.dma_semaphore, #tpu.memory_space<semaphore_mem>>, %arg17: memref<!tpu.dma_semaphore, #tpu.memory_space<semaphore_mem>>, %arg18: memref<!tpu.dma_semaphore, #tpu.memory_space<semaphore_mem>>, %arg19: memref<!tpu.dma_semaphore, #tpu.memory_space<semaphore_mem>>, %arg20: memref<!tpu.dma_semaphore, #tpu.memory_space<semaphore_mem>>, %arg21: memref<!tpu.dma_semaphore, #tpu.memory_space<semaphore_mem>>, %arg22: memref<!tpu.dma_semaphore, #tpu.memory_space<semaphore_mem>>, %arg23: memref<!tpu.dma_semaphore, #tpu.memory_space<semaphore_mem>>, %arg24: memref<!tpu.dma_semaphore, #tpu.memory_space<semaphore_mem>>) attributes {dimension_semantics = [#tpu.dimension_semantics<core_parallel>, #tpu.dimension_semantics<subcore_parallel>], iteration_bounds = array<i64: 2, 16>, scalar_prefetch = 0 : i64, scratch_operands = 18 : i64, tpu.core_type = #tpu.core_type<sc_vector_subcore>, window_params = [{transform_indices = #map}, {transform_indices = #map1}, {transform_indices = #map1}, {transform_indices = #map}, {transform_indices = #map2}]} {
    %mul3A = arith.constant 640 : i32
    %mul3A_0 = arith.muli %arg1, %mul3A : i32
    %mul3A_1 = arith.constant 2 : i32
    %mul3A_2 = arith.muli %arg1, %mul3A_1 : i32
    %add3A = arith.addi %mul3A_2, %arg0 : i32
    %mul3A_3 = arith.constant 10000 : i32
    %mul3A_4 = arith.muli %add3A, %mul3A_3 : i32
    "tpu.region"() ({
      %run_scoped3A = tpu.sem_alloc : memref<!tpu.dma_semaphore, #tpu.memory_space<semaphore_mem>>
      %dma_start3A_110 = tpu.memref_slice %arg3[%mul3A_4] : memref<320000xi32, #tpu.memory_space<hbm>> -> memref<10000xi32, #tpu.memory_space<hbm>>
      %dma_start3A_111 = tpu.memref_slice %arg3[%mul3A_4] : memref<320000xi32, #tpu.memory_space<hbm>> -> memref<10000xi32, #tpu.memory_space<hbm>>
      tpu.enqueue_dma source(%dma_start3A_111 : memref<10000xi32, #tpu.memory_space<hbm>>) target(%arg7 : memref<10000xi32, #tpu.memory_space<vmem>>) target_semaphore(%run_scoped3A : memref<!tpu.dma_semaphore, #tpu.memory_space<semaphore_mem>>)
      %dma_wait3A_112 = tpu.memref_slice %arg3[%mul3A_4] : memref<320000xi32, #tpu.memory_space<hbm>> -> memref<10000xi32, #tpu.memory_space<hbm>>
      %dma_wait3A_113 = tpu.memref_slice %arg3[%mul3A_4] : memref<320000xi32, #tpu.memory_space<hbm>> -> memref<10000xi32, #tpu.memory_space<hbm>>
      tpu.wait_dma2 semaphore(%run_scoped3A : memref<!tpu.dma_semaphore, #tpu.memory_space<semaphore_mem>>) src(%dma_wait3A_113 : memref<10000xi32, #tpu.memory_space<hbm>>) dst(%arg7 : memref<10000xi32, #tpu.memory_space<vmem>>)
      tpu.yield
    }) : () -> ()
    %mul3A_5 = arith.constant 10000 : i32
    %mul3A_6 = arith.muli %add3A, %mul3A_5 : i32
    "tpu.region"() ({
      %run_scoped3A = tpu.sem_alloc : memref<!tpu.dma_semaphore, #tpu.memory_space<semaphore_mem>>
      %dma_start3A_110 = tpu.memref_slice %arg4[%mul3A_6] : memref<320000xi32, #tpu.memory_space<hbm>> -> memref<10000xi32, #tpu.memory_space<hbm>>
      %dma_start3A_111 = tpu.memref_slice %arg4[%mul3A_6] : memref<320000xi32, #tpu.memory_space<hbm>> -> memref<10000xi32, #tpu.memory_space<hbm>>
      tpu.enqueue_dma source(%dma_start3A_111 : memref<10000xi32, #tpu.memory_space<hbm>>) target(%arg8 : memref<10000xi32, #tpu.memory_space<vmem>>) target_semaphore(%run_scoped3A : memref<!tpu.dma_semaphore, #tpu.memory_space<semaphore_mem>>)
      %dma_wait3A_112 = tpu.memref_slice %arg4[%mul3A_6] : memref<320000xi32, #tpu.memory_space<hbm>> -> memref<10000xi32, #tpu.memory_space<hbm>>
      %dma_wait3A_113 = tpu.memref_slice %arg4[%mul3A_6] : memref<320000xi32, #tpu.memory_space<hbm>> -> memref<10000xi32, #tpu.memory_space<hbm>>
      tpu.wait_dma2 semaphore(%run_scoped3A : memref<!tpu.dma_semaphore, #tpu.memory_space<semaphore_mem>>) src(%dma_wait3A_113 : memref<10000xi32, #tpu.memory_space<hbm>>) dst(%arg8 : memref<10000xi32, #tpu.memory_space<vmem>>)
      tpu.yield
    }) : () -> ()
    %dma_start3A = arith.constant 0 : i32
    %dma_start3A_7 = tpu.memref_slice %arg7[%dma_start3A] : memref<10000xi32, #tpu.memory_space<vmem>> -> memref<40xi32, #tpu.memory_space<vmem>>
    %dma_start3A_8 = arith.constant 0 : i32
    %dma_start3A_9 = arith.constant 0 : i32
    %dma_start3A_10 = tpu.memref_slice %arg2[%dma_start3A_8, %dma_start3A_9] : memref<10000x128xf32, #tpu.memory_space<hbm>> -> memref<10000x128xf32, #tpu.memory_space<hbm>>
    tpu.enqueue_indirect_dma source(%dma_start3A_10 : memref<10000x128xf32, #tpu.memory_space<hbm>>) target(%arg9 : memref<40x128xf32, #tpu.memory_space<vmem>>) offsets(%dma_start3A_7 : memref<40xi32, #tpu.memory_space<vmem>>) semaphore(%arg15 : memref<!tpu.dma_semaphore, #tpu.memory_space<semaphore_mem>>)
    %dma_start3A_11 = arith.constant 40 : i32
    %dma_start3A_12 = tpu.memref_slice %arg7[%dma_start3A_11] : memref<10000xi32, #tpu.memory_space<vmem>> -> memref<40xi32, #tpu.memory_space<vmem>>
    %dma_start3A_13 = arith.constant 0 : i32
    %dma_start3A_14 = arith.constant 0 : i32
    %dma_start3A_15 = tpu.memref_slice %arg2[%dma_start3A_13, %dma_start3A_14] : memref<10000x128xf32, #tpu.memory_space<hbm>> -> memref<10000x128xf32, #tpu.memory_space<hbm>>
    tpu.enqueue_indirect_dma source(%dma_start3A_15 : memref<10000x128xf32, #tpu.memory_space<hbm>>) target(%arg10 : memref<40x128xf32, #tpu.memory_space<vmem>>) offsets(%dma_start3A_12 : memref<40xi32, #tpu.memory_space<vmem>>) semaphore(%arg16 : memref<!tpu.dma_semaphore, #tpu.memory_space<semaphore_mem>>)
    %dma_start3A_16 = arith.constant 80 : i32
    %dma_start3A_17 = tpu.memref_slice %arg7[%dma_start3A_16] : memref<10000xi32, #tpu.memory_space<vmem>> -> memref<40xi32, #tpu.memory_space<vmem>>
    %dma_start3A_18 = arith.constant 0 : i32
    %dma_start3A_19 = arith.constant 0 : i32
    %dma_start3A_20 = tpu.memref_slice %arg2[%dma_start3A_18, %dma_start3A_19] : memref<10000x128xf32, #tpu.memory_space<hbm>> -> memref<10000x128xf32, #tpu.memory_space<hbm>>
    tpu.enqueue_indirect_dma source(%dma_start3A_20 : memref<10000x128xf32, #tpu.memory_space<hbm>>) target(%arg11 : memref<40x128xf32, #tpu.memory_space<vmem>>) offsets(%dma_start3A_17 : memref<40xi32, #tpu.memory_space<vmem>>) semaphore(%arg17 : memref<!tpu.dma_semaphore, #tpu.memory_space<semaphore_mem>>)
    %dma_start3A_21 = arith.constant 120 : i32
    %dma_start3A_22 = tpu.memref_slice %arg7[%dma_start3A_21] : memref<10000xi32, #tpu.memory_space<vmem>> -> memref<40xi32, #tpu.memory_space<vmem>>
    %dma_start3A_23 = arith.constant 0 : i32
    %dma_start3A_24 = arith.constant 0 : i32
    %dma_start3A_25 = tpu.memref_slice %arg2[%dma_start3A_23, %dma_start3A_24] : memref<10000x128xf32, #tpu.memory_space<hbm>> -> memref<10000x128xf32, #tpu.memory_space<hbm>>
    tpu.enqueue_indirect_dma source(%dma_start3A_25 : memref<10000x128xf32, #tpu.memory_space<hbm>>) target(%arg12 : memref<40x128xf32, #tpu.memory_space<vmem>>) offsets(%dma_start3A_22 : memref<40xi32, #tpu.memory_space<vmem>>) semaphore(%arg18 : memref<!tpu.dma_semaphore, #tpu.memory_space<semaphore_mem>>)
    "tpu.region"() ({
      %run_scoped3A = tpu.sem_alloc : memref<!tpu.dma_semaphore, #tpu.memory_space<semaphore_mem>>
      %dma_start3A_110 = arith.constant 0 : i32
      %dma_start3A_111 = tpu.memref_slice %arg14[%mul3A_0, %dma_start3A_110] : memref<10240x128xf32, #tpu.memory_space<vmem_shared>> -> memref<640x128xf32, #tpu.memory_space<vmem_shared>>
      %dma_start3A_112 = arith.constant 0 : i32
      %dma_start3A_113 = tpu.memref_slice %arg5[%mul3A_0, %dma_start3A_112] : memref<10240x128xf32, #tpu.memory_space<hbm>> -> memref<640x128xf32, #tpu.memory_space<hbm>>
      tpu.enqueue_dma source(%dma_start3A_113 : memref<640x128xf32, #tpu.memory_space<hbm>>) target(%dma_start3A_111 : memref<640x128xf32, #tpu.memory_space<vmem_shared>>) target_semaphore(%run_scoped3A : memref<!tpu.dma_semaphore, #tpu.memory_space<semaphore_mem>>)
      %dma_wait3A_114 = arith.constant 0 : i32
      %dma_wait3A_115 = tpu.memref_slice %arg14[%mul3A_0, %dma_wait3A_114] : memref<10240x128xf32, #tpu.memory_space<vmem_shared>> -> memref<640x128xf32, #tpu.memory_space<vmem_shared>>
      %dma_wait3A_116 = arith.constant 0 : i32
      %dma_wait3A_117 = tpu.memref_slice %arg5[%mul3A_0, %dma_wait3A_116] : memref<10240x128xf32, #tpu.memory_space<hbm>> -> memref<640x128xf32, #tpu.memory_space<hbm>>
      tpu.wait_dma2 semaphore(%run_scoped3A : memref<!tpu.dma_semaphore, #tpu.memory_space<semaphore_mem>>) src(%dma_wait3A_117 : memref<640x128xf32, #tpu.memory_space<hbm>>) dst(%dma_wait3A_115 : memref<640x128xf32, #tpu.memory_space<vmem_shared>>)
      tpu.yield
    }) : () -> ()
    %barrier3A = arith.constant 0 : index
    tpu.barrier barrier_id(%barrier3A)
    %dma_wait3A = arith.constant 0 : i32
    %dma_wait3A_26 = tpu.memref_slice %arg7[%dma_wait3A] : memref<10000xi32, #tpu.memory_space<vmem>> -> memref<40xi32, #tpu.memory_space<vmem>>
    %dma_wait3A_27 = arith.constant 0 : i32
    %dma_wait3A_28 = arith.constant 0 : i32
    %dma_wait3A_29 = tpu.memref_slice %arg2[%dma_wait3A_27, %dma_wait3A_28] : memref<10000x128xf32, #tpu.memory_space<hbm>> -> memref<10000x128xf32, #tpu.memory_space<hbm>>
    tpu.wait_indirect_dma semaphore(%arg15 : memref<!tpu.dma_semaphore, #tpu.memory_space<semaphore_mem>>) src(%dma_wait3A_29 : memref<10000x128xf32, #tpu.memory_space<hbm>>) dst(%arg9 : memref<40x128xf32, #tpu.memory_space<vmem>>)
    %dma_start3A_30 = arith.constant 0 : i32
    %dma_start3A_31 = tpu.memref_slice %arg8[%dma_start3A_30] : memref<10000xi32, #tpu.memory_space<vmem>> -> memref<40xi32, #tpu.memory_space<vmem>>
    %dma_start3A_32 = arith.constant 0 : i32
    %dma_start3A_33 = arith.constant 0 : i32
    %dma_start3A_34 = tpu.memref_slice %arg14[%dma_start3A_32, %dma_start3A_33] : memref<10240x128xf32, #tpu.memory_space<vmem_shared>> -> memref<10240x128xf32, #tpu.memory_space<vmem_shared>>
    tpu.enqueue_indirect_dma source(%arg9 : memref<40x128xf32, #tpu.memory_space<vmem>>) target(%dma_start3A_34 : memref<10240x128xf32, #tpu.memory_space<vmem_shared>>) offsets(%dma_start3A_31 : memref<40xi32, #tpu.memory_space<vmem>>) semaphore(%arg20 : memref<!tpu.dma_semaphore, #tpu.memory_space<semaphore_mem>>) {add = true}
    %dma_start3A_35 = arith.constant 160 : i32
    %dma_start3A_36 = tpu.memref_slice %arg7[%dma_start3A_35] : memref<10000xi32, #tpu.memory_space<vmem>> -> memref<40xi32, #tpu.memory_space<vmem>>
    %dma_start3A_37 = arith.constant 0 : i32
    %dma_start3A_38 = arith.constant 0 : i32
    %dma_start3A_39 = tpu.memref_slice %arg2[%dma_start3A_37, %dma_start3A_38] : memref<10000x128xf32, #tpu.memory_space<hbm>> -> memref<10000x128xf32, #tpu.memory_space<hbm>>
    tpu.enqueue_indirect_dma source(%dma_start3A_39 : memref<10000x128xf32, #tpu.memory_space<hbm>>) target(%arg13 : memref<40x128xf32, #tpu.memory_space<vmem>>) offsets(%dma_start3A_36 : memref<40xi32, #tpu.memory_space<vmem>>) semaphore(%arg19 : memref<!tpu.dma_semaphore, #tpu.memory_space<semaphore_mem>>)
    %scan3A = arith.constant 0 : i32
    %scan3A_40 = arith.constant 49 : i32
    %scan3A_41 = arith.addi %scan3A, %scan3A_40 : i32
    %scan3A_42 = arith.constant 1 : i32
    scf.for %scan3A_110 = %scan3A to %scan3A_41 step %scan3A_42  : i32 {
      %mul3A_111 = arith.constant 5 : i32
      %mul3A_112 = arith.muli %scan3A_110, %mul3A_111 : i32
      %add3A_113 = arith.constant 1 : i32
      %add3A_114 = arith.addi %add3A_113, %mul3A_112 : i32
      %add3A_115 = arith.constant 0 : i32
      %add3A_116 = arith.addi %add3A_114, %add3A_115 : i32
      %mul3A_117 = arith.constant 40 : i32
      %mul3A_118 = arith.muli %add3A_116, %mul3A_117 : i32
      %dma_wait3A_119 = tpu.memref_slice %arg7[%mul3A_118] : memref<10000xi32, #tpu.memory_space<vmem>> -> memref<40xi32, #tpu.memory_space<vmem>>
      %dma_wait3A_120 = arith.constant 0 : i32
      %dma_wait3A_121 = arith.constant 0 : i32
      %dma_wait3A_122 = tpu.memref_slice %arg2[%dma_wait3A_120, %dma_wait3A_121] : memref<10000x128xf32, #tpu.memory_space<hbm>> -> memref<10000x128xf32, #tpu.memory_space<hbm>>
      tpu.wait_indirect_dma semaphore(%arg16 : memref<!tpu.dma_semaphore, #tpu.memory_space<semaphore_mem>>) src(%dma_wait3A_122 : memref<10000x128xf32, #tpu.memory_space<hbm>>) dst(%arg10 : memref<40x128xf32, #tpu.memory_space<vmem>>)
      %mul3A_123 = arith.constant 40 : i32
      %mul3A_124 = arith.muli %add3A_116, %mul3A_123 : i32
      %dma_start3A_125 = tpu.memref_slice %arg8[%mul3A_124] : memref<10000xi32, #tpu.memory_space<vmem>> -> memref<40xi32, #tpu.memory_space<vmem>>
      %dma_start3A_126 = arith.constant 0 : i32
      %dma_start3A_127 = arith.constant 0 : i32
      %dma_start3A_128 = tpu.memref_slice %arg14[%dma_start3A_126, %dma_start3A_127] : memref<10240x128xf32, #tpu.memory_space<vmem_shared>> -> memref<10240x128xf32, #tpu.memory_space<vmem_shared>>
      tpu.enqueue_indirect_dma source(%arg10 : memref<40x128xf32, #tpu.memory_space<vmem>>) target(%dma_start3A_128 : memref<10240x128xf32, #tpu.memory_space<vmem_shared>>) offsets(%dma_start3A_125 : memref<40xi32, #tpu.memory_space<vmem>>) semaphore(%arg21 : memref<!tpu.dma_semaphore, #tpu.memory_space<semaphore_mem>>) {add = true}
      %sub3A = arith.constant 1 : i32
      %sub3A_129 = arith.subi %add3A_116, %sub3A : i32
      %mul3A_130 = arith.constant 40 : i32
      %mul3A_131 = arith.muli %sub3A_129, %mul3A_130 : i32
      %dma_wait3A_132 = tpu.memref_slice %arg8[%mul3A_131] : memref<10000xi32, #tpu.memory_space<vmem>> -> memref<40xi32, #tpu.memory_space<vmem>>
      %dma_wait3A_133 = arith.constant 0 : i32
      %dma_wait3A_134 = arith.constant 0 : i32
      %dma_wait3A_135 = tpu.memref_slice %arg14[%dma_wait3A_133, %dma_wait3A_134] : memref<10240x128xf32, #tpu.memory_space<vmem_shared>> -> memref<10240x128xf32, #tpu.memory_space<vmem_shared>>
      tpu.wait_indirect_dma semaphore(%arg20 : memref<!tpu.dma_semaphore, #tpu.memory_space<semaphore_mem>>) src(%arg9 : memref<40x128xf32, #tpu.memory_space<vmem>>) dst(%dma_wait3A_135 : memref<10240x128xf32, #tpu.memory_space<vmem_shared>>)
      %add3A_136 = arith.constant 4 : i32
      %add3A_137 = arith.addi %add3A_116, %add3A_136 : i32
      %mul3A_138 = arith.constant 40 : i32
      %mul3A_139 = arith.muli %add3A_137, %mul3A_138 : i32
      %dma_start3A_140 = tpu.memref_slice %arg7[%mul3A_139] : memref<10000xi32, #tpu.memory_space<vmem>> -> memref<40xi32, #tpu.memory_space<vmem>>
      %dma_start3A_141 = arith.constant 0 : i32
      %dma_start3A_142 = arith.constant 0 : i32
      %dma_start3A_143 = tpu.memref_slice %arg2[%dma_start3A_141, %dma_start3A_142] : memref<10000x128xf32, #tpu.memory_space<hbm>> -> memref<10000x128xf32, #tpu.memory_space<hbm>>
      tpu.enqueue_indirect_dma source(%dma_start3A_143 : memref<10000x128xf32, #tpu.memory_space<hbm>>) target(%arg9 : memref<40x128xf32, #tpu.memory_space<vmem>>) offsets(%dma_start3A_140 : memref<40xi32, #tpu.memory_space<vmem>>) semaphore(%arg15 : memref<!tpu.dma_semaphore, #tpu.memory_space<semaphore_mem>>)
      %add3A_144 = arith.constant 1 : i32
      %add3A_145 = arith.addi %add3A_114, %add3A_144 : i32
      %mul3A_146 = arith.constant 40 : i32
      %mul3A_147 = arith.muli %add3A_145, %mul3A_146 : i32
      %dma_wait3A_148 = tpu.memref_slice %arg7[%mul3A_147] : memref<10000xi32, #tpu.memory_space<vmem>> -> memref<40xi32, #tpu.memory_space<vmem>>
      %dma_wait3A_149 = arith.constant 0 : i32
      %dma_wait3A_150 = arith.constant 0 : i32
      %dma_wait3A_151 = tpu.memref_slice %arg2[%dma_wait3A_149, %dma_wait3A_150] : memref<10000x128xf32, #tpu.memory_space<hbm>> -> memref<10000x128xf32, #tpu.memory_space<hbm>>
      tpu.wait_indirect_dma semaphore(%arg17 : memref<!tpu.dma_semaphore, #tpu.memory_space<semaphore_mem>>) src(%dma_wait3A_151 : memref<10000x128xf32, #tpu.memory_space<hbm>>) dst(%arg11 : memref<40x128xf32, #tpu.memory_space<vmem>>)
      %mul3A_152 = arith.constant 40 : i32
      %mul3A_153 = arith.muli %add3A_145, %mul3A_152 : i32
      %dma_start3A_154 = tpu.memref_slice %arg8[%mul3A_153] : memref<10000xi32, #tpu.memory_space<vmem>> -> memref<40xi32, #tpu.memory_space<vmem>>
      %dma_start3A_155 = arith.constant 0 : i32
      %dma_start3A_156 = arith.constant 0 : i32
      %dma_start3A_157 = tpu.memref_slice %arg14[%dma_start3A_155, %dma_start3A_156] : memref<10240x128xf32, #tpu.memory_space<vmem_shared>> -> memref<10240x128xf32, #tpu.memory_space<vmem_shared>>
      tpu.enqueue_indirect_dma source(%arg11 : memref<40x128xf32, #tpu.memory_space<vmem>>) target(%dma_start3A_157 : memref<10240x128xf32, #tpu.memory_space<vmem_shared>>) offsets(%dma_start3A_154 : memref<40xi32, #tpu.memory_space<vmem>>) semaphore(%arg22 : memref<!tpu.dma_semaphore, #tpu.memory_space<semaphore_mem>>) {add = true}
      %sub3A_158 = arith.constant 1 : i32
      %sub3A_159 = arith.subi %add3A_145, %sub3A_158 : i32
      %mul3A_160 = arith.constant 40 : i32
      %mul3A_161 = arith.muli %sub3A_159, %mul3A_160 : i32
      %dma_wait3A_162 = tpu.memref_slice %arg8[%mul3A_161] : memref<10000xi32, #tpu.memory_space<vmem>> -> memref<40xi32, #tpu.memory_space<vmem>>
      %dma_wait3A_163 = arith.constant 0 : i32
      %dma_wait3A_164 = arith.constant 0 : i32
      %dma_wait3A_165 = tpu.memref_slice %arg14[%dma_wait3A_163, %dma_wait3A_164] : memref<10240x128xf32, #tpu.memory_space<vmem_shared>> -> memref<10240x128xf32, #tpu.memory_space<vmem_shared>>
      tpu.wait_indirect_dma semaphore(%arg21 : memref<!tpu.dma_semaphore, #tpu.memory_space<semaphore_mem>>) src(%arg10 : memref<40x128xf32, #tpu.memory_space<vmem>>) dst(%dma_wait3A_165 : memref<10240x128xf32, #tpu.memory_space<vmem_shared>>)
      %add3A_166 = arith.constant 4 : i32
      %add3A_167 = arith.addi %add3A_145, %add3A_166 : i32
      %mul3A_168 = arith.constant 40 : i32
      %mul3A_169 = arith.muli %add3A_167, %mul3A_168 : i32
      %dma_start3A_170 = tpu.memref_slice %arg7[%mul3A_169] : memref<10000xi32, #tpu.memory_space<vmem>> -> memref<40xi32, #tpu.memory_space<vmem>>
      %dma_start3A_171 = arith.constant 0 : i32
      %dma_start3A_172 = arith.constant 0 : i32
      %dma_start3A_173 = tpu.memref_slice %arg2[%dma_start3A_171, %dma_start3A_172] : memref<10000x128xf32, #tpu.memory_space<hbm>> -> memref<10000x128xf32, #tpu.memory_space<hbm>>
      tpu.enqueue_indirect_dma source(%dma_start3A_173 : memref<10000x128xf32, #tpu.memory_space<hbm>>) target(%arg10 : memref<40x128xf32, #tpu.memory_space<vmem>>) offsets(%dma_start3A_170 : memref<40xi32, #tpu.memory_space<vmem>>) semaphore(%arg16 : memref<!tpu.dma_semaphore, #tpu.memory_space<semaphore_mem>>)
      %add3A_174 = arith.constant 2 : i32
      %add3A_175 = arith.addi %add3A_114, %add3A_174 : i32
      %mul3A_176 = arith.constant 40 : i32
      %mul3A_177 = arith.muli %add3A_175, %mul3A_176 : i32
      %dma_wait3A_178 = tpu.memref_slice %arg7[%mul3A_177] : memref<10000xi32, #tpu.memory_space<vmem>> -> memref<40xi32, #tpu.memory_space<vmem>>
      %dma_wait3A_179 = arith.constant 0 : i32
      %dma_wait3A_180 = arith.constant 0 : i32
      %dma_wait3A_181 = tpu.memref_slice %arg2[%dma_wait3A_179, %dma_wait3A_180] : memref<10000x128xf32, #tpu.memory_space<hbm>> -> memref<10000x128xf32, #tpu.memory_space<hbm>>
      tpu.wait_indirect_dma semaphore(%arg18 : memref<!tpu.dma_semaphore, #tpu.memory_space<semaphore_mem>>) src(%dma_wait3A_181 : memref<10000x128xf32, #tpu.memory_space<hbm>>) dst(%arg12 : memref<40x128xf32, #tpu.memory_space<vmem>>)
      %mul3A_182 = arith.constant 40 : i32
      %mul3A_183 = arith.muli %add3A_175, %mul3A_182 : i32
      %dma_start3A_184 = tpu.memref_slice %arg8[%mul3A_183] : memref<10000xi32, #tpu.memory_space<vmem>> -> memref<40xi32, #tpu.memory_space<vmem>>
      %dma_start3A_185 = arith.constant 0 : i32
      %dma_start3A_186 = arith.constant 0 : i32
      %dma_start3A_187 = tpu.memref_slice %arg14[%dma_start3A_185, %dma_start3A_186] : memref<10240x128xf32, #tpu.memory_space<vmem_shared>> -> memref<10240x128xf32, #tpu.memory_space<vmem_shared>>
      tpu.enqueue_indirect_dma source(%arg12 : memref<40x128xf32, #tpu.memory_space<vmem>>) target(%dma_start3A_187 : memref<10240x128xf32, #tpu.memory_space<vmem_shared>>) offsets(%dma_start3A_184 : memref<40xi32, #tpu.memory_space<vmem>>) semaphore(%arg23 : memref<!tpu.dma_semaphore, #tpu.memory_space<semaphore_mem>>) {add = true}
      %sub3A_188 = arith.constant 1 : i32
      %sub3A_189 = arith.subi %add3A_175, %sub3A_188 : i32
      %mul3A_190 = arith.constant 40 : i32
      %mul3A_191 = arith.muli %sub3A_189, %mul3A_190 : i32
      %dma_wait3A_192 = tpu.memref_slice %arg8[%mul3A_191] : memref<10000xi32, #tpu.memory_space<vmem>> -> memref<40xi32, #tpu.memory_space<vmem>>
      %dma_wait3A_193 = arith.constant 0 : i32
      %dma_wait3A_194 = arith.constant 0 : i32
      %dma_wait3A_195 = tpu.memref_slice %arg14[%dma_wait3A_193, %dma_wait3A_194] : memref<10240x128xf32, #tpu.memory_space<vmem_shared>> -> memref<10240x128xf32, #tpu.memory_space<vmem_shared>>
      tpu.wait_indirect_dma semaphore(%arg22 : memref<!tpu.dma_semaphore, #tpu.memory_space<semaphore_mem>>) src(%arg11 : memref<40x128xf32, #tpu.memory_space<vmem>>) dst(%dma_wait3A_195 : memref<10240x128xf32, #tpu.memory_space<vmem_shared>>)
      %add3A_196 = arith.constant 4 : i32
      %add3A_197 = arith.addi %add3A_175, %add3A_196 : i32
      %mul3A_198 = arith.constant 40 : i32
      %mul3A_199 = arith.muli %add3A_197, %mul3A_198 : i32
      %dma_start3A_200 = tpu.memref_slice %arg7[%mul3A_199] : memref<10000xi32, #tpu.memory_space<vmem>> -> memref<40xi32, #tpu.memory_space<vmem>>
      %dma_start3A_201 = arith.constant 0 : i32
      %dma_start3A_202 = arith.constant 0 : i32
      %dma_start3A_203 = tpu.memref_slice %arg2[%dma_start3A_201, %dma_start3A_202] : memref<10000x128xf32, #tpu.memory_space<hbm>> -> memref<10000x128xf32, #tpu.memory_space<hbm>>
      tpu.enqueue_indirect_dma source(%dma_start3A_203 : memref<10000x128xf32, #tpu.memory_space<hbm>>) target(%arg11 : memref<40x128xf32, #tpu.memory_space<vmem>>) offsets(%dma_start3A_200 : memref<40xi32, #tpu.memory_space<vmem>>) semaphore(%arg17 : memref<!tpu.dma_semaphore, #tpu.memory_space<semaphore_mem>>)
      %add3A_204 = arith.constant 3 : i32
      %add3A_205 = arith.addi %add3A_114, %add3A_204 : i32
      %mul3A_206 = arith.constant 40 : i32
      %mul3A_207 = arith.muli %add3A_205, %mul3A_206 : i32
      %dma_wait3A_208 = tpu.memref_slice %arg7[%mul3A_207] : memref<10000xi32, #tpu.memory_space<vmem>> -> memref<40xi32, #tpu.memory_space<vmem>>
      %dma_wait3A_209 = arith.constant 0 : i32
      %dma_wait3A_210 = arith.constant 0 : i32
      %dma_wait3A_211 = tpu.memref_slice %arg2[%dma_wait3A_209, %dma_wait3A_210] : memref<10000x128xf32, #tpu.memory_space<hbm>> -> memref<10000x128xf32, #tpu.memory_space<hbm>>
      tpu.wait_indirect_dma semaphore(%arg19 : memref<!tpu.dma_semaphore, #tpu.memory_space<semaphore_mem>>) src(%dma_wait3A_211 : memref<10000x128xf32, #tpu.memory_space<hbm>>) dst(%arg13 : memref<40x128xf32, #tpu.memory_space<vmem>>)
      %mul3A_212 = arith.constant 40 : i32
      %mul3A_213 = arith.muli %add3A_205, %mul3A_212 : i32
      %dma_start3A_214 = tpu.memref_slice %arg8[%mul3A_213] : memref<10000xi32, #tpu.memory_space<vmem>> -> memref<40xi32, #tpu.memory_space<vmem>>
      %dma_start3A_215 = arith.constant 0 : i32
      %dma_start3A_216 = arith.constant 0 : i32
      %dma_start3A_217 = tpu.memref_slice %arg14[%dma_start3A_215, %dma_start3A_216] : memref<10240x128xf32, #tpu.memory_space<vmem_shared>> -> memref<10240x128xf32, #tpu.memory_space<vmem_shared>>
      tpu.enqueue_indirect_dma source(%arg13 : memref<40x128xf32, #tpu.memory_space<vmem>>) target(%dma_start3A_217 : memref<10240x128xf32, #tpu.memory_space<vmem_shared>>) offsets(%dma_start3A_214 : memref<40xi32, #tpu.memory_space<vmem>>) semaphore(%arg24 : memref<!tpu.dma_semaphore, #tpu.memory_space<semaphore_mem>>) {add = true}
      %sub3A_218 = arith.constant 1 : i32
      %sub3A_219 = arith.subi %add3A_205, %sub3A_218 : i32
      %mul3A_220 = arith.constant 40 : i32
      %mul3A_221 = arith.muli %sub3A_219, %mul3A_220 : i32
      %dma_wait3A_222 = tpu.memref_slice %arg8[%mul3A_221] : memref<10000xi32, #tpu.memory_space<vmem>> -> memref<40xi32, #tpu.memory_space<vmem>>
      %dma_wait3A_223 = arith.constant 0 : i32
      %dma_wait3A_224 = arith.constant 0 : i32
      %dma_wait3A_225 = tpu.memref_slice %arg14[%dma_wait3A_223, %dma_wait3A_224] : memref<10240x128xf32, #tpu.memory_space<vmem_shared>> -> memref<10240x128xf32, #tpu.memory_space<vmem_shared>>
      tpu.wait_indirect_dma semaphore(%arg23 : memref<!tpu.dma_semaphore, #tpu.memory_space<semaphore_mem>>) src(%arg12 : memref<40x128xf32, #tpu.memory_space<vmem>>) dst(%dma_wait3A_225 : memref<10240x128xf32, #tpu.memory_space<vmem_shared>>)
      %add3A_226 = arith.constant 4 : i32
      %add3A_227 = arith.addi %add3A_205, %add3A_226 : i32
      %mul3A_228 = arith.constant 40 : i32
      %mul3A_229 = arith.muli %add3A_227, %mul3A_228 : i32
      %dma_start3A_230 = tpu.memref_slice %arg7[%mul3A_229] : memref<10000xi32, #tpu.memory_space<vmem>> -> memref<40xi32, #tpu.memory_space<vmem>>
      %dma_start3A_231 = arith.constant 0 : i32
      %dma_start3A_232 = arith.constant 0 : i32
      %dma_start3A_233 = tpu.memref_slice %arg2[%dma_start3A_231, %dma_start3A_232] : memref<10000x128xf32, #tpu.memory_space<hbm>> -> memref<10000x128xf32, #tpu.memory_space<hbm>>
      tpu.enqueue_indirect_dma source(%dma_start3A_233 : memref<10000x128xf32, #tpu.memory_space<hbm>>) target(%arg12 : memref<40x128xf32, #tpu.memory_space<vmem>>) offsets(%dma_start3A_230 : memref<40xi32, #tpu.memory_space<vmem>>) semaphore(%arg18 : memref<!tpu.dma_semaphore, #tpu.memory_space<semaphore_mem>>)
      %add3A_234 = arith.constant 4 : i32
      %add3A_235 = arith.addi %add3A_114, %add3A_234 : i32
      %mul3A_236 = arith.constant 40 : i32
      %mul3A_237 = arith.muli %add3A_235, %mul3A_236 : i32
      %dma_wait3A_238 = tpu.memref_slice %arg7[%mul3A_237] : memref<10000xi32, #tpu.memory_space<vmem>> -> memref<40xi32, #tpu.memory_space<vmem>>
      %dma_wait3A_239 = arith.constant 0 : i32
      %dma_wait3A_240 = arith.constant 0 : i32
      %dma_wait3A_241 = tpu.memref_slice %arg2[%dma_wait3A_239, %dma_wait3A_240] : memref<10000x128xf32, #tpu.memory_space<hbm>> -> memref<10000x128xf32, #tpu.memory_space<hbm>>
      tpu.wait_indirect_dma semaphore(%arg15 : memref<!tpu.dma_semaphore, #tpu.memory_space<semaphore_mem>>) src(%dma_wait3A_241 : memref<10000x128xf32, #tpu.memory_space<hbm>>) dst(%arg9 : memref<40x128xf32, #tpu.memory_space<vmem>>)
      %mul3A_242 = arith.constant 40 : i32
      %mul3A_243 = arith.muli %add3A_235, %mul3A_242 : i32
      %dma_start3A_244 = tpu.memref_slice %arg8[%mul3A_243] : memref<10000xi32, #tpu.memory_space<vmem>> -> memref<40xi32, #tpu.memory_space<vmem>>
      %dma_start3A_245 = arith.constant 0 : i32
      %dma_start3A_246 = arith.constant 0 : i32
      %dma_start3A_247 = tpu.memref_slice %arg14[%dma_start3A_245, %dma_start3A_246] : memref<10240x128xf32, #tpu.memory_space<vmem_shared>> -> memref<10240x128xf32, #tpu.memory_space<vmem_shared>>
      tpu.enqueue_indirect_dma source(%arg9 : memref<40x128xf32, #tpu.memory_space<vmem>>) target(%dma_start3A_247 : memref<10240x128xf32, #tpu.memory_space<vmem_shared>>) offsets(%dma_start3A_244 : memref<40xi32, #tpu.memory_space<vmem>>) semaphore(%arg20 : memref<!tpu.dma_semaphore, #tpu.memory_space<semaphore_mem>>) {add = true}
      %sub3A_248 = arith.constant 1 : i32
      %sub3A_249 = arith.subi %add3A_235, %sub3A_248 : i32
      %mul3A_250 = arith.constant 40 : i32
      %mul3A_251 = arith.muli %sub3A_249, %mul3A_250 : i32
      %dma_wait3A_252 = tpu.memref_slice %arg8[%mul3A_251] : memref<10000xi32, #tpu.memory_space<vmem>> -> memref<40xi32, #tpu.memory_space<vmem>>
      %dma_wait3A_253 = arith.constant 0 : i32
      %dma_wait3A_254 = arith.constant 0 : i32
      %dma_wait3A_255 = tpu.memref_slice %arg14[%dma_wait3A_253, %dma_wait3A_254] : memref<10240x128xf32, #tpu.memory_space<vmem_shared>> -> memref<10240x128xf32, #tpu.memory_space<vmem_shared>>
      tpu.wait_indirect_dma semaphore(%arg24 : memref<!tpu.dma_semaphore, #tpu.memory_space<semaphore_mem>>) src(%arg13 : memref<40x128xf32, #tpu.memory_space<vmem>>) dst(%dma_wait3A_255 : memref<10240x128xf32, #tpu.memory_space<vmem_shared>>)
      %add3A_256 = arith.constant 4 : i32
      %add3A_257 = arith.addi %add3A_235, %add3A_256 : i32
      %mul3A_258 = arith.constant 40 : i32
      %mul3A_259 = arith.muli %add3A_257, %mul3A_258 : i32
      %dma_start3A_260 = tpu.memref_slice %arg7[%mul3A_259] : memref<10000xi32, #tpu.memory_space<vmem>> -> memref<40xi32, #tpu.memory_space<vmem>>
      %dma_start3A_261 = arith.constant 0 : i32
      %dma_start3A_262 = arith.constant 0 : i32
      %dma_start3A_263 = tpu.memref_slice %arg2[%dma_start3A_261, %dma_start3A_262] : memref<10000x128xf32, #tpu.memory_space<hbm>> -> memref<10000x128xf32, #tpu.memory_space<hbm>>
      tpu.enqueue_indirect_dma source(%dma_start3A_263 : memref<10000x128xf32, #tpu.memory_space<hbm>>) target(%arg13 : memref<40x128xf32, #tpu.memory_space<vmem>>) offsets(%dma_start3A_260 : memref<40xi32, #tpu.memory_space<vmem>>) semaphore(%arg19 : memref<!tpu.dma_semaphore, #tpu.memory_space<semaphore_mem>>)
    }
    %scan3A_43 = arith.constant 49 : i32
    %dma_wait3A_44 = arith.constant 9840 : i32
    %dma_wait3A_45 = tpu.memref_slice %arg7[%dma_wait3A_44] : memref<10000xi32, #tpu.memory_space<vmem>> -> memref<40xi32, #tpu.memory_space<vmem>>
    %dma_wait3A_46 = arith.constant 0 : i32
    %dma_wait3A_47 = arith.constant 0 : i32
    %dma_wait3A_48 = tpu.memref_slice %arg2[%dma_wait3A_46, %dma_wait3A_47] : memref<10000x128xf32, #tpu.memory_space<hbm>> -> memref<10000x128xf32, #tpu.memory_space<hbm>>
    tpu.wait_indirect_dma semaphore(%arg16 : memref<!tpu.dma_semaphore, #tpu.memory_space<semaphore_mem>>) src(%dma_wait3A_48 : memref<10000x128xf32, #tpu.memory_space<hbm>>) dst(%arg10 : memref<40x128xf32, #tpu.memory_space<vmem>>)
    %dma_start3A_49 = arith.constant 9840 : i32
    %dma_start3A_50 = tpu.memref_slice %arg8[%dma_start3A_49] : memref<10000xi32, #tpu.memory_space<vmem>> -> memref<40xi32, #tpu.memory_space<vmem>>
    %dma_start3A_51 = arith.constant 0 : i32
    %dma_start3A_52 = arith.constant 0 : i32
    %dma_start3A_53 = tpu.memref_slice %arg14[%dma_start3A_51, %dma_start3A_52] : memref<10240x128xf32, #tpu.memory_space<vmem_shared>> -> memref<10240x128xf32, #tpu.memory_space<vmem_shared>>
    tpu.enqueue_indirect_dma source(%arg10 : memref<40x128xf32, #tpu.memory_space<vmem>>) target(%dma_start3A_53 : memref<10240x128xf32, #tpu.memory_space<vmem_shared>>) offsets(%dma_start3A_50 : memref<40xi32, #tpu.memory_space<vmem>>) semaphore(%arg21 : memref<!tpu.dma_semaphore, #tpu.memory_space<semaphore_mem>>) {add = true}
    %dma_wait3A_54 = arith.constant 9800 : i32
    %dma_wait3A_55 = tpu.memref_slice %arg8[%dma_wait3A_54] : memref<10000xi32, #tpu.memory_space<vmem>> -> memref<40xi32, #tpu.memory_space<vmem>>
    %dma_wait3A_56 = arith.constant 0 : i32
    %dma_wait3A_57 = arith.constant 0 : i32
    %dma_wait3A_58 = tpu.memref_slice %arg14[%dma_wait3A_56, %dma_wait3A_57] : memref<10240x128xf32, #tpu.memory_space<vmem_shared>> -> memref<10240x128xf32, #tpu.memory_space<vmem_shared>>
    tpu.wait_indirect_dma semaphore(%arg20 : memref<!tpu.dma_semaphore, #tpu.memory_space<semaphore_mem>>) src(%arg9 : memref<40x128xf32, #tpu.memory_space<vmem>>) dst(%dma_wait3A_58 : memref<10240x128xf32, #tpu.memory_space<vmem_shared>>)
    %dma_wait3A_59 = arith.constant 9880 : i32
    %dma_wait3A_60 = tpu.memref_slice %arg7[%dma_wait3A_59] : memref<10000xi32, #tpu.memory_space<vmem>> -> memref<40xi32, #tpu.memory_space<vmem>>
    %dma_wait3A_61 = arith.constant 0 : i32
    %dma_wait3A_62 = arith.constant 0 : i32
    %dma_wait3A_63 = tpu.memref_slice %arg2[%dma_wait3A_61, %dma_wait3A_62] : memref<10000x128xf32, #tpu.memory_space<hbm>> -> memref<10000x128xf32, #tpu.memory_space<hbm>>
    tpu.wait_indirect_dma semaphore(%arg17 : memref<!tpu.dma_semaphore, #tpu.memory_space<semaphore_mem>>) src(%dma_wait3A_63 : memref<10000x128xf32, #tpu.memory_space<hbm>>) dst(%arg11 : memref<40x128xf32, #tpu.memory_space<vmem>>)
    %dma_start3A_64 = arith.constant 9880 : i32
    %dma_start3A_65 = tpu.memref_slice %arg8[%dma_start3A_64] : memref<10000xi32, #tpu.memory_space<vmem>> -> memref<40xi32, #tpu.memory_space<vmem>>
    %dma_start3A_66 = arith.constant 0 : i32
    %dma_start3A_67 = arith.constant 0 : i32
    %dma_start3A_68 = tpu.memref_slice %arg14[%dma_start3A_66, %dma_start3A_67] : memref<10240x128xf32, #tpu.memory_space<vmem_shared>> -> memref<10240x128xf32, #tpu.memory_space<vmem_shared>>
    tpu.enqueue_indirect_dma source(%arg11 : memref<40x128xf32, #tpu.memory_space<vmem>>) target(%dma_start3A_68 : memref<10240x128xf32, #tpu.memory_space<vmem_shared>>) offsets(%dma_start3A_65 : memref<40xi32, #tpu.memory_space<vmem>>) semaphore(%arg22 : memref<!tpu.dma_semaphore, #tpu.memory_space<semaphore_mem>>) {add = true}
    %dma_wait3A_69 = arith.constant 9840 : i32
    %dma_wait3A_70 = tpu.memref_slice %arg8[%dma_wait3A_69] : memref<10000xi32, #tpu.memory_space<vmem>> -> memref<40xi32, #tpu.memory_space<vmem>>
    %dma_wait3A_71 = arith.constant 0 : i32
    %dma_wait3A_72 = arith.constant 0 : i32
    %dma_wait3A_73 = tpu.memref_slice %arg14[%dma_wait3A_71, %dma_wait3A_72] : memref<10240x128xf32, #tpu.memory_space<vmem_shared>> -> memref<10240x128xf32, #tpu.memory_space<vmem_shared>>
    tpu.wait_indirect_dma semaphore(%arg21 : memref<!tpu.dma_semaphore, #tpu.memory_space<semaphore_mem>>) src(%arg10 : memref<40x128xf32, #tpu.memory_space<vmem>>) dst(%dma_wait3A_73 : memref<10240x128xf32, #tpu.memory_space<vmem_shared>>)
    %dma_wait3A_74 = arith.constant 9920 : i32
    %dma_wait3A_75 = tpu.memref_slice %arg7[%dma_wait3A_74] : memref<10000xi32, #tpu.memory_space<vmem>> -> memref<40xi32, #tpu.memory_space<vmem>>
    %dma_wait3A_76 = arith.constant 0 : i32
    %dma_wait3A_77 = arith.constant 0 : i32
    %dma_wait3A_78 = tpu.memref_slice %arg2[%dma_wait3A_76, %dma_wait3A_77] : memref<10000x128xf32, #tpu.memory_space<hbm>> -> memref<10000x128xf32, #tpu.memory_space<hbm>>
    tpu.wait_indirect_dma semaphore(%arg18 : memref<!tpu.dma_semaphore, #tpu.memory_space<semaphore_mem>>) src(%dma_wait3A_78 : memref<10000x128xf32, #tpu.memory_space<hbm>>) dst(%arg12 : memref<40x128xf32, #tpu.memory_space<vmem>>)
    %dma_start3A_79 = arith.constant 9920 : i32
    %dma_start3A_80 = tpu.memref_slice %arg8[%dma_start3A_79] : memref<10000xi32, #tpu.memory_space<vmem>> -> memref<40xi32, #tpu.memory_space<vmem>>
    %dma_start3A_81 = arith.constant 0 : i32
    %dma_start3A_82 = arith.constant 0 : i32
    %dma_start3A_83 = tpu.memref_slice %arg14[%dma_start3A_81, %dma_start3A_82] : memref<10240x128xf32, #tpu.memory_space<vmem_shared>> -> memref<10240x128xf32, #tpu.memory_space<vmem_shared>>
    tpu.enqueue_indirect_dma source(%arg12 : memref<40x128xf32, #tpu.memory_space<vmem>>) target(%dma_start3A_83 : memref<10240x128xf32, #tpu.memory_space<vmem_shared>>) offsets(%dma_start3A_80 : memref<40xi32, #tpu.memory_space<vmem>>) semaphore(%arg23 : memref<!tpu.dma_semaphore, #tpu.memory_space<semaphore_mem>>) {add = true}
    %dma_wait3A_84 = arith.constant 9880 : i32
    %dma_wait3A_85 = tpu.memref_slice %arg8[%dma_wait3A_84] : memref<10000xi32, #tpu.memory_space<vmem>> -> memref<40xi32, #tpu.memory_space<vmem>>
    %dma_wait3A_86 = arith.constant 0 : i32
    %dma_wait3A_87 = arith.constant 0 : i32
    %dma_wait3A_88 = tpu.memref_slice %arg14[%dma_wait3A_86, %dma_wait3A_87] : memref<10240x128xf32, #tpu.memory_space<vmem_shared>> -> memref<10240x128xf32, #tpu.memory_space<vmem_shared>>
    tpu.wait_indirect_dma semaphore(%arg22 : memref<!tpu.dma_semaphore, #tpu.memory_space<semaphore_mem>>) src(%arg11 : memref<40x128xf32, #tpu.memory_space<vmem>>) dst(%dma_wait3A_88 : memref<10240x128xf32, #tpu.memory_space<vmem_shared>>)
    %dma_wait3A_89 = arith.constant 9960 : i32
    %dma_wait3A_90 = tpu.memref_slice %arg7[%dma_wait3A_89] : memref<10000xi32, #tpu.memory_space<vmem>> -> memref<40xi32, #tpu.memory_space<vmem>>
    %dma_wait3A_91 = arith.constant 0 : i32
    %dma_wait3A_92 = arith.constant 0 : i32
    %dma_wait3A_93 = tpu.memref_slice %arg2[%dma_wait3A_91, %dma_wait3A_92] : memref<10000x128xf32, #tpu.memory_space<hbm>> -> memref<10000x128xf32, #tpu.memory_space<hbm>>
    tpu.wait_indirect_dma semaphore(%arg19 : memref<!tpu.dma_semaphore, #tpu.memory_space<semaphore_mem>>) src(%dma_wait3A_93 : memref<10000x128xf32, #tpu.memory_space<hbm>>) dst(%arg13 : memref<40x128xf32, #tpu.memory_space<vmem>>)
    %dma_start3A_94 = arith.constant 9960 : i32
    %dma_start3A_95 = tpu.memref_slice %arg8[%dma_start3A_94] : memref<10000xi32, #tpu.memory_space<vmem>> -> memref<40xi32, #tpu.memory_space<vmem>>
    %dma_start3A_96 = arith.constant 0 : i32
    %dma_start3A_97 = arith.constant 0 : i32
    %dma_start3A_98 = tpu.memref_slice %arg14[%dma_start3A_96, %dma_start3A_97] : memref<10240x128xf32, #tpu.memory_space<vmem_shared>> -> memref<10240x128xf32, #tpu.memory_space<vmem_shared>>
    tpu.enqueue_indirect_dma source(%arg13 : memref<40x128xf32, #tpu.memory_space<vmem>>) target(%dma_start3A_98 : memref<10240x128xf32, #tpu.memory_space<vmem_shared>>) offsets(%dma_start3A_95 : memref<40xi32, #tpu.memory_space<vmem>>) semaphore(%arg24 : memref<!tpu.dma_semaphore, #tpu.memory_space<semaphore_mem>>) {add = true}
    %dma_wait3A_99 = arith.constant 9920 : i32
    %dma_wait3A_100 = tpu.memref_slice %arg8[%dma_wait3A_99] : memref<10000xi32, #tpu.memory_space<vmem>> -> memref<40xi32, #tpu.memory_space<vmem>>
    %dma_wait3A_101 = arith.constant 0 : i32
    %dma_wait3A_102 = arith.constant 0 : i32
    %dma_wait3A_103 = tpu.memref_slice %arg14[%dma_wait3A_101, %dma_wait3A_102] : memref<10240x128xf32, #tpu.memory_space<vmem_shared>> -> memref<10240x128xf32, #tpu.memory_space<vmem_shared>>
    tpu.wait_indirect_dma semaphore(%arg23 : memref<!tpu.dma_semaphore, #tpu.memory_space<semaphore_mem>>) src(%arg12 : memref<40x128xf32, #tpu.memory_space<vmem>>) dst(%dma_wait3A_103 : memref<10240x128xf32, #tpu.memory_space<vmem_shared>>)
    %dma_wait3A_104 = arith.constant 9960 : i32
    %dma_wait3A_105 = tpu.memref_slice %arg8[%dma_wait3A_104] : memref<10000xi32, #tpu.memory_space<vmem>> -> memref<40xi32, #tpu.memory_space<vmem>>
    %dma_wait3A_106 = arith.constant 0 : i32
    %dma_wait3A_107 = arith.constant 0 : i32
    %dma_wait3A_108 = tpu.memref_slice %arg14[%dma_wait3A_106, %dma_wait3A_107] : memref<10240x128xf32, #tpu.memory_space<vmem_shared>> -> memref<10240x128xf32, #tpu.memory_space<vmem_shared>>
    tpu.wait_indirect_dma semaphore(%arg24 : memref<!tpu.dma_semaphore, #tpu.memory_space<semaphore_mem>>) src(%arg13 : memref<40x128xf32, #tpu.memory_space<vmem>>) dst(%dma_wait3A_108 : memref<10240x128xf32, #tpu.memory_space<vmem_shared>>)
    %barrier3A_109 = arith.constant 0 : index
    tpu.barrier barrier_id(%barrier3A_109)
    "tpu.region"() ({
      %run_scoped3A = tpu.sem_alloc : memref<!tpu.dma_semaphore, #tpu.memory_space<semaphore_mem>>
      %dma_start3A_110 = arith.constant 0 : i32
      %dma_start3A_111 = tpu.memref_slice %arg6[%arg0, %mul3A_0, %dma_start3A_110] : memref<2x10240x128xf32, #tpu.memory_space<hbm>> -> memref<1x640x128xf32, #tpu.memory_space<hbm>>
      %dma_start3A_112 = tpu.memref_squeeze %dma_start3A_111 : memref<1x640x128xf32, #tpu.memory_space<hbm>> -> memref<640x128xf32, #tpu.memory_space<hbm>>
      %dma_start3A_113 = arith.constant 0 : i32
      %dma_start3A_114 = tpu.memref_slice %arg14[%mul3A_0, %dma_start3A_113] : memref<10240x128xf32, #tpu.memory_space<vmem_shared>> -> memref<640x128xf32, #tpu.memory_space<vmem_shared>>
      tpu.enqueue_dma source(%dma_start3A_114 : memref<640x128xf32, #tpu.memory_space<vmem_shared>>) target(%dma_start3A_112 : memref<640x128xf32, #tpu.memory_space<hbm>>) target_semaphore(%run_scoped3A : memref<!tpu.dma_semaphore, #tpu.memory_space<semaphore_mem>>)
      %dma_wait3A_115 = arith.constant 0 : i32
      %dma_wait3A_116 = tpu.memref_slice %arg6[%arg0, %mul3A_0, %dma_wait3A_115] : memref<2x10240x128xf32, #tpu.memory_space<hbm>> -> memref<1x640x128xf32, #tpu.memory_space<hbm>>
      %dma_wait3A_117 = tpu.memref_squeeze %dma_wait3A_116 : memref<1x640x128xf32, #tpu.memory_space<hbm>> -> memref<640x128xf32, #tpu.memory_space<hbm>>
      %dma_wait3A_118 = arith.constant 0 : i32
      %dma_wait3A_119 = tpu.memref_slice %arg14[%mul3A_0, %dma_wait3A_118] : memref<10240x128xf32, #tpu.memory_space<vmem_shared>> -> memref<640x128xf32, #tpu.memory_space<vmem_shared>>
      tpu.wait_dma2 semaphore(%run_scoped3A : memref<!tpu.dma_semaphore, #tpu.memory_space<semaphore_mem>>) src(%dma_wait3A_119 : memref<640x128xf32, #tpu.memory_space<vmem_shared>>) dst(%dma_wait3A_117 : memref<640x128xf32, #tpu.memory_space<hbm>>)
      tpu.yield
    }) : () -> ()
    return
  }
}

#map = affine_map<(d0, d1) -> (0)>
#map1 = affine_map<(d0, d1) -> (0, 0)>
#map2 = affine_map<(d0, d1) -> (0, 0, 0)>
module attributes {stable_mosaic.version = 14 : i64} {
  func.func @_sc_deg_body(%arg0: i32, %arg1: i32, %arg2: memref<320000xi32, #tpu.memory_space<hbm>>, %arg3: memref<10240x128xf32, #tpu.memory_space<hbm>>, %arg4: memref<80x128xf32, #tpu.memory_space<hbm>>, %arg5: memref<2x10240x128xf32, #tpu.memory_space<hbm>>, %arg6: memref<10000xi32, #tpu.memory_space<vmem>>, %arg7: memref<80x128xf32, #tpu.memory_space<vmem>>, %arg8: memref<10240x128xf32, #tpu.memory_space<vmem_shared>>, %arg9: memref<!tpu.dma_semaphore, #tpu.memory_space<semaphore_mem>>) attributes {dimension_semantics = [#tpu.dimension_semantics<core_parallel>, #tpu.dimension_semantics<subcore_parallel>], iteration_bounds = array<i64: 2, 16>, scalar_prefetch = 0 : i64, scratch_operands = 4 : i64, tpu.core_type = #tpu.core_type<sc_vector_subcore>, window_params = [{transform_indices = #map}, {transform_indices = #map1}, {transform_indices = #map1}, {transform_indices = #map2}]} {
    %mul3A = arith.constant 640 : i32
    %mul3A_0 = arith.muli %arg1, %mul3A : i32
    %mul3A_1 = arith.constant 2 : i32
    %mul3A_2 = arith.muli %arg1, %mul3A_1 : i32
    %add3A = arith.addi %mul3A_2, %arg0 : i32
    "tpu.region"() ({
      %run_scoped3A = tpu.sem_alloc : memref<!tpu.dma_semaphore, #tpu.memory_space<semaphore_mem>>
      %dma_start3A_88 = arith.constant 0 : i32
      %dma_start3A_89 = tpu.memref_slice %arg8[%mul3A_0, %dma_start3A_88] : memref<10240x128xf32, #tpu.memory_space<vmem_shared>> -> memref<640x128xf32, #tpu.memory_space<vmem_shared>>
      %dma_start3A_90 = arith.constant 0 : i32
      %dma_start3A_91 = tpu.memref_slice %arg3[%mul3A_0, %dma_start3A_90] : memref<10240x128xf32, #tpu.memory_space<hbm>> -> memref<640x128xf32, #tpu.memory_space<hbm>>
      tpu.enqueue_dma source(%dma_start3A_91 : memref<640x128xf32, #tpu.memory_space<hbm>>) target(%dma_start3A_89 : memref<640x128xf32, #tpu.memory_space<vmem_shared>>) target_semaphore(%run_scoped3A : memref<!tpu.dma_semaphore, #tpu.memory_space<semaphore_mem>>)
      %dma_wait3A_92 = arith.constant 0 : i32
      %dma_wait3A_93 = tpu.memref_slice %arg8[%mul3A_0, %dma_wait3A_92] : memref<10240x128xf32, #tpu.memory_space<vmem_shared>> -> memref<640x128xf32, #tpu.memory_space<vmem_shared>>
      %dma_wait3A_94 = arith.constant 0 : i32
      %dma_wait3A_95 = tpu.memref_slice %arg3[%mul3A_0, %dma_wait3A_94] : memref<10240x128xf32, #tpu.memory_space<hbm>> -> memref<640x128xf32, #tpu.memory_space<hbm>>
      tpu.wait_dma2 semaphore(%run_scoped3A : memref<!tpu.dma_semaphore, #tpu.memory_space<semaphore_mem>>) src(%dma_wait3A_95 : memref<640x128xf32, #tpu.memory_space<hbm>>) dst(%dma_wait3A_93 : memref<640x128xf32, #tpu.memory_space<vmem_shared>>)
      tpu.yield
    }) : () -> ()
    "tpu.region"() ({
      %run_scoped3A = tpu.sem_alloc : memref<!tpu.dma_semaphore, #tpu.memory_space<semaphore_mem>>
      tpu.enqueue_dma source(%arg4 : memref<80x128xf32, #tpu.memory_space<hbm>>) target(%arg7 : memref<80x128xf32, #tpu.memory_space<vmem>>) target_semaphore(%run_scoped3A : memref<!tpu.dma_semaphore, #tpu.memory_space<semaphore_mem>>)
      tpu.wait_dma2 semaphore(%run_scoped3A : memref<!tpu.dma_semaphore, #tpu.memory_space<semaphore_mem>>) src(%arg4 : memref<80x128xf32, #tpu.memory_space<hbm>>) dst(%arg7 : memref<80x128xf32, #tpu.memory_space<vmem>>)
      tpu.yield
    }) : () -> ()
    %mul3A_3 = arith.constant 10000 : i32
    %mul3A_4 = arith.muli %add3A, %mul3A_3 : i32
    "tpu.region"() ({
      %run_scoped3A = tpu.sem_alloc : memref<!tpu.dma_semaphore, #tpu.memory_space<semaphore_mem>>
      %dma_start3A_88 = tpu.memref_slice %arg2[%mul3A_4] : memref<320000xi32, #tpu.memory_space<hbm>> -> memref<10000xi32, #tpu.memory_space<hbm>>
      %dma_start3A_89 = tpu.memref_slice %arg2[%mul3A_4] : memref<320000xi32, #tpu.memory_space<hbm>> -> memref<10000xi32, #tpu.memory_space<hbm>>
      tpu.enqueue_dma source(%dma_start3A_89 : memref<10000xi32, #tpu.memory_space<hbm>>) target(%arg6 : memref<10000xi32, #tpu.memory_space<vmem>>) target_semaphore(%run_scoped3A : memref<!tpu.dma_semaphore, #tpu.memory_space<semaphore_mem>>)
      %dma_wait3A_90 = tpu.memref_slice %arg2[%mul3A_4] : memref<320000xi32, #tpu.memory_space<hbm>> -> memref<10000xi32, #tpu.memory_space<hbm>>
      %dma_wait3A_91 = tpu.memref_slice %arg2[%mul3A_4] : memref<320000xi32, #tpu.memory_space<hbm>> -> memref<10000xi32, #tpu.memory_space<hbm>>
      tpu.wait_dma2 semaphore(%run_scoped3A : memref<!tpu.dma_semaphore, #tpu.memory_space<semaphore_mem>>) src(%dma_wait3A_91 : memref<10000xi32, #tpu.memory_space<hbm>>) dst(%arg6 : memref<10000xi32, #tpu.memory_space<vmem>>)
      tpu.yield
    }) : () -> ()
    %barrier3A = arith.constant 0 : index
    tpu.barrier barrier_id(%barrier3A)
    %dma_start3A = arith.constant 0 : i32
    %dma_start3A_5 = tpu.memref_slice %arg6[%dma_start3A] : memref<10000xi32, #tpu.memory_space<vmem>> -> memref<80xi32, #tpu.memory_space<vmem>>
    %dma_start3A_6 = arith.constant 0 : i32
    %dma_start3A_7 = arith.constant 0 : i32
    %dma_start3A_8 = tpu.memref_slice %arg8[%dma_start3A_6, %dma_start3A_7] : memref<10240x128xf32, #tpu.memory_space<vmem_shared>> -> memref<10240x128xf32, #tpu.memory_space<vmem_shared>>
    tpu.enqueue_indirect_dma source(%arg7 : memref<80x128xf32, #tpu.memory_space<vmem>>) target(%dma_start3A_8 : memref<10240x128xf32, #tpu.memory_space<vmem_shared>>) offsets(%dma_start3A_5 : memref<80xi32, #tpu.memory_space<vmem>>) semaphore(%arg9 : memref<!tpu.dma_semaphore, #tpu.memory_space<semaphore_mem>>) {add = true}
    %dma_start3A_9 = arith.constant 80 : i32
    %dma_start3A_10 = tpu.memref_slice %arg6[%dma_start3A_9] : memref<10000xi32, #tpu.memory_space<vmem>> -> memref<80xi32, #tpu.memory_space<vmem>>
    %dma_start3A_11 = arith.constant 0 : i32
    %dma_start3A_12 = arith.constant 0 : i32
    %dma_start3A_13 = tpu.memref_slice %arg8[%dma_start3A_11, %dma_start3A_12] : memref<10240x128xf32, #tpu.memory_space<vmem_shared>> -> memref<10240x128xf32, #tpu.memory_space<vmem_shared>>
    tpu.enqueue_indirect_dma source(%arg7 : memref<80x128xf32, #tpu.memory_space<vmem>>) target(%dma_start3A_13 : memref<10240x128xf32, #tpu.memory_space<vmem_shared>>) offsets(%dma_start3A_10 : memref<80xi32, #tpu.memory_space<vmem>>) semaphore(%arg9 : memref<!tpu.dma_semaphore, #tpu.memory_space<semaphore_mem>>) {add = true}
    %dma_start3A_14 = arith.constant 160 : i32
    %dma_start3A_15 = tpu.memref_slice %arg6[%dma_start3A_14] : memref<10000xi32, #tpu.memory_space<vmem>> -> memref<80xi32, #tpu.memory_space<vmem>>
    %dma_start3A_16 = arith.constant 0 : i32
    %dma_start3A_17 = arith.constant 0 : i32
    %dma_start3A_18 = tpu.memref_slice %arg8[%dma_start3A_16, %dma_start3A_17] : memref<10240x128xf32, #tpu.memory_space<vmem_shared>> -> memref<10240x128xf32, #tpu.memory_space<vmem_shared>>
    tpu.enqueue_indirect_dma source(%arg7 : memref<80x128xf32, #tpu.memory_space<vmem>>) target(%dma_start3A_18 : memref<10240x128xf32, #tpu.memory_space<vmem_shared>>) offsets(%dma_start3A_15 : memref<80xi32, #tpu.memory_space<vmem>>) semaphore(%arg9 : memref<!tpu.dma_semaphore, #tpu.memory_space<semaphore_mem>>) {add = true}
    %dma_start3A_19 = arith.constant 240 : i32
    %dma_start3A_20 = tpu.memref_slice %arg6[%dma_start3A_19] : memref<10000xi32, #tpu.memory_space<vmem>> -> memref<80xi32, #tpu.memory_space<vmem>>
    %dma_start3A_21 = arith.constant 0 : i32
    %dma_start3A_22 = arith.constant 0 : i32
    %dma_start3A_23 = tpu.memref_slice %arg8[%dma_start3A_21, %dma_start3A_22] : memref<10240x128xf32, #tpu.memory_space<vmem_shared>> -> memref<10240x128xf32, #tpu.memory_space<vmem_shared>>
    tpu.enqueue_indirect_dma source(%arg7 : memref<80x128xf32, #tpu.memory_space<vmem>>) target(%dma_start3A_23 : memref<10240x128xf32, #tpu.memory_space<vmem_shared>>) offsets(%dma_start3A_20 : memref<80xi32, #tpu.memory_space<vmem>>) semaphore(%arg9 : memref<!tpu.dma_semaphore, #tpu.memory_space<semaphore_mem>>) {add = true}
    %dma_start3A_24 = arith.constant 320 : i32
    %dma_start3A_25 = tpu.memref_slice %arg6[%dma_start3A_24] : memref<10000xi32, #tpu.memory_space<vmem>> -> memref<80xi32, #tpu.memory_space<vmem>>
    %dma_start3A_26 = arith.constant 0 : i32
    %dma_start3A_27 = arith.constant 0 : i32
    %dma_start3A_28 = tpu.memref_slice %arg8[%dma_start3A_26, %dma_start3A_27] : memref<10240x128xf32, #tpu.memory_space<vmem_shared>> -> memref<10240x128xf32, #tpu.memory_space<vmem_shared>>
    tpu.enqueue_indirect_dma source(%arg7 : memref<80x128xf32, #tpu.memory_space<vmem>>) target(%dma_start3A_28 : memref<10240x128xf32, #tpu.memory_space<vmem_shared>>) offsets(%dma_start3A_25 : memref<80xi32, #tpu.memory_space<vmem>>) semaphore(%arg9 : memref<!tpu.dma_semaphore, #tpu.memory_space<semaphore_mem>>) {add = true}
    %dma_start3A_29 = arith.constant 400 : i32
    %dma_start3A_30 = tpu.memref_slice %arg6[%dma_start3A_29] : memref<10000xi32, #tpu.memory_space<vmem>> -> memref<80xi32, #tpu.memory_space<vmem>>
    %dma_start3A_31 = arith.constant 0 : i32
    %dma_start3A_32 = arith.constant 0 : i32
    %dma_start3A_33 = tpu.memref_slice %arg8[%dma_start3A_31, %dma_start3A_32] : memref<10240x128xf32, #tpu.memory_space<vmem_shared>> -> memref<10240x128xf32, #tpu.memory_space<vmem_shared>>
    tpu.enqueue_indirect_dma source(%arg7 : memref<80x128xf32, #tpu.memory_space<vmem>>) target(%dma_start3A_33 : memref<10240x128xf32, #tpu.memory_space<vmem_shared>>) offsets(%dma_start3A_30 : memref<80xi32, #tpu.memory_space<vmem>>) semaphore(%arg9 : memref<!tpu.dma_semaphore, #tpu.memory_space<semaphore_mem>>) {add = true}
    %dma_start3A_34 = arith.constant 480 : i32
    %dma_start3A_35 = tpu.memref_slice %arg6[%dma_start3A_34] : memref<10000xi32, #tpu.memory_space<vmem>> -> memref<80xi32, #tpu.memory_space<vmem>>
    %dma_start3A_36 = arith.constant 0 : i32
    %dma_start3A_37 = arith.constant 0 : i32
    %dma_start3A_38 = tpu.memref_slice %arg8[%dma_start3A_36, %dma_start3A_37] : memref<10240x128xf32, #tpu.memory_space<vmem_shared>> -> memref<10240x128xf32, #tpu.memory_space<vmem_shared>>
    tpu.enqueue_indirect_dma source(%arg7 : memref<80x128xf32, #tpu.memory_space<vmem>>) target(%dma_start3A_38 : memref<10240x128xf32, #tpu.memory_space<vmem_shared>>) offsets(%dma_start3A_35 : memref<80xi32, #tpu.memory_space<vmem>>) semaphore(%arg9 : memref<!tpu.dma_semaphore, #tpu.memory_space<semaphore_mem>>) {add = true}
    %dma_start3A_39 = arith.constant 560 : i32
    %dma_start3A_40 = tpu.memref_slice %arg6[%dma_start3A_39] : memref<10000xi32, #tpu.memory_space<vmem>> -> memref<80xi32, #tpu.memory_space<vmem>>
    %dma_start3A_41 = arith.constant 0 : i32
    %dma_start3A_42 = arith.constant 0 : i32
    %dma_start3A_43 = tpu.memref_slice %arg8[%dma_start3A_41, %dma_start3A_42] : memref<10240x128xf32, #tpu.memory_space<vmem_shared>> -> memref<10240x128xf32, #tpu.memory_space<vmem_shared>>
    tpu.enqueue_indirect_dma source(%arg7 : memref<80x128xf32, #tpu.memory_space<vmem>>) target(%dma_start3A_43 : memref<10240x128xf32, #tpu.memory_space<vmem_shared>>) offsets(%dma_start3A_40 : memref<80xi32, #tpu.memory_space<vmem>>) semaphore(%arg9 : memref<!tpu.dma_semaphore, #tpu.memory_space<semaphore_mem>>) {add = true}
    %scan3A = arith.constant 0 : i32
    %scan3A_44 = arith.constant 117 : i32
    %scan3A_45 = arith.addi %scan3A, %scan3A_44 : i32
    %scan3A_46 = arith.constant 1 : i32
    scf.for %scan3A_88 = %scan3A to %scan3A_45 step %scan3A_46  : i32 {
      %mul3A_89 = arith.constant 1 : i32
      %mul3A_90 = arith.muli %scan3A_88, %mul3A_89 : i32
      %add3A_91 = arith.constant 8 : i32
      %add3A_92 = arith.addi %add3A_91, %mul3A_90 : i32
      %sub3A = arith.constant 8 : i32
      %sub3A_93 = arith.subi %add3A_92, %sub3A : i32
      %mul3A_94 = arith.constant 80 : i32
      %mul3A_95 = arith.muli %sub3A_93, %mul3A_94 : i32
      %dma_wait3A_96 = tpu.memref_slice %arg6[%mul3A_95] : memref<10000xi32, #tpu.memory_space<vmem>> -> memref<80xi32, #tpu.memory_space<vmem>>
      %dma_wait3A_97 = arith.constant 0 : i32
      %dma_wait3A_98 = arith.constant 0 : i32
      %dma_wait3A_99 = tpu.memref_slice %arg8[%dma_wait3A_97, %dma_wait3A_98] : memref<10240x128xf32, #tpu.memory_space<vmem_shared>> -> memref<10240x128xf32, #tpu.memory_space<vmem_shared>>
      tpu.wait_indirect_dma semaphore(%arg9 : memref<!tpu.dma_semaphore, #tpu.memory_space<semaphore_mem>>) src(%arg7 : memref<80x128xf32, #tpu.memory_space<vmem>>) dst(%dma_wait3A_99 : memref<10240x128xf32, #tpu.memory_space<vmem_shared>>)
      %mul3A_100 = arith.constant 80 : i32
      %mul3A_101 = arith.muli %add3A_92, %mul3A_100 : i32
      %dma_start3A_102 = tpu.memref_slice %arg6[%mul3A_101] : memref<10000xi32, #tpu.memory_space<vmem>> -> memref<80xi32, #tpu.memory_space<vmem>>
      %dma_start3A_103 = arith.constant 0 : i32
      %dma_start3A_104 = arith.constant 0 : i32
      %dma_start3A_105 = tpu.memref_slice %arg8[%dma_start3A_103, %dma_start3A_104] : memref<10240x128xf32, #tpu.memory_space<vmem_shared>> -> memref<10240x128xf32, #tpu.memory_space<vmem_shared>>
      tpu.enqueue_indirect_dma source(%arg7 : memref<80x128xf32, #tpu.memory_space<vmem>>) target(%dma_start3A_105 : memref<10240x128xf32, #tpu.memory_space<vmem_shared>>) offsets(%dma_start3A_102 : memref<80xi32, #tpu.memory_space<vmem>>) semaphore(%arg9 : memref<!tpu.dma_semaphore, #tpu.memory_space<semaphore_mem>>) {add = true}
    }
    %scan3A_47 = arith.constant 117 : i32
    %dma_wait3A = arith.constant 9360 : i32
    %dma_wait3A_48 = tpu.memref_slice %arg6[%dma_wait3A] : memref<10000xi32, #tpu.memory_space<vmem>> -> memref<80xi32, #tpu.memory_space<vmem>>
    %dma_wait3A_49 = arith.constant 0 : i32
    %dma_wait3A_50 = arith.constant 0 : i32
    %dma_wait3A_51 = tpu.memref_slice %arg8[%dma_wait3A_49, %dma_wait3A_50] : memref<10240x128xf32, #tpu.memory_space<vmem_shared>> -> memref<10240x128xf32, #tpu.memory_space<vmem_shared>>
    tpu.wait_indirect_dma semaphore(%arg9 : memref<!tpu.dma_semaphore, #tpu.memory_space<semaphore_mem>>) src(%arg7 : memref<80x128xf32, #tpu.memory_space<vmem>>) dst(%dma_wait3A_51 : memref<10240x128xf32, #tpu.memory_space<vmem_shared>>)
    %dma_wait3A_52 = arith.constant 9440 : i32
    %dma_wait3A_53 = tpu.memref_slice %arg6[%dma_wait3A_52] : memref<10000xi32, #tpu.memory_space<vmem>> -> memref<80xi32, #tpu.memory_space<vmem>>
    %dma_wait3A_54 = arith.constant 0 : i32
    %dma_wait3A_55 = arith.constant 0 : i32
    %dma_wait3A_56 = tpu.memref_slice %arg8[%dma_wait3A_54, %dma_wait3A_55] : memref<10240x128xf32, #tpu.memory_space<vmem_shared>> -> memref<10240x128xf32, #tpu.memory_space<vmem_shared>>
    tpu.wait_indirect_dma semaphore(%arg9 : memref<!tpu.dma_semaphore, #tpu.memory_space<semaphore_mem>>) src(%arg7 : memref<80x128xf32, #tpu.memory_space<vmem>>) dst(%dma_wait3A_56 : memref<10240x128xf32, #tpu.memory_space<vmem_shared>>)
    %dma_wait3A_57 = arith.constant 9520 : i32
    %dma_wait3A_58 = tpu.memref_slice %arg6[%dma_wait3A_57] : memref<10000xi32, #tpu.memory_space<vmem>> -> memref<80xi32, #tpu.memory_space<vmem>>
    %dma_wait3A_59 = arith.constant 0 : i32
    %dma_wait3A_60 = arith.constant 0 : i32
    %dma_wait3A_61 = tpu.memref_slice %arg8[%dma_wait3A_59, %dma_wait3A_60] : memref<10240x128xf32, #tpu.memory_space<vmem_shared>> -> memref<10240x128xf32, #tpu.memory_space<vmem_shared>>
    tpu.wait_indirect_dma semaphore(%arg9 : memref<!tpu.dma_semaphore, #tpu.memory_space<semaphore_mem>>) src(%arg7 : memref<80x128xf32, #tpu.memory_space<vmem>>) dst(%dma_wait3A_61 : memref<10240x128xf32, #tpu.memory_space<vmem_shared>>)
    %dma_wait3A_62 = arith.constant 9600 : i32
    %dma_wait3A_63 = tpu.memref_slice %arg6[%dma_wait3A_62] : memref<10000xi32, #tpu.memory_space<vmem>> -> memref<80xi32, #tpu.memory_space<vmem>>
    %dma_wait3A_64 = arith.constant 0 : i32
    %dma_wait3A_65 = arith.constant 0 : i32
    %dma_wait3A_66 = tpu.memref_slice %arg8[%dma_wait3A_64, %dma_wait3A_65] : memref<10240x128xf32, #tpu.memory_space<vmem_shared>> -> memref<10240x128xf32, #tpu.memory_space<vmem_shared>>
    tpu.wait_indirect_dma semaphore(%arg9 : memref<!tpu.dma_semaphore, #tpu.memory_space<semaphore_mem>>) src(%arg7 : memref<80x128xf32, #tpu.memory_space<vmem>>) dst(%dma_wait3A_66 : memref<10240x128xf32, #tpu.memory_space<vmem_shared>>)
    %dma_wait3A_67 = arith.constant 9680 : i32
    %dma_wait3A_68 = tpu.memref_slice %arg6[%dma_wait3A_67] : memref<10000xi32, #tpu.memory_space<vmem>> -> memref<80xi32, #tpu.memory_space<vmem>>
    %dma_wait3A_69 = arith.constant 0 : i32
    %dma_wait3A_70 = arith.constant 0 : i32
    %dma_wait3A_71 = tpu.memref_slice %arg8[%dma_wait3A_69, %dma_wait3A_70] : memref<10240x128xf32, #tpu.memory_space<vmem_shared>> -> memref<10240x128xf32, #tpu.memory_space<vmem_shared>>
    tpu.wait_indirect_dma semaphore(%arg9 : memref<!tpu.dma_semaphore, #tpu.memory_space<semaphore_mem>>) src(%arg7 : memref<80x128xf32, #tpu.memory_space<vmem>>) dst(%dma_wait3A_71 : memref<10240x128xf32, #tpu.memory_space<vmem_shared>>)
    %dma_wait3A_72 = arith.constant 9760 : i32
    %dma_wait3A_73 = tpu.memref_slice %arg6[%dma_wait3A_72] : memref<10000xi32, #tpu.memory_space<vmem>> -> memref<80xi32, #tpu.memory_space<vmem>>
    %dma_wait3A_74 = arith.constant 0 : i32
    %dma_wait3A_75 = arith.constant 0 : i32
    %dma_wait3A_76 = tpu.memref_slice %arg8[%dma_wait3A_74, %dma_wait3A_75] : memref<10240x128xf32, #tpu.memory_space<vmem_shared>> -> memref<10240x128xf32, #tpu.memory_space<vmem_shared>>
    tpu.wait_indirect_dma semaphore(%arg9 : memref<!tpu.dma_semaphore, #tpu.memory_space<semaphore_mem>>) src(%arg7 : memref<80x128xf32, #tpu.memory_space<vmem>>) dst(%dma_wait3A_76 : memref<10240x128xf32, #tpu.memory_space<vmem_shared>>)
    %dma_wait3A_77 = arith.constant 9840 : i32
    %dma_wait3A_78 = tpu.memref_slice %arg6[%dma_wait3A_77] : memref<10000xi32, #tpu.memory_space<vmem>> -> memref<80xi32, #tpu.memory_space<vmem>>
    %dma_wait3A_79 = arith.constant 0 : i32
    %dma_wait3A_80 = arith.constant 0 : i32
    %dma_wait3A_81 = tpu.memref_slice %arg8[%dma_wait3A_79, %dma_wait3A_80] : memref<10240x128xf32, #tpu.memory_space<vmem_shared>> -> memref<10240x128xf32, #tpu.memory_space<vmem_shared>>
    tpu.wait_indirect_dma semaphore(%arg9 : memref<!tpu.dma_semaphore, #tpu.memory_space<semaphore_mem>>) src(%arg7 : memref<80x128xf32, #tpu.memory_space<vmem>>) dst(%dma_wait3A_81 : memref<10240x128xf32, #tpu.memory_space<vmem_shared>>)
    %dma_wait3A_82 = arith.constant 9920 : i32
    %dma_wait3A_83 = tpu.memref_slice %arg6[%dma_wait3A_82] : memref<10000xi32, #tpu.memory_space<vmem>> -> memref<80xi32, #tpu.memory_space<vmem>>
    %dma_wait3A_84 = arith.constant 0 : i32
    %dma_wait3A_85 = arith.constant 0 : i32
    %dma_wait3A_86 = tpu.memref_slice %arg8[%dma_wait3A_84, %dma_wait3A_85] : memref<10240x128xf32, #tpu.memory_space<vmem_shared>> -> memref<10240x128xf32, #tpu.memory_space<vmem_shared>>
    tpu.wait_indirect_dma semaphore(%arg9 : memref<!tpu.dma_semaphore, #tpu.memory_space<semaphore_mem>>) src(%arg7 : memref<80x128xf32, #tpu.memory_space<vmem>>) dst(%dma_wait3A_86 : memref<10240x128xf32, #tpu.memory_space<vmem_shared>>)
    %barrier3A_87 = arith.constant 0 : index
    tpu.barrier barrier_id(%barrier3A_87)
    "tpu.region"() ({
      %run_scoped3A = tpu.sem_alloc : memref<!tpu.dma_semaphore, #tpu.memory_space<semaphore_mem>>
      %dma_start3A_88 = arith.constant 0 : i32
      %dma_start3A_89 = tpu.memref_slice %arg5[%arg0, %mul3A_0, %dma_start3A_88] : memref<2x10240x128xf32, #tpu.memory_space<hbm>> -> memref<1x640x128xf32, #tpu.memory_space<hbm>>
      %dma_start3A_90 = tpu.memref_squeeze %dma_start3A_89 : memref<1x640x128xf32, #tpu.memory_space<hbm>> -> memref<640x128xf32, #tpu.memory_space<hbm>>
      %dma_start3A_91 = arith.constant 0 : i32
      %dma_start3A_92 = tpu.memref_slice %arg8[%mul3A_0, %dma_start3A_91] : memref<10240x128xf32, #tpu.memory_space<vmem_shared>> -> memref<640x128xf32, #tpu.memory_space<vmem_shared>>
      tpu.enqueue_dma source(%dma_start3A_92 : memref<640x128xf32, #tpu.memory_space<vmem_shared>>) target(%dma_start3A_90 : memref<640x128xf32, #tpu.memory_space<hbm>>) target_semaphore(%run_scoped3A : memref<!tpu.dma_semaphore, #tpu.memory_space<semaphore_mem>>)
      %dma_wait3A_93 = arith.constant 0 : i32
      %dma_wait3A_94 = tpu.memref_slice %arg5[%arg0, %mul3A_0, %dma_wait3A_93] : memref<2x10240x128xf32, #tpu.memory_space<hbm>> -> memref<1x640x128xf32, #tpu.memory_space<hbm>>
      %dma_wait3A_95 = tpu.memref_squeeze %dma_wait3A_94 : memref<1x640x128xf32, #tpu.memory_space<hbm>> -> memref<640x128xf32, #tpu.memory_space<hbm>>
      %dma_wait3A_96 = arith.constant 0 : i32
      %dma_wait3A_97 = tpu.memref_slice %arg8[%mul3A_0, %dma_wait3A_96] : memref<10240x128xf32, #tpu.memory_space<vmem_shared>> -> memref<640x128xf32, #tpu.memory_space<vmem_shared>>
      tpu.wait_dma2 semaphore(%run_scoped3A : memref<!tpu.dma_semaphore, #tpu.memory_space<semaphore_mem>>) src(%dma_wait3A_97 : memref<640x128xf32, #tpu.memory_space<vmem_shared>>) dst(%dma_wait3A_95 : memref<640x128xf32, #tpu.memory_space<hbm>>)
      tpu.yield
    }) : () -> ()
    return
  }
}

module attributes {stable_mosaic.version = 14 : i64} {
  func.func @_stage1_body(%arg0: i32, %arg1: memref<1000x128xf32, #tpu.memory_space<vmem>>, %arg2: memref<128x128xf32, #tpu.memory_space<vmem>>, %arg3: memref<1x128xf32, #tpu.memory_space<vmem>>, %arg4: memref<1000x128xf32, #tpu.memory_space<vmem>>) attributes {dimension_semantics = [#tpu.dimension_semantics<arbitrary>], iteration_bounds = array<i64: 10>, scalar_prefetch = 0 : i64, scratch_operands = 0 : i64, tpu.core_type = #tpu.core_type<tc>, window_params = [{transform_indices = @transform_0, window_bounds = array<i64: 1000, 128>}, {pipeline_mode = #tpu.pipeline_mode<synchronous>, transform_indices = @transform_1, window_bounds = array<i64: 128, 128>}, {pipeline_mode = #tpu.pipeline_mode<synchronous>, transform_indices = @transform_2, window_bounds = array<i64: 1, 128>}, {transform_indices = @transform_3, window_bounds = array<i64: 1000, 128>}]} {
    %get3A = arith.constant 0 : index
    %get3A_0 = arith.constant 0 : index
    %get3A_1 = vector.load %arg1[%get3A, %get3A_0] : memref<1000x128xf32, #tpu.memory_space<vmem>>, vector<1000x128xf32>
    %mul3A = arith.mulf %get3A_1, %get3A_1 : vector<1000x128xf32>
    %reduce_sum3A = arith.constant dense<0.000000e+00> : vector<1000xf32>
    %reduce_sum3A_2 = vector.multi_reduction <add>, %mul3A, %reduce_sum3A [1] : vector<1000x128xf32> to vector<1000xf32>
    %broadcast_in_dim3A = vector.shape_cast %reduce_sum3A_2 : vector<1000xf32> to vector<1000x1xf32>
    %add3A = arith.constant 1.000000e-15 : f32
    %add3A_3 = vector.broadcast %add3A : f32 to vector<1000x1xf32>
    %add3A_4 = arith.addf %broadcast_in_dim3A, %add3A_3 : vector<1000x1xf32>
    %sqrt3A = math.sqrt %add3A_4 : vector<1000x1xf32>
    %tanh3A = math.tanh %sqrt3A : vector<1000x1xf32>
    %mul3A_5 = vector.broadcast %tanh3A : vector<1000x1xf32> to vector<1000x128xf32>
    %mul3A_6 = arith.mulf %mul3A_5, %get3A_1 : vector<1000x128xf32>
    %div3A = vector.broadcast %sqrt3A : vector<1000x1xf32> to vector<1000x128xf32>
    %div3A_7 = arith.divf %mul3A_6, %div3A : vector<1000x128xf32>
    %mul3A_8 = arith.mulf %div3A_7, %div3A_7 : vector<1000x128xf32>
    %reduce_sum3A_9 = arith.constant dense<0.000000e+00> : vector<1000xf32>
    %reduce_sum3A_10 = vector.multi_reduction <add>, %mul3A_8, %reduce_sum3A_9 [1] : vector<1000x128xf32> to vector<1000xf32>
    %broadcast_in_dim3A_11 = vector.shape_cast %reduce_sum3A_10 : vector<1000xf32> to vector<1000x1xf32>
    %add3A_12 = arith.constant 1.000000e-15 : f32
    %add3A_13 = vector.broadcast %add3A_12 : f32 to vector<1000x1xf32>
    %add3A_14 = arith.addf %broadcast_in_dim3A_11, %add3A_13 : vector<1000x1xf32>
    %sqrt3A_15 = math.sqrt %add3A_14 : vector<1000x1xf32>
    %gt3A = arith.constant 0.999989986 : f32
    %gt3A_16 = vector.broadcast %gt3A : f32 to vector<1000x1xf32>
    %gt3A_17 = arith.cmpf ogt, %sqrt3A_15, %gt3A_16 : vector<1000x1xf32>
    %div3A_18 = vector.broadcast %sqrt3A_15 : vector<1000x1xf32> to vector<1000x128xf32>
    %div3A_19 = arith.divf %div3A_7, %div3A_18 : vector<1000x128xf32>
    %mul3A_20 = arith.constant 0.999989986 : f32
    %mul3A_21 = vector.broadcast %mul3A_20 : f32 to vector<1000x128xf32>
    %mul3A_22 = arith.mulf %div3A_19, %mul3A_21 : vector<1000x128xf32>
    %broadcast_in_dim3A_23 = vector.shape_cast %gt3A_17 : vector<1000x1xi1> to vector<1000x1xi1>
    %broadcast_in_dim3A_24 = vector.broadcast %broadcast_in_dim3A_23 : vector<1000x1xi1> to vector<1000x128xi1>
    %select_n3A = arith.select %broadcast_in_dim3A_24, %mul3A_22, %div3A_7 : vector<1000x128xi1>, vector<1000x128xf32>
    %get3A_25 = arith.constant 0 : index
    %get3A_26 = arith.constant 0 : index
    %get3A_27 = vector.load %arg2[%get3A_25, %get3A_26] : memref<128x128xf32, #tpu.memory_space<vmem>>, vector<128x128xf32>
    %get3A_28 = arith.constant 0 : index
    %get3A_29 = arith.constant 0 : index
    %get3A_30 = vector.load %arg3[%get3A_28, %get3A_29] : memref<1x128xf32, #tpu.memory_space<vmem>>, vector<1x128xf32>
    %mul3A_31 = arith.mulf %select_n3A, %select_n3A : vector<1000x128xf32>
    %reduce_sum3A_32 = arith.constant dense<0.000000e+00> : vector<1000xf32>
    %reduce_sum3A_33 = vector.multi_reduction <add>, %mul3A_31, %reduce_sum3A_32 [1] : vector<1000x128xf32> to vector<1000xf32>
    %broadcast_in_dim3A_34 = vector.shape_cast %reduce_sum3A_33 : vector<1000xf32> to vector<1000x1xf32>
    %add3A_35 = arith.constant 1.000000e-15 : f32
    %add3A_36 = vector.broadcast %add3A_35 : f32 to vector<1000x1xf32>
    %add3A_37 = arith.addf %broadcast_in_dim3A_34, %add3A_36 : vector<1000x1xf32>
    %sqrt3A_38 = math.sqrt %add3A_37 : vector<1000x1xf32>
    %dot_general3A = arith.constant dense<0.000000e+00> : vector<1000x128xf32>
    %dot_general3A_39 = tpu.matmul %select_n3A, %get3A_27, %dot_general3A {dimension_numbers = #tpu.dot_dimension_numbers<[1], [1], [0], [0], [0, 0, 1, 0], [], []>, transpose_lhs_hint = false} : vector<1000x128xf32>, vector<128x128xf32>, vector<1000x128xf32> -> vector<1000x128xf32>
    %mul3A_40 = arith.mulf %dot_general3A_39, %dot_general3A_39 : vector<1000x128xf32>
    %reduce_sum3A_41 = arith.constant dense<0.000000e+00> : vector<1000xf32>
    %reduce_sum3A_42 = vector.multi_reduction <add>, %mul3A_40, %reduce_sum3A_41 [1] : vector<1000x128xf32> to vector<1000xf32>
    %broadcast_in_dim3A_43 = vector.shape_cast %reduce_sum3A_42 : vector<1000xf32> to vector<1000x1xf32>
    %add3A_44 = arith.constant 1.000000e-15 : f32
    %add3A_45 = vector.broadcast %add3A_44 : f32 to vector<1000x1xf32>
    %add3A_46 = arith.addf %broadcast_in_dim3A_43, %add3A_45 : vector<1000x1xf32>
    %sqrt3A_47 = math.sqrt %add3A_46 : vector<1000x1xf32>
    %div3A_48 = arith.divf %sqrt3A_47, %sqrt3A_38 : vector<1000x1xf32>
    %jit3A = arith.constant -0.99999988 : f32
    %jit3A_49 = arith.constant 0.99999988 : f32
    %max3A = vector.broadcast %jit3A : f32 to vector<1000x1xf32>
    %max3A_50 = arith.maximumf %max3A, %sqrt3A_38 : vector<1000x1xf32>
    %min3A = vector.broadcast %jit3A_49 : f32 to vector<1000x1xf32>
    %min3A_51 = arith.minimumf %min3A, %max3A_50 : vector<1000x1xf32>
    %add3A_52 = arith.constant 1.000000e+00 : f32
    %add3A_53 = vector.broadcast %add3A_52 : f32 to vector<1000x1xf32>
    %add3A_54 = arith.addf %add3A_53, %min3A_51 : vector<1000x1xf32>
    %sub3A = arith.constant 1.000000e+00 : f32
    %sub3A_55 = vector.broadcast %sub3A : f32 to vector<1000x1xf32>
    %sub3A_56 = arith.subf %sub3A_55, %min3A_51 : vector<1000x1xf32>
    %div3A_57 = arith.divf %add3A_54, %sub3A_56 : vector<1000x1xf32>
    %log3A = math.log %div3A_57 : vector<1000x1xf32>
    %mul3A_58 = arith.constant 5.000000e-01 : f32
    %mul3A_59 = vector.broadcast %mul3A_58 : f32 to vector<1000x1xf32>
    %mul3A_60 = arith.mulf %mul3A_59, %log3A : vector<1000x1xf32>
    %mul3A_61 = arith.mulf %div3A_48, %mul3A_60 : vector<1000x1xf32>
    %tanh3A_62 = math.tanh %mul3A_61 : vector<1000x1xf32>
    %mul3A_63 = vector.broadcast %tanh3A_62 : vector<1000x1xf32> to vector<1000x128xf32>
    %mul3A_64 = arith.mulf %mul3A_63, %dot_general3A_39 : vector<1000x128xf32>
    %div3A_65 = vector.broadcast %sqrt3A_47 : vector<1000x1xf32> to vector<1000x128xf32>
    %div3A_66 = arith.divf %mul3A_64, %div3A_65 : vector<1000x128xf32>
    %mul3A_67 = arith.mulf %div3A_66, %div3A_66 : vector<1000x128xf32>
    %reduce_sum3A_68 = arith.constant dense<0.000000e+00> : vector<1000xf32>
    %reduce_sum3A_69 = vector.multi_reduction <add>, %mul3A_67, %reduce_sum3A_68 [1] : vector<1000x128xf32> to vector<1000xf32>
    %broadcast_in_dim3A_70 = vector.shape_cast %reduce_sum3A_69 : vector<1000xf32> to vector<1000x1xf32>
    %add3A_71 = arith.constant 1.000000e-15 : f32
    %add3A_72 = vector.broadcast %add3A_71 : f32 to vector<1000x1xf32>
    %add3A_73 = arith.addf %broadcast_in_dim3A_70, %add3A_72 : vector<1000x1xf32>
    %sqrt3A_74 = math.sqrt %add3A_73 : vector<1000x1xf32>
    %gt3A_75 = arith.constant 0.999989986 : f32
    %gt3A_76 = vector.broadcast %gt3A_75 : f32 to vector<1000x1xf32>
    %gt3A_77 = arith.cmpf ogt, %sqrt3A_74, %gt3A_76 : vector<1000x1xf32>
    %div3A_78 = vector.broadcast %sqrt3A_74 : vector<1000x1xf32> to vector<1000x128xf32>
    %div3A_79 = arith.divf %div3A_66, %div3A_78 : vector<1000x128xf32>
    %mul3A_80 = arith.constant 0.999989986 : f32
    %mul3A_81 = vector.broadcast %mul3A_80 : f32 to vector<1000x128xf32>
    %mul3A_82 = arith.mulf %div3A_79, %mul3A_81 : vector<1000x128xf32>
    %broadcast_in_dim3A_83 = vector.shape_cast %gt3A_77 : vector<1000x1xi1> to vector<1000x1xi1>
    %broadcast_in_dim3A_84 = vector.broadcast %broadcast_in_dim3A_83 : vector<1000x1xi1> to vector<1000x128xi1>
    %select_n3A_85 = arith.select %broadcast_in_dim3A_84, %mul3A_82, %div3A_66 : vector<1000x128xi1>, vector<1000x128xf32>
    %mul3A_86 = arith.mulf %get3A_30, %get3A_30 : vector<1x128xf32>
    %reduce_sum3A_87 = arith.constant dense<0.000000e+00> : vector<1xf32>
    %reduce_sum3A_88 = vector.multi_reduction <add>, %mul3A_86, %reduce_sum3A_87 [1] : vector<1x128xf32> to vector<1xf32>
    %broadcast_in_dim3A_89 = vector.shape_cast %reduce_sum3A_88 : vector<1xf32> to vector<1x1xf32>
    %add3A_90 = arith.constant 1.000000e-15 : f32
    %add3A_91 = vector.broadcast %add3A_90 : f32 to vector<1x1xf32>
    %add3A_92 = arith.addf %broadcast_in_dim3A_89, %add3A_91 : vector<1x1xf32>
    %sqrt3A_93 = math.sqrt %add3A_92 : vector<1x1xf32>
    %tanh3A_94 = math.tanh %sqrt3A_93 : vector<1x1xf32>
    %mul3A_95 = vector.broadcast %tanh3A_94 : vector<1x1xf32> to vector<1x128xf32>
    %mul3A_96 = arith.mulf %mul3A_95, %get3A_30 : vector<1x128xf32>
    %div3A_97 = vector.broadcast %sqrt3A_93 : vector<1x1xf32> to vector<1x128xf32>
    %div3A_98 = arith.divf %mul3A_96, %div3A_97 : vector<1x128xf32>
    %mul3A_99 = arith.mulf %div3A_98, %div3A_98 : vector<1x128xf32>
    %reduce_sum3A_100 = arith.constant dense<0.000000e+00> : vector<1xf32>
    %reduce_sum3A_101 = vector.multi_reduction <add>, %mul3A_99, %reduce_sum3A_100 [1] : vector<1x128xf32> to vector<1xf32>
    %broadcast_in_dim3A_102 = vector.shape_cast %reduce_sum3A_101 : vector<1xf32> to vector<1x1xf32>
    %add3A_103 = arith.constant 1.000000e-15 : f32
    %add3A_104 = vector.broadcast %add3A_103 : f32 to vector<1x1xf32>
    %add3A_105 = arith.addf %broadcast_in_dim3A_102, %add3A_104 : vector<1x1xf32>
    %sqrt3A_106 = math.sqrt %add3A_105 : vector<1x1xf32>
    %gt3A_107 = arith.constant 0.999989986 : f32
    %gt3A_108 = vector.broadcast %gt3A_107 : f32 to vector<1x1xf32>
    %gt3A_109 = arith.cmpf ogt, %sqrt3A_106, %gt3A_108 : vector<1x1xf32>
    %div3A_110 = vector.broadcast %sqrt3A_106 : vector<1x1xf32> to vector<1x128xf32>
    %div3A_111 = arith.divf %div3A_98, %div3A_110 : vector<1x128xf32>
    %mul3A_112 = arith.constant 0.999989986 : f32
    %mul3A_113 = vector.broadcast %mul3A_112 : f32 to vector<1x128xf32>
    %mul3A_114 = arith.mulf %div3A_111, %mul3A_113 : vector<1x128xf32>
    %broadcast_in_dim3A_115 = vector.shape_cast %gt3A_109 : vector<1x1xi1> to vector<1x1xi1>
    %broadcast_in_dim3A_116 = vector.broadcast %broadcast_in_dim3A_115 : vector<1x1xi1> to vector<1x128xi1>
    %select_n3A_117 = arith.select %broadcast_in_dim3A_116, %mul3A_114, %div3A_98 : vector<1x128xi1>, vector<1x128xf32>
    %mul3A_118 = arith.mulf %select_n3A_85, %select_n3A_85 : vector<1000x128xf32>
    %reduce_sum3A_119 = arith.constant dense<0.000000e+00> : vector<1000xf32>
    %reduce_sum3A_120 = vector.multi_reduction <add>, %mul3A_118, %reduce_sum3A_119 [1] : vector<1000x128xf32> to vector<1000xf32>
    %broadcast_in_dim3A_121 = vector.shape_cast %reduce_sum3A_120 : vector<1000xf32> to vector<1000x1xf32>
    %mul3A_122 = arith.mulf %select_n3A_117, %select_n3A_117 : vector<1x128xf32>
    %reduce_sum3A_123 = arith.constant dense<0.000000e+00> : vector<1xf32>
    %reduce_sum3A_124 = vector.multi_reduction <add>, %mul3A_122, %reduce_sum3A_123 [1] : vector<1x128xf32> to vector<1xf32>
    %broadcast_in_dim3A_125 = vector.shape_cast %reduce_sum3A_124 : vector<1xf32> to vector<1x1xf32>
    %mul3A_126 = vector.broadcast %select_n3A_117 : vector<1x128xf32> to vector<1000x128xf32>
    %mul3A_127 = arith.mulf %select_n3A_85, %mul3A_126 : vector<1000x128xf32>
    %reduce_sum3A_128 = arith.constant dense<0.000000e+00> : vector<1000xf32>
    %reduce_sum3A_129 = vector.multi_reduction <add>, %mul3A_127, %reduce_sum3A_128 [1] : vector<1000x128xf32> to vector<1000xf32>
    %broadcast_in_dim3A_130 = vector.shape_cast %reduce_sum3A_129 : vector<1000xf32> to vector<1000x1xf32>
    %mul3A_131 = arith.constant 2.000000e+00 : f32
    %mul3A_132 = vector.broadcast %mul3A_131 : f32 to vector<1000x1xf32>
    %mul3A_133 = arith.mulf %mul3A_132, %broadcast_in_dim3A_130 : vector<1000x1xf32>
    %add3A_134 = arith.constant 1.000000e+00 : f32
    %add3A_135 = vector.broadcast %add3A_134 : f32 to vector<1000x1xf32>
    %add3A_136 = arith.addf %add3A_135, %mul3A_133 : vector<1000x1xf32>
    %add3A_137 = vector.broadcast %broadcast_in_dim3A_125 : vector<1x1xf32> to vector<1000x1xf32>
    %add3A_138 = arith.addf %add3A_136, %add3A_137 : vector<1000x1xf32>
    %mul3A_139 = vector.broadcast %add3A_138 : vector<1000x1xf32> to vector<1000x128xf32>
    %mul3A_140 = arith.mulf %mul3A_139, %select_n3A_85 : vector<1000x128xf32>
    %sub3A_141 = arith.constant 1.000000e+00 : f32
    %sub3A_142 = vector.broadcast %sub3A_141 : f32 to vector<1000x1xf32>
    %sub3A_143 = arith.subf %sub3A_142, %broadcast_in_dim3A_121 : vector<1000x1xf32>
    %mul3A_144 = vector.broadcast %sub3A_143 : vector<1000x1xf32> to vector<1000x128xf32>
    %mul3A_145 = vector.broadcast %select_n3A_117 : vector<1x128xf32> to vector<1000x128xf32>
    %mul3A_146 = arith.mulf %mul3A_144, %mul3A_145 : vector<1000x128xf32>
    %add3A_147 = arith.addf %mul3A_140, %mul3A_146 : vector<1000x128xf32>
    %mul3A_148 = arith.constant 2.000000e+00 : f32
    %mul3A_149 = vector.broadcast %mul3A_148 : f32 to vector<1000x1xf32>
    %mul3A_150 = arith.mulf %mul3A_149, %broadcast_in_dim3A_130 : vector<1000x1xf32>
    %add3A_151 = arith.constant 1.000000e+00 : f32
    %add3A_152 = vector.broadcast %add3A_151 : f32 to vector<1000x1xf32>
    %add3A_153 = arith.addf %add3A_152, %mul3A_150 : vector<1000x1xf32>
    %mul3A_154 = vector.broadcast %broadcast_in_dim3A_125 : vector<1x1xf32> to vector<1000x1xf32>
    %mul3A_155 = arith.mulf %broadcast_in_dim3A_121, %mul3A_154 : vector<1000x1xf32>
    %add3A_156 = arith.addf %add3A_153, %mul3A_155 : vector<1000x1xf32>
    %max3A_157 = arith.constant 1.000000e-15 : f32
    %max3A_158 = vector.broadcast %max3A_157 : f32 to vector<1000x1xf32>
    %max3A_159 = arith.maximumf %add3A_156, %max3A_158 : vector<1000x1xf32>
    %div3A_160 = vector.broadcast %max3A_159 : vector<1000x1xf32> to vector<1000x128xf32>
    %div3A_161 = arith.divf %add3A_147, %div3A_160 : vector<1000x128xf32>
    %mul3A_162 = arith.mulf %div3A_161, %div3A_161 : vector<1000x128xf32>
    %reduce_sum3A_163 = arith.constant dense<0.000000e+00> : vector<1000xf32>
    %reduce_sum3A_164 = vector.multi_reduction <add>, %mul3A_162, %reduce_sum3A_163 [1] : vector<1000x128xf32> to vector<1000xf32>
    %broadcast_in_dim3A_165 = vector.shape_cast %reduce_sum3A_164 : vector<1000xf32> to vector<1000x1xf32>
    %add3A_166 = arith.constant 1.000000e-15 : f32
    %add3A_167 = vector.broadcast %add3A_166 : f32 to vector<1000x1xf32>
    %add3A_168 = arith.addf %broadcast_in_dim3A_165, %add3A_167 : vector<1000x1xf32>
    %sqrt3A_169 = math.sqrt %add3A_168 : vector<1000x1xf32>
    %gt3A_170 = arith.constant 0.999989986 : f32
    %gt3A_171 = vector.broadcast %gt3A_170 : f32 to vector<1000x1xf32>
    %gt3A_172 = arith.cmpf ogt, %sqrt3A_169, %gt3A_171 : vector<1000x1xf32>
    %div3A_173 = vector.broadcast %sqrt3A_169 : vector<1000x1xf32> to vector<1000x128xf32>
    %div3A_174 = arith.divf %div3A_161, %div3A_173 : vector<1000x128xf32>
    %mul3A_175 = arith.constant 0.999989986 : f32
    %mul3A_176 = vector.broadcast %mul3A_175 : f32 to vector<1000x128xf32>
    %mul3A_177 = arith.mulf %div3A_174, %mul3A_176 : vector<1000x128xf32>
    %broadcast_in_dim3A_178 = vector.shape_cast %gt3A_172 : vector<1000x1xi1> to vector<1000x1xi1>
    %broadcast_in_dim3A_179 = vector.broadcast %broadcast_in_dim3A_178 : vector<1000x1xi1> to vector<1000x128xi1>
    %select_n3A_180 = arith.select %broadcast_in_dim3A_179, %mul3A_177, %div3A_161 : vector<1000x128xi1>, vector<1000x128xf32>
    %mul3A_181 = arith.mulf %select_n3A_180, %select_n3A_180 : vector<1000x128xf32>
    %reduce_sum3A_182 = arith.constant dense<0.000000e+00> : vector<1000xf32>
    %reduce_sum3A_183 = vector.multi_reduction <add>, %mul3A_181, %reduce_sum3A_182 [1] : vector<1000x128xf32> to vector<1000xf32>
    %broadcast_in_dim3A_184 = vector.shape_cast %reduce_sum3A_183 : vector<1000xf32> to vector<1000x1xf32>
    %add3A_185 = arith.constant 1.000000e-15 : f32
    %add3A_186 = vector.broadcast %add3A_185 : f32 to vector<1000x1xf32>
    %add3A_187 = arith.addf %broadcast_in_dim3A_184, %add3A_186 : vector<1000x1xf32>
    %sqrt3A_188 = math.sqrt %add3A_187 : vector<1000x1xf32>
    %jit3A_189 = arith.constant -0.99999988 : f32
    %jit3A_190 = arith.constant 0.99999988 : f32
    %max3A_191 = vector.broadcast %jit3A_189 : f32 to vector<1000x1xf32>
    %max3A_192 = arith.maximumf %max3A_191, %sqrt3A_188 : vector<1000x1xf32>
    %min3A_193 = vector.broadcast %jit3A_190 : f32 to vector<1000x1xf32>
    %min3A_194 = arith.minimumf %min3A_193, %max3A_192 : vector<1000x1xf32>
    %add3A_195 = arith.constant 1.000000e+00 : f32
    %add3A_196 = vector.broadcast %add3A_195 : f32 to vector<1000x1xf32>
    %add3A_197 = arith.addf %add3A_196, %min3A_194 : vector<1000x1xf32>
    %sub3A_198 = arith.constant 1.000000e+00 : f32
    %sub3A_199 = vector.broadcast %sub3A_198 : f32 to vector<1000x1xf32>
    %sub3A_200 = arith.subf %sub3A_199, %min3A_194 : vector<1000x1xf32>
    %div3A_201 = arith.divf %add3A_197, %sub3A_200 : vector<1000x1xf32>
    %log3A_202 = math.log %div3A_201 : vector<1000x1xf32>
    %mul3A_203 = arith.constant 5.000000e-01 : f32
    %mul3A_204 = vector.broadcast %mul3A_203 : f32 to vector<1000x1xf32>
    %mul3A_205 = arith.mulf %mul3A_204, %log3A_202 : vector<1000x1xf32>
    %mul3A_206 = vector.broadcast %mul3A_205 : vector<1000x1xf32> to vector<1000x128xf32>
    %mul3A_207 = arith.mulf %mul3A_206, %select_n3A_180 : vector<1000x128xf32>
    %div3A_208 = vector.broadcast %sqrt3A_188 : vector<1000x1xf32> to vector<1000x128xf32>
    %div3A_209 = arith.divf %mul3A_207, %div3A_208 : vector<1000x128xf32>
    %swap3A = arith.constant 0 : index
    %swap3A_210 = arith.constant 0 : index
    %swap3A_211 = vector.load %arg4[%swap3A, %swap3A_210] : memref<1000x128xf32, #tpu.memory_space<vmem>>, vector<1000x128xf32>
    tpu.vector_store %arg4[%swap3A, %swap3A_210], %div3A_209 {strides = array<i32>} : memref<1000x128xf32, #tpu.memory_space<vmem>>, vector<1000x128xf32>,
    return
  }
  func.func @transform_0(%arg0: i32) -> (i32, i32) {
    %c0_i32 = arith.constant 0 : i32
    %c0_i32_0 = arith.constant 0 : i32
    return %arg0, %c0_i32 : i32, i32
  }
  func.func @transform_1(%arg0: i32) -> (i32, i32) {
    %c0_i32 = arith.constant 0 : i32
    %c0_i32_0 = arith.constant 0 : i32
    %c0_i32_1 = arith.constant 0 : i32
    return %c0_i32, %c0_i32_0 : i32, i32
  }
  func.func @transform_2(%arg0: i32) -> (i32, i32) {
    %c0_i32 = arith.constant 0 : i32
    %c0_i32_0 = arith.constant 0 : i32
    %c0_i32_1 = arith.constant 0 : i32
    return %c0_i32, %c0_i32_0 : i32, i32
  }
  func.func @transform_3(%arg0: i32) -> (i32, i32) {
    %c0_i32 = arith.constant 0 : i32
    %c0_i32_0 = arith.constant 0 : i32
    return %arg0, %c0_i32 : i32, i32
  }
}

module attributes {stable_mosaic.version = 14 : i64} {
  func.func @_stage2_body(%arg0: i32, %arg1: memref<2x1000x128xf32, #tpu.memory_space<vmem>>, %arg2: memref<2x1000x128xf32, #tpu.memory_space<vmem>>, %arg3: memref<128x128xf32, #tpu.memory_space<vmem>>, %arg4: memref<1x128xf32, #tpu.memory_space<vmem>>, %arg5: memref<1000x128xf32, #tpu.memory_space<vmem>>) attributes {dimension_semantics = [#tpu.dimension_semantics<arbitrary>], iteration_bounds = array<i64: 10>, scalar_prefetch = 0 : i64, scratch_operands = 0 : i64, tpu.core_type = #tpu.core_type<tc>, window_params = [{transform_indices = @transform_0, window_bounds = array<i64: 2, 1000, 128>}, {transform_indices = @transform_1, window_bounds = array<i64: 2, 1000, 128>}, {pipeline_mode = #tpu.pipeline_mode<synchronous>, transform_indices = @transform_2, window_bounds = array<i64: 128, 128>}, {pipeline_mode = #tpu.pipeline_mode<synchronous>, transform_indices = @transform_3, window_bounds = array<i64: 1, 128>}, {transform_indices = @transform_4, window_bounds = array<i64: 1000, 128>}]} {
    %get3A = arith.constant 0 : index
    %get3A_0 = arith.constant 0 : index
    %get3A_1 = arith.constant 0 : index
    %get3A_2 = vector.load %arg1[%get3A, %get3A_0, %get3A_1] : memref<2x1000x128xf32, #tpu.memory_space<vmem>>, vector<2x1000x128xf32>
    %get3A_3 = arith.constant 0 : index
    %get3A_4 = arith.constant 0 : index
    %get3A_5 = arith.constant 0 : index
    %get3A_6 = vector.load %arg2[%get3A_3, %get3A_4, %get3A_5] : memref<2x1000x128xf32, #tpu.memory_space<vmem>>, vector<2x1000x128xf32>
    %slice3A = vector.extract_strided_slice %get3A_2 {offsets = [0, 0, 0], sizes = [1, 1000, 128], strides = [1, 1, 1]} : vector<2x1000x128xf32> to vector<1x1000x128xf32>
    %squeeze3A = vector.shape_cast %slice3A : vector<1x1000x128xf32> to vector<1000x128xf32>
    %slice3A_7 = vector.extract_strided_slice %get3A_2 {offsets = [1, 0, 0], sizes = [1, 1000, 128], strides = [1, 1, 1]} : vector<2x1000x128xf32> to vector<1x1000x128xf32>
    %squeeze3A_8 = vector.shape_cast %slice3A_7 : vector<1x1000x128xf32> to vector<1000x128xf32>
    %add3A = arith.addf %squeeze3A, %squeeze3A_8 : vector<1000x128xf32>
    %slice3A_9 = vector.extract_strided_slice %get3A_6 {offsets = [0, 0, 0], sizes = [1, 1000, 1], strides = [1, 1, 1]} : vector<2x1000x128xf32> to vector<1x1000x1xf32>
    %squeeze3A_10 = vector.shape_cast %slice3A_9 : vector<1x1000x1xf32> to vector<1000x1xf32>
    %slice3A_11 = vector.extract_strided_slice %get3A_6 {offsets = [1, 0, 0], sizes = [1, 1000, 1], strides = [1, 1, 1]} : vector<2x1000x128xf32> to vector<1x1000x1xf32>
    %squeeze3A_12 = vector.shape_cast %slice3A_11 : vector<1x1000x1xf32> to vector<1000x1xf32>
    %add3A_13 = arith.addf %squeeze3A_10, %squeeze3A_12 : vector<1000x1xf32>
    %max3A = arith.constant 1.000000e+00 : f32
    %max3A_14 = vector.broadcast %max3A : f32 to vector<1000x1xf32>
    %max3A_15 = arith.maximumf %add3A_13, %max3A_14 : vector<1000x1xf32>
    %div3A = vector.broadcast %max3A_15 : vector<1000x1xf32> to vector<1000x128xf32>
    %div3A_16 = arith.divf %add3A, %div3A : vector<1000x128xf32>
    %mul3A = arith.mulf %div3A_16, %div3A_16 : vector<1000x128xf32>
    %reduce_sum3A = arith.constant dense<0.000000e+00> : vector<1000xf32>
    %reduce_sum3A_17 = vector.multi_reduction <add>, %mul3A, %reduce_sum3A [1] : vector<1000x128xf32> to vector<1000xf32>
    %broadcast_in_dim3A = vector.shape_cast %reduce_sum3A_17 : vector<1000xf32> to vector<1000x1xf32>
    %add3A_18 = arith.constant 1.000000e-15 : f32
    %add3A_19 = vector.broadcast %add3A_18 : f32 to vector<1000x1xf32>
    %add3A_20 = arith.addf %broadcast_in_dim3A, %add3A_19 : vector<1000x1xf32>
    %sqrt3A = math.sqrt %add3A_20 : vector<1000x1xf32>
    %tanh3A = math.tanh %sqrt3A : vector<1000x1xf32>
    %mul3A_21 = vector.broadcast %tanh3A : vector<1000x1xf32> to vector<1000x128xf32>
    %mul3A_22 = arith.mulf %mul3A_21, %div3A_16 : vector<1000x128xf32>
    %div3A_23 = vector.broadcast %sqrt3A : vector<1000x1xf32> to vector<1000x128xf32>
    %div3A_24 = arith.divf %mul3A_22, %div3A_23 : vector<1000x128xf32>
    %mul3A_25 = arith.mulf %div3A_24, %div3A_24 : vector<1000x128xf32>
    %reduce_sum3A_26 = arith.constant dense<0.000000e+00> : vector<1000xf32>
    %reduce_sum3A_27 = vector.multi_reduction <add>, %mul3A_25, %reduce_sum3A_26 [1] : vector<1000x128xf32> to vector<1000xf32>
    %broadcast_in_dim3A_28 = vector.shape_cast %reduce_sum3A_27 : vector<1000xf32> to vector<1000x1xf32>
    %add3A_29 = arith.constant 1.000000e-15 : f32
    %add3A_30 = vector.broadcast %add3A_29 : f32 to vector<1000x1xf32>
    %add3A_31 = arith.addf %broadcast_in_dim3A_28, %add3A_30 : vector<1000x1xf32>
    %sqrt3A_32 = math.sqrt %add3A_31 : vector<1000x1xf32>
    %gt3A = arith.constant 0.999989986 : f32
    %gt3A_33 = vector.broadcast %gt3A : f32 to vector<1000x1xf32>
    %gt3A_34 = arith.cmpf ogt, %sqrt3A_32, %gt3A_33 : vector<1000x1xf32>
    %div3A_35 = vector.broadcast %sqrt3A_32 : vector<1000x1xf32> to vector<1000x128xf32>
    %div3A_36 = arith.divf %div3A_24, %div3A_35 : vector<1000x128xf32>
    %mul3A_37 = arith.constant 0.999989986 : f32
    %mul3A_38 = vector.broadcast %mul3A_37 : f32 to vector<1000x128xf32>
    %mul3A_39 = arith.mulf %div3A_36, %mul3A_38 : vector<1000x128xf32>
    %broadcast_in_dim3A_40 = vector.shape_cast %gt3A_34 : vector<1000x1xi1> to vector<1000x1xi1>
    %broadcast_in_dim3A_41 = vector.broadcast %broadcast_in_dim3A_40 : vector<1000x1xi1> to vector<1000x128xi1>
    %select_n3A = arith.select %broadcast_in_dim3A_41, %mul3A_39, %div3A_24 : vector<1000x128xi1>, vector<1000x128xf32>
    %mul3A_42 = arith.mulf %select_n3A, %select_n3A : vector<1000x128xf32>
    %reduce_sum3A_43 = arith.constant dense<0.000000e+00> : vector<1000xf32>
    %reduce_sum3A_44 = vector.multi_reduction <add>, %mul3A_42, %reduce_sum3A_43 [1] : vector<1000x128xf32> to vector<1000xf32>
    %broadcast_in_dim3A_45 = vector.shape_cast %reduce_sum3A_44 : vector<1000xf32> to vector<1000x1xf32>
    %add3A_46 = arith.constant 1.000000e-15 : f32
    %add3A_47 = vector.broadcast %add3A_46 : f32 to vector<1000x1xf32>
    %add3A_48 = arith.addf %broadcast_in_dim3A_45, %add3A_47 : vector<1000x1xf32>
    %sqrt3A_49 = math.sqrt %add3A_48 : vector<1000x1xf32>
    %jit3A = arith.constant -0.99999988 : f32
    %jit3A_50 = arith.constant 0.99999988 : f32
    %max3A_51 = vector.broadcast %jit3A : f32 to vector<1000x1xf32>
    %max3A_52 = arith.maximumf %max3A_51, %sqrt3A_49 : vector<1000x1xf32>
    %min3A = vector.broadcast %jit3A_50 : f32 to vector<1000x1xf32>
    %min3A_53 = arith.minimumf %min3A, %max3A_52 : vector<1000x1xf32>
    %add3A_54 = arith.constant 1.000000e+00 : f32
    %add3A_55 = vector.broadcast %add3A_54 : f32 to vector<1000x1xf32>
    %add3A_56 = arith.addf %add3A_55, %min3A_53 : vector<1000x1xf32>
    %sub3A = arith.constant 1.000000e+00 : f32
    %sub3A_57 = vector.broadcast %sub3A : f32 to vector<1000x1xf32>
    %sub3A_58 = arith.subf %sub3A_57, %min3A_53 : vector<1000x1xf32>
    %div3A_59 = arith.divf %add3A_56, %sub3A_58 : vector<1000x1xf32>
    %log3A = math.log %div3A_59 : vector<1000x1xf32>
    %mul3A_60 = arith.constant 5.000000e-01 : f32
    %mul3A_61 = vector.broadcast %mul3A_60 : f32 to vector<1000x1xf32>
    %mul3A_62 = arith.mulf %mul3A_61, %log3A : vector<1000x1xf32>
    %mul3A_63 = vector.broadcast %mul3A_62 : vector<1000x1xf32> to vector<1000x128xf32>
    %mul3A_64 = arith.mulf %mul3A_63, %select_n3A : vector<1000x128xf32>
    %div3A_65 = vector.broadcast %sqrt3A_49 : vector<1000x1xf32> to vector<1000x128xf32>
    %div3A_66 = arith.divf %mul3A_64, %div3A_65 : vector<1000x128xf32>
    %max3A_67 = arith.constant 0.000000e+00 : f32
    %max3A_68 = vector.broadcast %max3A_67 : f32 to vector<1000x128xf32>
    %max3A_69 = arith.maximumf %div3A_66, %max3A_68 : vector<1000x128xf32>
    %mul3A_70 = arith.mulf %max3A_69, %max3A_69 : vector<1000x128xf32>
    %reduce_sum3A_71 = arith.constant dense<0.000000e+00> : vector<1000xf32>
    %reduce_sum3A_72 = vector.multi_reduction <add>, %mul3A_70, %reduce_sum3A_71 [1] : vector<1000x128xf32> to vector<1000xf32>
    %broadcast_in_dim3A_73 = vector.shape_cast %reduce_sum3A_72 : vector<1000xf32> to vector<1000x1xf32>
    %add3A_74 = arith.constant 1.000000e-15 : f32
    %add3A_75 = vector.broadcast %add3A_74 : f32 to vector<1000x1xf32>
    %add3A_76 = arith.addf %broadcast_in_dim3A_73, %add3A_75 : vector<1000x1xf32>
    %sqrt3A_77 = math.sqrt %add3A_76 : vector<1000x1xf32>
    %tanh3A_78 = math.tanh %sqrt3A_77 : vector<1000x1xf32>
    %mul3A_79 = vector.broadcast %tanh3A_78 : vector<1000x1xf32> to vector<1000x128xf32>
    %mul3A_80 = arith.mulf %mul3A_79, %max3A_69 : vector<1000x128xf32>
    %div3A_81 = vector.broadcast %sqrt3A_77 : vector<1000x1xf32> to vector<1000x128xf32>
    %div3A_82 = arith.divf %mul3A_80, %div3A_81 : vector<1000x128xf32>
    %mul3A_83 = arith.mulf %div3A_82, %div3A_82 : vector<1000x128xf32>
    %reduce_sum3A_84 = arith.constant dense<0.000000e+00> : vector<1000xf32>
    %reduce_sum3A_85 = vector.multi_reduction <add>, %mul3A_83, %reduce_sum3A_84 [1] : vector<1000x128xf32> to vector<1000xf32>
    %broadcast_in_dim3A_86 = vector.shape_cast %reduce_sum3A_85 : vector<1000xf32> to vector<1000x1xf32>
    %add3A_87 = arith.constant 1.000000e-15 : f32
    %add3A_88 = vector.broadcast %add3A_87 : f32 to vector<1000x1xf32>
    %add3A_89 = arith.addf %broadcast_in_dim3A_86, %add3A_88 : vector<1000x1xf32>
    %sqrt3A_90 = math.sqrt %add3A_89 : vector<1000x1xf32>
    %gt3A_91 = arith.constant 0.999989986 : f32
    %gt3A_92 = vector.broadcast %gt3A_91 : f32 to vector<1000x1xf32>
    %gt3A_93 = arith.cmpf ogt, %sqrt3A_90, %gt3A_92 : vector<1000x1xf32>
    %div3A_94 = vector.broadcast %sqrt3A_90 : vector<1000x1xf32> to vector<1000x128xf32>
    %div3A_95 = arith.divf %div3A_82, %div3A_94 : vector<1000x128xf32>
    %mul3A_96 = arith.constant 0.999989986 : f32
    %mul3A_97 = vector.broadcast %mul3A_96 : f32 to vector<1000x128xf32>
    %mul3A_98 = arith.mulf %div3A_95, %mul3A_97 : vector<1000x128xf32>
    %broadcast_in_dim3A_99 = vector.shape_cast %gt3A_93 : vector<1000x1xi1> to vector<1000x1xi1>
    %broadcast_in_dim3A_100 = vector.broadcast %broadcast_in_dim3A_99 : vector<1000x1xi1> to vector<1000x128xi1>
    %select_n3A_101 = arith.select %broadcast_in_dim3A_100, %mul3A_98, %div3A_82 : vector<1000x128xi1>, vector<1000x128xf32>
    %get3A_102 = arith.constant 0 : index
    %get3A_103 = arith.constant 0 : index
    %get3A_104 = vector.load %arg3[%get3A_102, %get3A_103] : memref<128x128xf32, #tpu.memory_space<vmem>>, vector<128x128xf32>
    %get3A_105 = arith.constant 0 : index
    %get3A_106 = arith.constant 0 : index
    %get3A_107 = vector.load %arg4[%get3A_105, %get3A_106] : memref<1x128xf32, #tpu.memory_space<vmem>>, vector<1x128xf32>
    %mul3A_108 = arith.mulf %select_n3A_101, %select_n3A_101 : vector<1000x128xf32>
    %reduce_sum3A_109 = arith.constant dense<0.000000e+00> : vector<1000xf32>
    %reduce_sum3A_110 = vector.multi_reduction <add>, %mul3A_108, %reduce_sum3A_109 [1] : vector<1000x128xf32> to vector<1000xf32>
    %broadcast_in_dim3A_111 = vector.shape_cast %reduce_sum3A_110 : vector<1000xf32> to vector<1000x1xf32>
    %add3A_112 = arith.constant 1.000000e-15 : f32
    %add3A_113 = vector.broadcast %add3A_112 : f32 to vector<1000x1xf32>
    %add3A_114 = arith.addf %broadcast_in_dim3A_111, %add3A_113 : vector<1000x1xf32>
    %sqrt3A_115 = math.sqrt %add3A_114 : vector<1000x1xf32>
    %dot_general3A = arith.constant dense<0.000000e+00> : vector<1000x128xf32>
    %dot_general3A_116 = tpu.matmul %select_n3A_101, %get3A_104, %dot_general3A {dimension_numbers = #tpu.dot_dimension_numbers<[1], [1], [0], [0], [0, 0, 1, 0], [], []>, transpose_lhs_hint = false} : vector<1000x128xf32>, vector<128x128xf32>, vector<1000x128xf32> -> vector<1000x128xf32>
    %mul3A_117 = arith.mulf %dot_general3A_116, %dot_general3A_116 : vector<1000x128xf32>
    %reduce_sum3A_118 = arith.constant dense<0.000000e+00> : vector<1000xf32>
    %reduce_sum3A_119 = vector.multi_reduction <add>, %mul3A_117, %reduce_sum3A_118 [1] : vector<1000x128xf32> to vector<1000xf32>
    %broadcast_in_dim3A_120 = vector.shape_cast %reduce_sum3A_119 : vector<1000xf32> to vector<1000x1xf32>
    %add3A_121 = arith.constant 1.000000e-15 : f32
    %add3A_122 = vector.broadcast %add3A_121 : f32 to vector<1000x1xf32>
    %add3A_123 = arith.addf %broadcast_in_dim3A_120, %add3A_122 : vector<1000x1xf32>
    %sqrt3A_124 = math.sqrt %add3A_123 : vector<1000x1xf32>
    %div3A_125 = arith.divf %sqrt3A_124, %sqrt3A_115 : vector<1000x1xf32>
    %jit3A_126 = arith.constant -0.99999988 : f32
    %jit3A_127 = arith.constant 0.99999988 : f32
    %max3A_128 = vector.broadcast %jit3A_126 : f32 to vector<1000x1xf32>
    %max3A_129 = arith.maximumf %max3A_128, %sqrt3A_115 : vector<1000x1xf32>
    %min3A_130 = vector.broadcast %jit3A_127 : f32 to vector<1000x1xf32>
    %min3A_131 = arith.minimumf %min3A_130, %max3A_129 : vector<1000x1xf32>
    %add3A_132 = arith.constant 1.000000e+00 : f32
    %add3A_133 = vector.broadcast %add3A_132 : f32 to vector<1000x1xf32>
    %add3A_134 = arith.addf %add3A_133, %min3A_131 : vector<1000x1xf32>
    %sub3A_135 = arith.constant 1.000000e+00 : f32
    %sub3A_136 = vector.broadcast %sub3A_135 : f32 to vector<1000x1xf32>
    %sub3A_137 = arith.subf %sub3A_136, %min3A_131 : vector<1000x1xf32>
    %div3A_138 = arith.divf %add3A_134, %sub3A_137 : vector<1000x1xf32>
    %log3A_139 = math.log %div3A_138 : vector<1000x1xf32>
    %mul3A_140 = arith.constant 5.000000e-01 : f32
    %mul3A_141 = vector.broadcast %mul3A_140 : f32 to vector<1000x1xf32>
    %mul3A_142 = arith.mulf %mul3A_141, %log3A_139 : vector<1000x1xf32>
    %mul3A_143 = arith.mulf %div3A_125, %mul3A_142 : vector<1000x1xf32>
    %tanh3A_144 = math.tanh %mul3A_143 : vector<1000x1xf32>
    %mul3A_145 = vector.broadcast %tanh3A_144 : vector<1000x1xf32> to vector<1000x128xf32>
    %mul3A_146 = arith.mulf %mul3A_145, %dot_general3A_116 : vector<1000x128xf32>
    %div3A_147 = vector.broadcast %sqrt3A_124 : vector<1000x1xf32> to vector<1000x128xf32>
    %div3A_148 = arith.divf %mul3A_146, %div3A_147 : vector<1000x128xf32>
    %mul3A_149 = arith.mulf %div3A_148, %div3A_148 : vector<1000x128xf32>
    %reduce_sum3A_150 = arith.constant dense<0.000000e+00> : vector<1000xf32>
    %reduce_sum3A_151 = vector.multi_reduction <add>, %mul3A_149, %reduce_sum3A_150 [1] : vector<1000x128xf32> to vector<1000xf32>
    %broadcast_in_dim3A_152 = vector.shape_cast %reduce_sum3A_151 : vector<1000xf32> to vector<1000x1xf32>
    %add3A_153 = arith.constant 1.000000e-15 : f32
    %add3A_154 = vector.broadcast %add3A_153 : f32 to vector<1000x1xf32>
    %add3A_155 = arith.addf %broadcast_in_dim3A_152, %add3A_154 : vector<1000x1xf32>
    %sqrt3A_156 = math.sqrt %add3A_155 : vector<1000x1xf32>
    %gt3A_157 = arith.constant 0.999989986 : f32
    %gt3A_158 = vector.broadcast %gt3A_157 : f32 to vector<1000x1xf32>
    %gt3A_159 = arith.cmpf ogt, %sqrt3A_156, %gt3A_158 : vector<1000x1xf32>
    %div3A_160 = vector.broadcast %sqrt3A_156 : vector<1000x1xf32> to vector<1000x128xf32>
    %div3A_161 = arith.divf %div3A_148, %div3A_160 : vector<1000x128xf32>
    %mul3A_162 = arith.constant 0.999989986 : f32
    %mul3A_163 = vector.broadcast %mul3A_162 : f32 to vector<1000x128xf32>
    %mul3A_164 = arith.mulf %div3A_161, %mul3A_163 : vector<1000x128xf32>
    %broadcast_in_dim3A_165 = vector.shape_cast %gt3A_159 : vector<1000x1xi1> to vector<1000x1xi1>
    %broadcast_in_dim3A_166 = vector.broadcast %broadcast_in_dim3A_165 : vector<1000x1xi1> to vector<1000x128xi1>
    %select_n3A_167 = arith.select %broadcast_in_dim3A_166, %mul3A_164, %div3A_148 : vector<1000x128xi1>, vector<1000x128xf32>
    %mul3A_168 = arith.mulf %get3A_107, %get3A_107 : vector<1x128xf32>
    %reduce_sum3A_169 = arith.constant dense<0.000000e+00> : vector<1xf32>
    %reduce_sum3A_170 = vector.multi_reduction <add>, %mul3A_168, %reduce_sum3A_169 [1] : vector<1x128xf32> to vector<1xf32>
    %broadcast_in_dim3A_171 = vector.shape_cast %reduce_sum3A_170 : vector<1xf32> to vector<1x1xf32>
    %add3A_172 = arith.constant 1.000000e-15 : f32
    %add3A_173 = vector.broadcast %add3A_172 : f32 to vector<1x1xf32>
    %add3A_174 = arith.addf %broadcast_in_dim3A_171, %add3A_173 : vector<1x1xf32>
    %sqrt3A_175 = math.sqrt %add3A_174 : vector<1x1xf32>
    %tanh3A_176 = math.tanh %sqrt3A_175 : vector<1x1xf32>
    %mul3A_177 = vector.broadcast %tanh3A_176 : vector<1x1xf32> to vector<1x128xf32>
    %mul3A_178 = arith.mulf %mul3A_177, %get3A_107 : vector<1x128xf32>
    %div3A_179 = vector.broadcast %sqrt3A_175 : vector<1x1xf32> to vector<1x128xf32>
    %div3A_180 = arith.divf %mul3A_178, %div3A_179 : vector<1x128xf32>
    %mul3A_181 = arith.mulf %div3A_180, %div3A_180 : vector<1x128xf32>
    %reduce_sum3A_182 = arith.constant dense<0.000000e+00> : vector<1xf32>
    %reduce_sum3A_183 = vector.multi_reduction <add>, %mul3A_181, %reduce_sum3A_182 [1] : vector<1x128xf32> to vector<1xf32>
    %broadcast_in_dim3A_184 = vector.shape_cast %reduce_sum3A_183 : vector<1xf32> to vector<1x1xf32>
    %add3A_185 = arith.constant 1.000000e-15 : f32
    %add3A_186 = vector.broadcast %add3A_185 : f32 to vector<1x1xf32>
    %add3A_187 = arith.addf %broadcast_in_dim3A_184, %add3A_186 : vector<1x1xf32>
    %sqrt3A_188 = math.sqrt %add3A_187 : vector<1x1xf32>
    %gt3A_189 = arith.constant 0.999989986 : f32
    %gt3A_190 = vector.broadcast %gt3A_189 : f32 to vector<1x1xf32>
    %gt3A_191 = arith.cmpf ogt, %sqrt3A_188, %gt3A_190 : vector<1x1xf32>
    %div3A_192 = vector.broadcast %sqrt3A_188 : vector<1x1xf32> to vector<1x128xf32>
    %div3A_193 = arith.divf %div3A_180, %div3A_192 : vector<1x128xf32>
    %mul3A_194 = arith.constant 0.999989986 : f32
    %mul3A_195 = vector.broadcast %mul3A_194 : f32 to vector<1x128xf32>
    %mul3A_196 = arith.mulf %div3A_193, %mul3A_195 : vector<1x128xf32>
    %broadcast_in_dim3A_197 = vector.shape_cast %gt3A_191 : vector<1x1xi1> to vector<1x1xi1>
    %broadcast_in_dim3A_198 = vector.broadcast %broadcast_in_dim3A_197 : vector<1x1xi1> to vector<1x128xi1>
    %select_n3A_199 = arith.select %broadcast_in_dim3A_198, %mul3A_196, %div3A_180 : vector<1x128xi1>, vector<1x128xf32>
    %mul3A_200 = arith.mulf %select_n3A_167, %select_n3A_167 : vector<1000x128xf32>
    %reduce_sum3A_201 = arith.constant dense<0.000000e+00> : vector<1000xf32>
    %reduce_sum3A_202 = vector.multi_reduction <add>, %mul3A_200, %reduce_sum3A_201 [1] : vector<1000x128xf32> to vector<1000xf32>
    %broadcast_in_dim3A_203 = vector.shape_cast %reduce_sum3A_202 : vector<1000xf32> to vector<1000x1xf32>
    %mul3A_204 = arith.mulf %select_n3A_199, %select_n3A_199 : vector<1x128xf32>
    %reduce_sum3A_205 = arith.constant dense<0.000000e+00> : vector<1xf32>
    %reduce_sum3A_206 = vector.multi_reduction <add>, %mul3A_204, %reduce_sum3A_205 [1] : vector<1x128xf32> to vector<1xf32>
    %broadcast_in_dim3A_207 = vector.shape_cast %reduce_sum3A_206 : vector<1xf32> to vector<1x1xf32>
    %mul3A_208 = vector.broadcast %select_n3A_199 : vector<1x128xf32> to vector<1000x128xf32>
    %mul3A_209 = arith.mulf %select_n3A_167, %mul3A_208 : vector<1000x128xf32>
    %reduce_sum3A_210 = arith.constant dense<0.000000e+00> : vector<1000xf32>
    %reduce_sum3A_211 = vector.multi_reduction <add>, %mul3A_209, %reduce_sum3A_210 [1] : vector<1000x128xf32> to vector<1000xf32>
    %broadcast_in_dim3A_212 = vector.shape_cast %reduce_sum3A_211 : vector<1000xf32> to vector<1000x1xf32>
    %mul3A_213 = arith.constant 2.000000e+00 : f32
    %mul3A_214 = vector.broadcast %mul3A_213 : f32 to vector<1000x1xf32>
    %mul3A_215 = arith.mulf %mul3A_214, %broadcast_in_dim3A_212 : vector<1000x1xf32>
    %add3A_216 = arith.constant 1.000000e+00 : f32
    %add3A_217 = vector.broadcast %add3A_216 : f32 to vector<1000x1xf32>
    %add3A_218 = arith.addf %add3A_217, %mul3A_215 : vector<1000x1xf32>
    %add3A_219 = vector.broadcast %broadcast_in_dim3A_207 : vector<1x1xf32> to vector<1000x1xf32>
    %add3A_220 = arith.addf %add3A_218, %add3A_219 : vector<1000x1xf32>
    %mul3A_221 = vector.broadcast %add3A_220 : vector<1000x1xf32> to vector<1000x128xf32>
    %mul3A_222 = arith.mulf %mul3A_221, %select_n3A_167 : vector<1000x128xf32>
    %sub3A_223 = arith.constant 1.000000e+00 : f32
    %sub3A_224 = vector.broadcast %sub3A_223 : f32 to vector<1000x1xf32>
    %sub3A_225 = arith.subf %sub3A_224, %broadcast_in_dim3A_203 : vector<1000x1xf32>
    %mul3A_226 = vector.broadcast %sub3A_225 : vector<1000x1xf32> to vector<1000x128xf32>
    %mul3A_227 = vector.broadcast %select_n3A_199 : vector<1x128xf32> to vector<1000x128xf32>
    %mul3A_228 = arith.mulf %mul3A_226, %mul3A_227 : vector<1000x128xf32>
    %add3A_229 = arith.addf %mul3A_222, %mul3A_228 : vector<1000x128xf32>
    %mul3A_230 = arith.constant 2.000000e+00 : f32
    %mul3A_231 = vector.broadcast %mul3A_230 : f32 to vector<1000x1xf32>
    %mul3A_232 = arith.mulf %mul3A_231, %broadcast_in_dim3A_212 : vector<1000x1xf32>
    %add3A_233 = arith.constant 1.000000e+00 : f32
    %add3A_234 = vector.broadcast %add3A_233 : f32 to vector<1000x1xf32>
    %add3A_235 = arith.addf %add3A_234, %mul3A_232 : vector<1000x1xf32>
    %mul3A_236 = vector.broadcast %broadcast_in_dim3A_207 : vector<1x1xf32> to vector<1000x1xf32>
    %mul3A_237 = arith.mulf %broadcast_in_dim3A_203, %mul3A_236 : vector<1000x1xf32>
    %add3A_238 = arith.addf %add3A_235, %mul3A_237 : vector<1000x1xf32>
    %max3A_239 = arith.constant 1.000000e-15 : f32
    %max3A_240 = vector.broadcast %max3A_239 : f32 to vector<1000x1xf32>
    %max3A_241 = arith.maximumf %add3A_238, %max3A_240 : vector<1000x1xf32>
    %div3A_242 = vector.broadcast %max3A_241 : vector<1000x1xf32> to vector<1000x128xf32>
    %div3A_243 = arith.divf %add3A_229, %div3A_242 : vector<1000x128xf32>
    %mul3A_244 = arith.mulf %div3A_243, %div3A_243 : vector<1000x128xf32>
    %reduce_sum3A_245 = arith.constant dense<0.000000e+00> : vector<1000xf32>
    %reduce_sum3A_246 = vector.multi_reduction <add>, %mul3A_244, %reduce_sum3A_245 [1] : vector<1000x128xf32> to vector<1000xf32>
    %broadcast_in_dim3A_247 = vector.shape_cast %reduce_sum3A_246 : vector<1000xf32> to vector<1000x1xf32>
    %add3A_248 = arith.constant 1.000000e-15 : f32
    %add3A_249 = vector.broadcast %add3A_248 : f32 to vector<1000x1xf32>
    %add3A_250 = arith.addf %broadcast_in_dim3A_247, %add3A_249 : vector<1000x1xf32>
    %sqrt3A_251 = math.sqrt %add3A_250 : vector<1000x1xf32>
    %gt3A_252 = arith.constant 0.999989986 : f32
    %gt3A_253 = vector.broadcast %gt3A_252 : f32 to vector<1000x1xf32>
    %gt3A_254 = arith.cmpf ogt, %sqrt3A_251, %gt3A_253 : vector<1000x1xf32>
    %div3A_255 = vector.broadcast %sqrt3A_251 : vector<1000x1xf32> to vector<1000x128xf32>
    %div3A_256 = arith.divf %div3A_243, %div3A_255 : vector<1000x128xf32>
    %mul3A_257 = arith.constant 0.999989986 : f32
    %mul3A_258 = vector.broadcast %mul3A_257 : f32 to vector<1000x128xf32>
    %mul3A_259 = arith.mulf %div3A_256, %mul3A_258 : vector<1000x128xf32>
    %broadcast_in_dim3A_260 = vector.shape_cast %gt3A_254 : vector<1000x1xi1> to vector<1000x1xi1>
    %broadcast_in_dim3A_261 = vector.broadcast %broadcast_in_dim3A_260 : vector<1000x1xi1> to vector<1000x128xi1>
    %select_n3A_262 = arith.select %broadcast_in_dim3A_261, %mul3A_259, %div3A_243 : vector<1000x128xi1>, vector<1000x128xf32>
    %mul3A_263 = arith.mulf %select_n3A_262, %select_n3A_262 : vector<1000x128xf32>
    %reduce_sum3A_264 = arith.constant dense<0.000000e+00> : vector<1000xf32>
    %reduce_sum3A_265 = vector.multi_reduction <add>, %mul3A_263, %reduce_sum3A_264 [1] : vector<1000x128xf32> to vector<1000xf32>
    %broadcast_in_dim3A_266 = vector.shape_cast %reduce_sum3A_265 : vector<1000xf32> to vector<1000x1xf32>
    %add3A_267 = arith.constant 1.000000e-15 : f32
    %add3A_268 = vector.broadcast %add3A_267 : f32 to vector<1000x1xf32>
    %add3A_269 = arith.addf %broadcast_in_dim3A_266, %add3A_268 : vector<1000x1xf32>
    %sqrt3A_270 = math.sqrt %add3A_269 : vector<1000x1xf32>
    %jit3A_271 = arith.constant -0.99999988 : f32
    %jit3A_272 = arith.constant 0.99999988 : f32
    %max3A_273 = vector.broadcast %jit3A_271 : f32 to vector<1000x1xf32>
    %max3A_274 = arith.maximumf %max3A_273, %sqrt3A_270 : vector<1000x1xf32>
    %min3A_275 = vector.broadcast %jit3A_272 : f32 to vector<1000x1xf32>
    %min3A_276 = arith.minimumf %min3A_275, %max3A_274 : vector<1000x1xf32>
    %add3A_277 = arith.constant 1.000000e+00 : f32
    %add3A_278 = vector.broadcast %add3A_277 : f32 to vector<1000x1xf32>
    %add3A_279 = arith.addf %add3A_278, %min3A_276 : vector<1000x1xf32>
    %sub3A_280 = arith.constant 1.000000e+00 : f32
    %sub3A_281 = vector.broadcast %sub3A_280 : f32 to vector<1000x1xf32>
    %sub3A_282 = arith.subf %sub3A_281, %min3A_276 : vector<1000x1xf32>
    %div3A_283 = arith.divf %add3A_279, %sub3A_282 : vector<1000x1xf32>
    %log3A_284 = math.log %div3A_283 : vector<1000x1xf32>
    %mul3A_285 = arith.constant 5.000000e-01 : f32
    %mul3A_286 = vector.broadcast %mul3A_285 : f32 to vector<1000x1xf32>
    %mul3A_287 = arith.mulf %mul3A_286, %log3A_284 : vector<1000x1xf32>
    %mul3A_288 = vector.broadcast %mul3A_287 : vector<1000x1xf32> to vector<1000x128xf32>
    %mul3A_289 = arith.mulf %mul3A_288, %select_n3A_262 : vector<1000x128xf32>
    %div3A_290 = vector.broadcast %sqrt3A_270 : vector<1000x1xf32> to vector<1000x128xf32>
    %div3A_291 = arith.divf %mul3A_289, %div3A_290 : vector<1000x128xf32>
    %swap3A = arith.constant 0 : index
    %swap3A_292 = arith.constant 0 : index
    %swap3A_293 = vector.load %arg5[%swap3A, %swap3A_292] : memref<1000x128xf32, #tpu.memory_space<vmem>>, vector<1000x128xf32>
    tpu.vector_store %arg5[%swap3A, %swap3A_292], %div3A_291 {strides = array<i32>} : memref<1000x128xf32, #tpu.memory_space<vmem>>, vector<1000x128xf32>,
    return
  }
  func.func @transform_0(%arg0: i32) -> (i32, i32, i32) {
    %c0_i32 = arith.constant 0 : i32
    %c0_i32_0 = arith.constant 0 : i32
    %c0_i32_1 = arith.constant 0 : i32
    return %c0_i32, %arg0, %c0_i32_0 : i32, i32, i32
  }
  func.func @transform_1(%arg0: i32) -> (i32, i32, i32) {
    %c0_i32 = arith.constant 0 : i32
    %c0_i32_0 = arith.constant 0 : i32
    %c0_i32_1 = arith.constant 0 : i32
    return %c0_i32, %arg0, %c0_i32_0 : i32, i32, i32
  }
  func.func @transform_2(%arg0: i32) -> (i32, i32) {
    %c0_i32 = arith.constant 0 : i32
    %c0_i32_0 = arith.constant 0 : i32
    %c0_i32_1 = arith.constant 0 : i32
    return %c0_i32, %c0_i32_0 : i32, i32
  }
  func.func @transform_3(%arg0: i32) -> (i32, i32) {
    %c0_i32 = arith.constant 0 : i32
    %c0_i32_0 = arith.constant 0 : i32
    %c0_i32_1 = arith.constant 0 : i32
    return %c0_i32, %c0_i32_0 : i32, i32
  }
  func.func @transform_4(%arg0: i32) -> (i32, i32) {
    %c0_i32 = arith.constant 0 : i32
    %c0_i32_0 = arith.constant 0 : i32
    return %arg0, %c0_i32 : i32, i32
  }
}

module attributes {stable_mosaic.version = 14 : i64} {
  func.func @_stage3_body(%arg0: i32, %arg1: memref<2x1000x128xf32, #tpu.memory_space<vmem>>, %arg2: memref<2x1000x128xf32, #tpu.memory_space<vmem>>, %arg3: memref<1000x1xi32, #tpu.memory_space<vmem>>, %arg4: memref<160x128xf32, #tpu.memory_space<vmem>>, %arg5: memref<160x128xf32, #tpu.memory_space<vmem>>) attributes {dimension_semantics = [#tpu.dimension_semantics<arbitrary>], iteration_bounds = array<i64: 10>, scalar_prefetch = 0 : i64, scratch_operands = 1 : i64, tpu.core_type = #tpu.core_type<tc>, window_params = [{transform_indices = @transform_0, window_bounds = array<i64: 2, 1000, 128>}, {transform_indices = @transform_1, window_bounds = array<i64: 2, 1000, 128>}, {transform_indices = @transform_2, window_bounds = array<i64: 1000, 1>}, {pipeline_mode = #tpu.pipeline_mode<synchronous>, transform_indices = @transform_3, window_bounds = array<i64: 160, 128>}]} {
    %get3A = arith.constant 0 : index
    %get3A_0 = arith.constant 0 : index
    %get3A_1 = arith.constant 0 : index
    %get3A_2 = vector.load %arg1[%get3A, %get3A_0, %get3A_1] : memref<2x1000x128xf32, #tpu.memory_space<vmem>>, vector<2x1000x128xf32>
    %get3A_3 = arith.constant 0 : index
    %get3A_4 = arith.constant 0 : index
    %get3A_5 = arith.constant 0 : index
    %get3A_6 = vector.load %arg2[%get3A_3, %get3A_4, %get3A_5] : memref<2x1000x128xf32, #tpu.memory_space<vmem>>, vector<2x1000x128xf32>
    %slice3A = vector.extract_strided_slice %get3A_2 {offsets = [0, 0, 0], sizes = [1, 1000, 128], strides = [1, 1, 1]} : vector<2x1000x128xf32> to vector<1x1000x128xf32>
    %squeeze3A = vector.shape_cast %slice3A : vector<1x1000x128xf32> to vector<1000x128xf32>
    %slice3A_7 = vector.extract_strided_slice %get3A_2 {offsets = [1, 0, 0], sizes = [1, 1000, 128], strides = [1, 1, 1]} : vector<2x1000x128xf32> to vector<1x1000x128xf32>
    %squeeze3A_8 = vector.shape_cast %slice3A_7 : vector<1x1000x128xf32> to vector<1000x128xf32>
    %add3A = arith.addf %squeeze3A, %squeeze3A_8 : vector<1000x128xf32>
    %slice3A_9 = vector.extract_strided_slice %get3A_6 {offsets = [0, 0, 0], sizes = [1, 1000, 1], strides = [1, 1, 1]} : vector<2x1000x128xf32> to vector<1x1000x1xf32>
    %squeeze3A_10 = vector.shape_cast %slice3A_9 : vector<1x1000x1xf32> to vector<1000x1xf32>
    %slice3A_11 = vector.extract_strided_slice %get3A_6 {offsets = [1, 0, 0], sizes = [1, 1000, 1], strides = [1, 1, 1]} : vector<2x1000x128xf32> to vector<1x1000x1xf32>
    %squeeze3A_12 = vector.shape_cast %slice3A_11 : vector<1x1000x1xf32> to vector<1000x1xf32>
    %add3A_13 = arith.addf %squeeze3A_10, %squeeze3A_12 : vector<1000x1xf32>
    %max3A = arith.constant 1.000000e+00 : f32
    %max3A_14 = vector.broadcast %max3A : f32 to vector<1000x1xf32>
    %max3A_15 = arith.maximumf %add3A_13, %max3A_14 : vector<1000x1xf32>
    %div3A = vector.broadcast %max3A_15 : vector<1000x1xf32> to vector<1000x128xf32>
    %div3A_16 = arith.divf %add3A, %div3A : vector<1000x128xf32>
    %mul3A = arith.mulf %div3A_16, %div3A_16 : vector<1000x128xf32>
    %reduce_sum3A = arith.constant dense<0.000000e+00> : vector<1000xf32>
    %reduce_sum3A_17 = vector.multi_reduction <add>, %mul3A, %reduce_sum3A [1] : vector<1000x128xf32> to vector<1000xf32>
    %broadcast_in_dim3A = vector.shape_cast %reduce_sum3A_17 : vector<1000xf32> to vector<1000x1xf32>
    %add3A_18 = arith.constant 1.000000e-15 : f32
    %add3A_19 = vector.broadcast %add3A_18 : f32 to vector<1000x1xf32>
    %add3A_20 = arith.addf %broadcast_in_dim3A, %add3A_19 : vector<1000x1xf32>
    %sqrt3A = math.sqrt %add3A_20 : vector<1000x1xf32>
    %tanh3A = math.tanh %sqrt3A : vector<1000x1xf32>
    %mul3A_21 = vector.broadcast %tanh3A : vector<1000x1xf32> to vector<1000x128xf32>
    %mul3A_22 = arith.mulf %mul3A_21, %div3A_16 : vector<1000x128xf32>
    %div3A_23 = vector.broadcast %sqrt3A : vector<1000x1xf32> to vector<1000x128xf32>
    %div3A_24 = arith.divf %mul3A_22, %div3A_23 : vector<1000x128xf32>
    %mul3A_25 = arith.mulf %div3A_24, %div3A_24 : vector<1000x128xf32>
    %reduce_sum3A_26 = arith.constant dense<0.000000e+00> : vector<1000xf32>
    %reduce_sum3A_27 = vector.multi_reduction <add>, %mul3A_25, %reduce_sum3A_26 [1] : vector<1000x128xf32> to vector<1000xf32>
    %broadcast_in_dim3A_28 = vector.shape_cast %reduce_sum3A_27 : vector<1000xf32> to vector<1000x1xf32>
    %add3A_29 = arith.constant 1.000000e-15 : f32
    %add3A_30 = vector.broadcast %add3A_29 : f32 to vector<1000x1xf32>
    %add3A_31 = arith.addf %broadcast_in_dim3A_28, %add3A_30 : vector<1000x1xf32>
    %sqrt3A_32 = math.sqrt %add3A_31 : vector<1000x1xf32>
    %gt3A = arith.constant 0.999989986 : f32
    %gt3A_33 = vector.broadcast %gt3A : f32 to vector<1000x1xf32>
    %gt3A_34 = arith.cmpf ogt, %sqrt3A_32, %gt3A_33 : vector<1000x1xf32>
    %div3A_35 = vector.broadcast %sqrt3A_32 : vector<1000x1xf32> to vector<1000x128xf32>
    %div3A_36 = arith.divf %div3A_24, %div3A_35 : vector<1000x128xf32>
    %mul3A_37 = arith.constant 0.999989986 : f32
    %mul3A_38 = vector.broadcast %mul3A_37 : f32 to vector<1000x128xf32>
    %mul3A_39 = arith.mulf %div3A_36, %mul3A_38 : vector<1000x128xf32>
    %broadcast_in_dim3A_40 = vector.shape_cast %gt3A_34 : vector<1000x1xi1> to vector<1000x1xi1>
    %broadcast_in_dim3A_41 = vector.broadcast %broadcast_in_dim3A_40 : vector<1000x1xi1> to vector<1000x128xi1>
    %select_n3A = arith.select %broadcast_in_dim3A_41, %mul3A_39, %div3A_24 : vector<1000x128xi1>, vector<1000x128xf32>
    %mul3A_42 = arith.mulf %select_n3A, %select_n3A : vector<1000x128xf32>
    %reduce_sum3A_43 = arith.constant dense<0.000000e+00> : vector<1000xf32>
    %reduce_sum3A_44 = vector.multi_reduction <add>, %mul3A_42, %reduce_sum3A_43 [1] : vector<1000x128xf32> to vector<1000xf32>
    %broadcast_in_dim3A_45 = vector.shape_cast %reduce_sum3A_44 : vector<1000xf32> to vector<1000x1xf32>
    %add3A_46 = arith.constant 1.000000e-15 : f32
    %add3A_47 = vector.broadcast %add3A_46 : f32 to vector<1000x1xf32>
    %add3A_48 = arith.addf %broadcast_in_dim3A_45, %add3A_47 : vector<1000x1xf32>
    %sqrt3A_49 = math.sqrt %add3A_48 : vector<1000x1xf32>
    %jit3A = arith.constant -0.99999988 : f32
    %jit3A_50 = arith.constant 0.99999988 : f32
    %max3A_51 = vector.broadcast %jit3A : f32 to vector<1000x1xf32>
    %max3A_52 = arith.maximumf %max3A_51, %sqrt3A_49 : vector<1000x1xf32>
    %min3A = vector.broadcast %jit3A_50 : f32 to vector<1000x1xf32>
    %min3A_53 = arith.minimumf %min3A, %max3A_52 : vector<1000x1xf32>
    %add3A_54 = arith.constant 1.000000e+00 : f32
    %add3A_55 = vector.broadcast %add3A_54 : f32 to vector<1000x1xf32>
    %add3A_56 = arith.addf %add3A_55, %min3A_53 : vector<1000x1xf32>
    %sub3A = arith.constant 1.000000e+00 : f32
    %sub3A_57 = vector.broadcast %sub3A : f32 to vector<1000x1xf32>
    %sub3A_58 = arith.subf %sub3A_57, %min3A_53 : vector<1000x1xf32>
    %div3A_59 = arith.divf %add3A_56, %sub3A_58 : vector<1000x1xf32>
    %log3A = math.log %div3A_59 : vector<1000x1xf32>
    %mul3A_60 = arith.constant 5.000000e-01 : f32
    %mul3A_61 = vector.broadcast %mul3A_60 : f32 to vector<1000x1xf32>
    %mul3A_62 = arith.mulf %mul3A_61, %log3A : vector<1000x1xf32>
    %mul3A_63 = vector.broadcast %mul3A_62 : vector<1000x1xf32> to vector<1000x128xf32>
    %mul3A_64 = arith.mulf %mul3A_63, %select_n3A : vector<1000x128xf32>
    %div3A_65 = vector.broadcast %sqrt3A_49 : vector<1000x1xf32> to vector<1000x128xf32>
    %div3A_66 = arith.divf %mul3A_64, %div3A_65 : vector<1000x128xf32>
    %max3A_67 = arith.constant 0.000000e+00 : f32
    %max3A_68 = vector.broadcast %max3A_67 : f32 to vector<1000x128xf32>
    %max3A_69 = arith.maximumf %div3A_66, %max3A_68 : vector<1000x128xf32>
    %mul3A_70 = arith.mulf %max3A_69, %max3A_69 : vector<1000x128xf32>
    %reduce_sum3A_71 = arith.constant dense<0.000000e+00> : vector<1000xf32>
    %reduce_sum3A_72 = vector.multi_reduction <add>, %mul3A_70, %reduce_sum3A_71 [1] : vector<1000x128xf32> to vector<1000xf32>
    %broadcast_in_dim3A_73 = vector.shape_cast %reduce_sum3A_72 : vector<1000xf32> to vector<1000x1xf32>
    %add3A_74 = arith.constant 1.000000e-15 : f32
    %add3A_75 = vector.broadcast %add3A_74 : f32 to vector<1000x1xf32>
    %add3A_76 = arith.addf %broadcast_in_dim3A_73, %add3A_75 : vector<1000x1xf32>
    %sqrt3A_77 = math.sqrt %add3A_76 : vector<1000x1xf32>
    %tanh3A_78 = math.tanh %sqrt3A_77 : vector<1000x1xf32>
    %mul3A_79 = vector.broadcast %tanh3A_78 : vector<1000x1xf32> to vector<1000x128xf32>
    %mul3A_80 = arith.mulf %mul3A_79, %max3A_69 : vector<1000x128xf32>
    %div3A_81 = vector.broadcast %sqrt3A_77 : vector<1000x1xf32> to vector<1000x128xf32>
    %div3A_82 = arith.divf %mul3A_80, %div3A_81 : vector<1000x128xf32>
    %mul3A_83 = arith.mulf %div3A_82, %div3A_82 : vector<1000x128xf32>
    %reduce_sum3A_84 = arith.constant dense<0.000000e+00> : vector<1000xf32>
    %reduce_sum3A_85 = vector.multi_reduction <add>, %mul3A_83, %reduce_sum3A_84 [1] : vector<1000x128xf32> to vector<1000xf32>
    %broadcast_in_dim3A_86 = vector.shape_cast %reduce_sum3A_85 : vector<1000xf32> to vector<1000x1xf32>
    %add3A_87 = arith.constant 1.000000e-15 : f32
    %add3A_88 = vector.broadcast %add3A_87 : f32 to vector<1000x1xf32>
    %add3A_89 = arith.addf %broadcast_in_dim3A_86, %add3A_88 : vector<1000x1xf32>
    %sqrt3A_90 = math.sqrt %add3A_89 : vector<1000x1xf32>
    %gt3A_91 = arith.constant 0.999989986 : f32
    %gt3A_92 = vector.broadcast %gt3A_91 : f32 to vector<1000x1xf32>
    %gt3A_93 = arith.cmpf ogt, %sqrt3A_90, %gt3A_92 : vector<1000x1xf32>
    %div3A_94 = vector.broadcast %sqrt3A_90 : vector<1000x1xf32> to vector<1000x128xf32>
    %div3A_95 = arith.divf %div3A_82, %div3A_94 : vector<1000x128xf32>
    %mul3A_96 = arith.constant 0.999989986 : f32
    %mul3A_97 = vector.broadcast %mul3A_96 : f32 to vector<1000x128xf32>
    %mul3A_98 = arith.mulf %div3A_95, %mul3A_97 : vector<1000x128xf32>
    %broadcast_in_dim3A_99 = vector.shape_cast %gt3A_93 : vector<1000x1xi1> to vector<1000x1xi1>
    %broadcast_in_dim3A_100 = vector.broadcast %broadcast_in_dim3A_99 : vector<1000x1xi1> to vector<1000x128xi1>
    %select_n3A_101 = arith.select %broadcast_in_dim3A_100, %mul3A_98, %div3A_82 : vector<1000x128xi1>, vector<1000x128xf32>
    %mul3A_102 = arith.mulf %select_n3A_101, %select_n3A_101 : vector<1000x128xf32>
    %reduce_sum3A_103 = arith.constant dense<0.000000e+00> : vector<1000xf32>
    %reduce_sum3A_104 = vector.multi_reduction <add>, %mul3A_102, %reduce_sum3A_103 [1] : vector<1000x128xf32> to vector<1000xf32>
    %broadcast_in_dim3A_105 = vector.shape_cast %reduce_sum3A_104 : vector<1000xf32> to vector<1000x1xf32>
    %add3A_106 = arith.constant 1.000000e-15 : f32
    %add3A_107 = vector.broadcast %add3A_106 : f32 to vector<1000x1xf32>
    %add3A_108 = arith.addf %broadcast_in_dim3A_105, %add3A_107 : vector<1000x1xf32>
    %sqrt3A_109 = math.sqrt %add3A_108 : vector<1000x1xf32>
    %gt3A_110 = arith.constant 0.999989986 : f32
    %gt3A_111 = vector.broadcast %gt3A_110 : f32 to vector<1000x1xf32>
    %gt3A_112 = arith.cmpf ogt, %sqrt3A_109, %gt3A_111 : vector<1000x1xf32>
    %div3A_113 = vector.broadcast %sqrt3A_109 : vector<1000x1xf32> to vector<1000x128xf32>
    %div3A_114 = arith.divf %select_n3A_101, %div3A_113 : vector<1000x128xf32>
    %mul3A_115 = arith.constant 0.999989986 : f32
    %mul3A_116 = vector.broadcast %mul3A_115 : f32 to vector<1000x128xf32>
    %mul3A_117 = arith.mulf %div3A_114, %mul3A_116 : vector<1000x128xf32>
    %broadcast_in_dim3A_118 = vector.shape_cast %gt3A_112 : vector<1000x1xi1> to vector<1000x1xi1>
    %broadcast_in_dim3A_119 = vector.broadcast %broadcast_in_dim3A_118 : vector<1000x1xi1> to vector<1000x128xi1>
    %select_n3A_120 = arith.select %broadcast_in_dim3A_119, %mul3A_117, %select_n3A_101 : vector<1000x128xi1>, vector<1000x128xf32>
    %mul3A_121 = arith.mulf %select_n3A_120, %select_n3A_120 : vector<1000x128xf32>
    %reduce_sum3A_122 = arith.constant dense<0.000000e+00> : vector<1000xf32>
    %reduce_sum3A_123 = vector.multi_reduction <add>, %mul3A_121, %reduce_sum3A_122 [1] : vector<1000x128xf32> to vector<1000xf32>
    %broadcast_in_dim3A_124 = vector.shape_cast %reduce_sum3A_123 : vector<1000xf32> to vector<1000x1xf32>
    %add3A_125 = arith.constant 1.000000e-15 : f32
    %add3A_126 = vector.broadcast %add3A_125 : f32 to vector<1000x1xf32>
    %add3A_127 = arith.addf %broadcast_in_dim3A_124, %add3A_126 : vector<1000x1xf32>
    %sqrt3A_128 = math.sqrt %add3A_127 : vector<1000x1xf32>
    %jit3A_129 = arith.constant -0.99999988 : f32
    %jit3A_130 = arith.constant 0.99999988 : f32
    %max3A_131 = vector.broadcast %jit3A_129 : f32 to vector<1000x1xf32>
    %max3A_132 = arith.maximumf %max3A_131, %sqrt3A_128 : vector<1000x1xf32>
    %min3A_133 = vector.broadcast %jit3A_130 : f32 to vector<1000x1xf32>
    %min3A_134 = arith.minimumf %min3A_133, %max3A_132 : vector<1000x1xf32>
    %add3A_135 = arith.constant 1.000000e+00 : f32
    %add3A_136 = vector.broadcast %add3A_135 : f32 to vector<1000x1xf32>
    %add3A_137 = arith.addf %add3A_136, %min3A_134 : vector<1000x1xf32>
    %sub3A_138 = arith.constant 1.000000e+00 : f32
    %sub3A_139 = vector.broadcast %sub3A_138 : f32 to vector<1000x1xf32>
    %sub3A_140 = arith.subf %sub3A_139, %min3A_134 : vector<1000x1xf32>
    %div3A_141 = arith.divf %add3A_137, %sub3A_140 : vector<1000x1xf32>
    %log3A_142 = math.log %div3A_141 : vector<1000x1xf32>
    %mul3A_143 = arith.constant 5.000000e-01 : f32
    %mul3A_144 = vector.broadcast %mul3A_143 : f32 to vector<1000x1xf32>
    %mul3A_145 = arith.mulf %mul3A_144, %log3A_142 : vector<1000x1xf32>
    %mul3A_146 = vector.broadcast %mul3A_145 : vector<1000x1xf32> to vector<1000x128xf32>
    %mul3A_147 = arith.mulf %mul3A_146, %select_n3A_120 : vector<1000x128xf32>
    %div3A_148 = vector.broadcast %sqrt3A_128 : vector<1000x1xf32> to vector<1000x128xf32>
    %div3A_149 = arith.divf %mul3A_147, %div3A_148 : vector<1000x128xf32>
    %get3A_150 = arith.constant 0 : index
    %get3A_151 = arith.constant 0 : index
    %get3A_152 = vector.load %arg3[%get3A_150, %get3A_151] : memref<1000x1xi32, #tpu.memory_space<vmem>>, vector<1000x1xi32>
    %iota3A = tpu.iota {dimensions = array<i32: 1>} : vector<1000x160xi32>
    %eq3A = vector.broadcast %get3A_152 : vector<1000x1xi32> to vector<1000x160xi32>
    %eq3A_153 = arith.cmpi eq, %eq3A, %iota3A : vector<1000x160xi32>
    %convert_element_type3A = arith.extui %eq3A_153 : vector<1000x160xi1> to vector<1000x160xi32>
    %convert_element_type3A_154 = arith.sitofp %convert_element_type3A : vector<1000x160xi32> to vector<1000x160xf32>
    %eq3A_155 = arith.constant 0 : i32
    %eq3A_156 = arith.cmpi eq, %arg0, %eq3A_155 : i32
    %convert_element_type3A_157 = arith.extui %eq3A_156 : i1 to i32
    %cond3A = arith.constant 0 : i32
    %cond3A_158 = arith.cmpi ne, %convert_element_type3A_157, %cond3A : i32
    scf.if %cond3A_158 {
      %broadcast_in_dim3A_182 = arith.constant 0.000000e+00 : f32
      %broadcast_in_dim3A_183 = vector.broadcast %broadcast_in_dim3A_182 : f32 to vector<160x128xf32>
      %swap3A_184 = arith.constant 0 : index
      %swap3A_185 = arith.constant 0 : index
      %swap3A_186 = vector.load %arg4[%swap3A_184, %swap3A_185] : memref<160x128xf32, #tpu.memory_space<vmem>>, vector<160x128xf32>
      tpu.vector_store %arg4[%swap3A_184, %swap3A_185], %broadcast_in_dim3A_183 {strides = array<i32>} : memref<160x128xf32, #tpu.memory_space<vmem>>, vector<160x128xf32>,
      %broadcast_in_dim3A_187 = arith.constant 0.000000e+00 : f32
      %broadcast_in_dim3A_188 = vector.broadcast %broadcast_in_dim3A_187 : f32 to vector<160x128xf32>
      %swap3A_189 = arith.constant 0 : index
      %swap3A_190 = arith.constant 0 : index
      %swap3A_191 = vector.load %arg5[%swap3A_189, %swap3A_190] : memref<160x128xf32, #tpu.memory_space<vmem>>, vector<160x128xf32>
      tpu.vector_store %arg5[%swap3A_189, %swap3A_190], %broadcast_in_dim3A_188 {strides = array<i32>} : memref<160x128xf32, #tpu.memory_space<vmem>>, vector<160x128xf32>,
    } else {
    }
    %get3A_159 = arith.constant 0 : index
    %get3A_160 = arith.constant 0 : index
    %get3A_161 = vector.load %arg4[%get3A_159, %get3A_160] : memref<160x128xf32, #tpu.memory_space<vmem>>, vector<160x128xf32>
    %dot_general3A = arith.constant dense<0.000000e+00> : vector<160x128xf32>
    %dot_general3A_162 = tpu.matmul %convert_element_type3A_154, %div3A_149, %dot_general3A {dimension_numbers = #tpu.dot_dimension_numbers<[0], [0], [1], [1], [0, 1, 1, 1], [], []>, transpose_lhs_hint = false} : vector<1000x160xf32>, vector<1000x128xf32>, vector<160x128xf32> -> vector<160x128xf32>
    %add3A_163 = arith.addf %get3A_161, %dot_general3A_162 : vector<160x128xf32>
    %swap3A = arith.constant 0 : index
    %swap3A_164 = arith.constant 0 : index
    %swap3A_165 = vector.load %arg4[%swap3A, %swap3A_164] : memref<160x128xf32, #tpu.memory_space<vmem>>, vector<160x128xf32>
    tpu.vector_store %arg4[%swap3A, %swap3A_164], %add3A_163 {strides = array<i32>} : memref<160x128xf32, #tpu.memory_space<vmem>>, vector<160x128xf32>,
    %get3A_166 = arith.constant 0 : index
    %get3A_167 = arith.constant 0 : index
    %get3A_168 = vector.load %arg5[%get3A_166, %get3A_167] : memref<160x128xf32, #tpu.memory_space<vmem>>, vector<160x128xf32>
    %broadcast_in_dim3A_169 = arith.constant 1.000000e+00 : f32
    %broadcast_in_dim3A_170 = vector.broadcast %broadcast_in_dim3A_169 : f32 to vector<1000x128xf32>
    %dot_general3A_171 = arith.constant dense<0.000000e+00> : vector<160x128xf32>
    %dot_general3A_172 = tpu.matmul %convert_element_type3A_154, %broadcast_in_dim3A_170, %dot_general3A_171 {dimension_numbers = #tpu.dot_dimension_numbers<[0], [0], [1], [1], [0, 1, 1, 1], [], []>, transpose_lhs_hint = false} : vector<1000x160xf32>, vector<1000x128xf32>, vector<160x128xf32> -> vector<160x128xf32>
    %add3A_173 = arith.addf %get3A_168, %dot_general3A_172 : vector<160x128xf32>
    %swap3A_174 = arith.constant 0 : index
    %swap3A_175 = arith.constant 0 : index
    %swap3A_176 = vector.load %arg5[%swap3A_174, %swap3A_175] : memref<160x128xf32, #tpu.memory_space<vmem>>, vector<160x128xf32>
    tpu.vector_store %arg5[%swap3A_174, %swap3A_175], %add3A_173 {strides = array<i32>} : memref<160x128xf32, #tpu.memory_space<vmem>>, vector<160x128xf32>,
    %eq3A_177 = arith.constant 9 : i32
    %eq3A_178 = arith.cmpi eq, %arg0, %eq3A_177 : i32
    %convert_element_type3A_179 = arith.extui %eq3A_178 : i1 to i32
    %cond3A_180 = arith.constant 0 : i32
    %cond3A_181 = arith.cmpi ne, %convert_element_type3A_179, %cond3A_180 : i32
    scf.if %cond3A_181 {
      %get3A_182 = arith.constant 0 : index
      %get3A_183 = arith.constant 0 : index
      %get3A_184 = vector.load %arg4[%get3A_182, %get3A_183] : memref<160x128xf32, #tpu.memory_space<vmem>>, vector<160x128xf32>
      %get3A_185 = arith.constant 0 : index
      %get3A_186 = arith.constant 0 : index
      %get3A_187 = vector.load %arg5[%get3A_185, %get3A_186] : memref<160x128xf32, #tpu.memory_space<vmem>>, vector<160x128xf32>
      %max3A_188 = arith.constant 1.000000e+00 : f32
      %max3A_189 = vector.broadcast %max3A_188 : f32 to vector<160x128xf32>
      %max3A_190 = arith.maximumf %get3A_187, %max3A_189 : vector<160x128xf32>
      %div3A_191 = arith.divf %get3A_184, %max3A_190 : vector<160x128xf32>
      %mul3A_192 = arith.mulf %div3A_191, %div3A_191 : vector<160x128xf32>
      %reduce_sum3A_193 = arith.constant dense<0.000000e+00> : vector<160xf32>
      %reduce_sum3A_194 = vector.multi_reduction <add>, %mul3A_192, %reduce_sum3A_193 [1] : vector<160x128xf32> to vector<160xf32>
      %broadcast_in_dim3A_195 = vector.shape_cast %reduce_sum3A_194 : vector<160xf32> to vector<160x1xf32>
      %add3A_196 = arith.constant 1.000000e-15 : f32
      %add3A_197 = vector.broadcast %add3A_196 : f32 to vector<160x1xf32>
      %add3A_198 = arith.addf %broadcast_in_dim3A_195, %add3A_197 : vector<160x1xf32>
      %sqrt3A_199 = math.sqrt %add3A_198 : vector<160x1xf32>
      %tanh3A_200 = math.tanh %sqrt3A_199 : vector<160x1xf32>
      %mul3A_201 = vector.broadcast %tanh3A_200 : vector<160x1xf32> to vector<160x128xf32>
      %mul3A_202 = arith.mulf %mul3A_201, %div3A_191 : vector<160x128xf32>
      %div3A_203 = vector.broadcast %sqrt3A_199 : vector<160x1xf32> to vector<160x128xf32>
      %div3A_204 = arith.divf %mul3A_202, %div3A_203 : vector<160x128xf32>
      %mul3A_205 = arith.mulf %div3A_204, %div3A_204 : vector<160x128xf32>
      %reduce_sum3A_206 = arith.constant dense<0.000000e+00> : vector<160xf32>
      %reduce_sum3A_207 = vector.multi_reduction <add>, %mul3A_205, %reduce_sum3A_206 [1] : vector<160x128xf32> to vector<160xf32>
      %broadcast_in_dim3A_208 = vector.shape_cast %reduce_sum3A_207 : vector<160xf32> to vector<160x1xf32>
      %add3A_209 = arith.constant 1.000000e-15 : f32
      %add3A_210 = vector.broadcast %add3A_209 : f32 to vector<160x1xf32>
      %add3A_211 = arith.addf %broadcast_in_dim3A_208, %add3A_210 : vector<160x1xf32>
      %sqrt3A_212 = math.sqrt %add3A_211 : vector<160x1xf32>
      %gt3A_213 = arith.constant 0.999989986 : f32
      %gt3A_214 = vector.broadcast %gt3A_213 : f32 to vector<160x1xf32>
      %gt3A_215 = arith.cmpf ogt, %sqrt3A_212, %gt3A_214 : vector<160x1xf32>
      %div3A_216 = vector.broadcast %sqrt3A_212 : vector<160x1xf32> to vector<160x128xf32>
      %div3A_217 = arith.divf %div3A_204, %div3A_216 : vector<160x128xf32>
      %mul3A_218 = arith.constant 0.999989986 : f32
      %mul3A_219 = vector.broadcast %mul3A_218 : f32 to vector<160x128xf32>
      %mul3A_220 = arith.mulf %div3A_217, %mul3A_219 : vector<160x128xf32>
      %broadcast_in_dim3A_221 = vector.shape_cast %gt3A_215 : vector<160x1xi1> to vector<160x1xi1>
      %broadcast_in_dim3A_222 = vector.broadcast %broadcast_in_dim3A_221 : vector<160x1xi1> to vector<160x128xi1>
      %select_n3A_223 = arith.select %broadcast_in_dim3A_222, %mul3A_220, %div3A_204 : vector<160x128xi1>, vector<160x128xf32>
      %swap3A_224 = arith.constant 0 : index
      %swap3A_225 = arith.constant 0 : index
      %swap3A_226 = vector.load %arg4[%swap3A_224, %swap3A_225] : memref<160x128xf32, #tpu.memory_space<vmem>>, vector<160x128xf32>
      tpu.vector_store %arg4[%swap3A_224, %swap3A_225], %select_n3A_223 {strides = array<i32>} : memref<160x128xf32, #tpu.memory_space<vmem>>, vector<160x128xf32>,
    } else {
    }
    return
  }
  func.func @transform_0(%arg0: i32) -> (i32, i32, i32) {
    %c0_i32 = arith.constant 0 : i32
    %c0_i32_0 = arith.constant 0 : i32
    %c0_i32_1 = arith.constant 0 : i32
    return %c0_i32, %arg0, %c0_i32_0 : i32, i32, i32
  }
  func.func @transform_1(%arg0: i32) -> (i32, i32, i32) {
    %c0_i32 = arith.constant 0 : i32
    %c0_i32_0 = arith.constant 0 : i32
    %c0_i32_1 = arith.constant 0 : i32
    return %c0_i32, %arg0, %c0_i32_0 : i32, i32, i32
  }
  func.func @transform_2(%arg0: i32) -> (i32, i32) {
    %c0_i32 = arith.constant 0 : i32
    %c0_i32_0 = arith.constant 0 : i32
    return %arg0, %c0_i32 : i32, i32
  }
  func.func @transform_3(%arg0: i32) -> (i32, i32) {
    %c0_i32 = arith.constant 0 : i32
    %c0_i32_0 = arith.constant 0 : i32
    %c0_i32_1 = arith.constant 0 : i32
    return %c0_i32, %c0_i32_0 : i32, i32
  }
}

</mosaic_0001>

<sc_bundles>
// kernel: kernel.11.cloned.1.call-start
scs
__scs_entry_jumppad:
0x0: {  	(pc) =	sbr.rel $0x88, $3  }
0x1: {  	(tag) =	ssettag $0x0;
	lr =	simm.s32 $0x1  }
0x2: {  	[smem:$0x3F9A] =	sst lr;
	_ =	strace $0xD0000000  }
0x3: {  	_ = 	snop  }
0x4: {  	_ = 	snop  }
0x5: {  	_ = 	snop  }
0x6: {  	_ = 	snop  }
0x7: {  	_ = 	snop  }
__scs_overlays_trampoline_lowered:
0x8: {  	[smem:$0x3FA9] =	sst s0  }
0x9: {  	[smem:$0x3FAA] =	sst s1  }
0xa: {  	[smem:$0x3FAB] =	sst s2  }
0xb: {  	[smem:$0x3FAC] =	sst s3  }
0xc: {  	[smem:$0x3FAD] =	sst s4  }
0xd: {  	[smem:$0x3FAE] =	sst s5  }
0xe: {  	[smem:$0x3FAF] =	sst s6  }
0xf: {  	[smem:$0x3FB0] =	sst s7  }
0x10: {  	[smem:$0x3FB1] =	sst s8  }
0x11: {  	[smem:$0x3FB2] =	sst s9;
	s0 =	simm.s32 @!p0 $0x0  }
0x12: {  	s1 =	sld [smem:$0x3F98];
	s0 =	simm.s32 @p0 $0x1  }
0x13: {  	[smem:$0x3FB3] =	sst s0;
	s0 =	simm.s32 @!p1 $0x0  }
0x14: {  	s2 =	sld [smem:$0x3F97];
	s0 =	simm.s32 @p1 $0x1  }
0x15: {  	[smem:$0x3FB4] =	sst s0;
	s0 =	simm.s32 @!p2 $0x0  }
0x16: {  	s3 =	sld [smem:$0x3FDB];
	s0 =	simm.s32 @p2 $0x1  }
0x17: {  	s4 =	simm.s32 $0x1BF5;
	[smem:$0x3FB6] =	sst s0  }
0x18: {  	s0 =	sld [smem:$0x3F99];
	_ =	swait.ge [sflag:s4], $0x0  }
0x19: {  	s7 =	sld [smem:$0x3F9A]  }
0x1a: {  	s8 =	sadd.s32 $0xFFFFE003, lr  }
0x1b: {  	s9 =	sadd.s32 $0xFFFFFEF7, lr;
	s5 =	simm.s32 $0xFFFFFFFF;
	p2 =	slt.u32 s8, $0xFFFFF086  }
0x1c: {  	p1 =	slt.u32 s9, $0xF7A;
	s5 =	simm.s32 @!p2 $0x0  }
0x1d: {  	s5 =	simm.s32 @p1 $0x1;
	p0 =	seq.s32 s7, s2  }
0x1e: {  	s7 =	smul.u32 @!p0 $0xF7A, s2;
	p2 =	seq.s32 @!p0 s5, $0x0  }
0x1f: {  	s9 =	smul.u32 $0xF7A, s1;
	s8 =	simm.s32 @!p0 $0x1BF5;
	p2 =	por !p2, p0  }
0x20: {  	[sflag:s8] =	ssyncset.s32 @!p0 $0xFFFFF086;
	s6 =	sadd.s32 @!p0 s3, s7;
	s7 =	simm.s32 @!p0 $0x108  }
0x21: {  	s3 =	sadd.s32 s3, s9;
	s6 =	sadd.s32 @!p0 $0x88, s6;
	s7 =	simm.s32 @p2 $0x1082  }
0x22: {  	[simem:s7], [sflag:s8] =	dma.local @!p0 [hbm:s6], $0xF7A  }
0x23: {  	s9 =	sor.u32 $0xD0000000, s2;
	s6 =	simm.s32 $0x108;
	_ =	swait.ge @!p0 [sflag:s8], $0x0  }
0x24: {  	s3 =	sadd.s32 $0x88, s3;
	s6 =	simm.s32 @!p1 $0x1082;
	[sflag:s4] =	ssyncset.s32 $0xFFFFF086  }
0x25: {  	[simem:s6], [sflag:s4] =	dma.local [hbm:s3], $0xF7A  }
0x26: {  	[smem:$0x3F9A] =	sst s1;
	(tag) =	ssettag s2;
	_ =	strace s9  }
0x27: {  	s1 =	sld [smem:$0x3FAA]  }
0x28: {  	s2 =	sld [smem:$0x3FAB]  }
0x29: {  	s4 =	sld [smem:$0x3FAD]  }
0x2a: {  	p0 =	seq.s32 s5, $0x0;
	s5 =	sld [smem:$0x3FAE]  }
0x2b: {  	s6 =	sld [smem:$0x3FAF]  }
0x2c: {  	s7 =	sld [smem:$0x3FB0]  }
0x2d: {  	s3 =	simm.s32 $0x108;
	s8 =	sld [smem:$0x3FB1]  }
0x2e: {  	s3 =	simm.s32 @!p0 $0x1082;
	s9 =	sld [smem:$0x3FB2]  }
0x2f: {  	lr =	sadd.s32 s0, s3;
	s0 =	sld [smem:$0x3FA9]  }
0x30: {  	s3 =	sld [smem:$0x3FAC]  }
0x31: {  	[smem:$0x3FB5] =	sst s10  }
0x32: {  	s10 =	sld [smem:$0x3FB3];
	_ =	sdelay $0x3  }
0x33: {  	p0 =	seq.s32 s10, $0x1;
	s10 =	sld [smem:$0x3FB5];
	_ =	sdelay $0x3  }
0x34: {  	[smem:$0x3FB5] =	sst s10  }
0x35: {  	s10 =	sld [smem:$0x3FB4];
	_ =	sdelay $0x3  }
0x36: {  	p1 =	seq.s32 s10, $0x1;
	s10 =	sld [smem:$0x3FB5];
	_ =	sdelay $0x3  }
0x37: {  	[smem:$0x3FB5] =	sst s10  }
0x38: {  	s10 =	sld [smem:$0x3FB6]  }
0x39: {  	_ = 	snop;
	(pc) =	sbr.ind lr, $3  }
0x3a: {  	_ = 	snop  }
0x3b: {  	_ = 	snop  }
0x3c: {  	p2 =	seq.s32 s10, $0x1;
	s10 =	sld [smem:$0x3FB5]  }
0x3d: {  	_ =	shalt  }
0x3e: {  	_ =	shalt  }
0x3f: {  	_ =	shalt  }
0x40: {  	_ =	shalt  }
0x41: {  	_ =	shalt  }
0x42: {  	_ =	shalt  }
0x43: {  	_ =	shalt  }
0x44: {  	_ =	shalt  }
0x45: {  	_ =	shalt  }
0x46: {  	_ =	shalt  }
0x47: {  	_ =	shalt  }
0x48: {  	_ =	shalt  }
0x49: {  	_ =	shalt  }
0x4a: {  	_ =	shalt  }
0x4b: {  	_ =	shalt  }
0x4c: {  	_ =	shalt  }
0x4d: {  	_ =	shalt  }
0x4e: {  	_ =	shalt  }
0x4f: {  	_ =	shalt  }
0x50: {  	_ =	shalt  }
0x51: {  	_ =	shalt  }
0x52: {  	_ =	shalt  }
0x53: {  	_ =	shalt  }
0x54: {  	_ =	shalt  }
0x55: {  	_ =	shalt  }
0x56: {  	_ =	shalt  }
0x57: {  	_ =	shalt  }
0x58: {  	_ =	shalt  }
0x59: {  	_ =	shalt  }
0x5a: {  	_ =	shalt  }
0x5b: {  	_ =	shalt  }
0x5c: {  	_ =	shalt  }
0x5d: {  	_ =	shalt  }
0x5e: {  	_ =	shalt  }
0x5f: {  	_ =	shalt  }
0x60: {  	_ =	shalt  }
0x61: {  	_ =	shalt  }
0x62: {  	_ =	shalt  }
0x63: {  	_ =	shalt  }
0x64: {  	_ =	shalt  }
0x65: {  	_ =	shalt  }
0x66: {  	_ =	shalt  }
0x67: {  	_ =	shalt  }
0x68: {  	_ =	shalt  }
0x69: {  	_ =	shalt  }
0x6a: {  	_ =	shalt  }
0x6b: {  	_ =	shalt  }
0x6c: {  	_ =	shalt  }
0x6d: {  	_ =	shalt  }
0x6e: {  	_ =	shalt  }
0x6f: {  	_ =	shalt  }
0x70: {  	_ =	shalt  }
0x71: {  	_ =	shalt  }
0x72: {  	_ =	shalt  }
0x73: {  	_ =	shalt  }
0x74: {  	_ =	shalt  }
0x75: {  	_ =	shalt  }
0x76: {  	_ =	shalt  }
0x77: {  	_ =	shalt  }
0x78: {  	_ =	shalt  }
0x79: {  	_ =	shalt  }
0x7a: {  	_ =	shalt  }
0x7b: {  	_ =	shalt  }
0x7c: {  	_ =	shalt  }
0x7d: {  	_ =	shalt  }
0x7e: {  	_ =	shalt  }
0x7f: {  	_ =	shalt  }
0x80: {  	_ =	shalt  }
0x81: {  	_ =	shalt  }
0x82: {  	_ =	shalt  }
0x83: {  	_ =	shalt  }
0x84: {  	_ =	shalt  }
0x85: {  	_ =	shalt  }
0x86: {  	_ =	shalt  }
0x87: {  	_ =	shalt  }
.Lfunc_end0:
.L_simem_size_0:
called_computation.1_lowered:
.L_overlay_start_0:
0x88: {  	s2 =	sld [smem:$0x3FD9]  }
0x89: {  	s3 =	sld [smem:$0x3FFE];
	_ =	sdelay $0x1  }
0x8a: {  	s1 =	srdreg.scid  }
0x8b: {  	s0 =	sand.u32 $0x1, s1  }
0x8c: {  	s16 =	sshll.u32 s0, $0xA;
	s2 =	sadd.s32 s3, s2  }
0x8d: {  	s2 =	sadd.s32 s2, s16  }
0x8e: {  	[smem:$0x3FC1] =	sst s2  }
0x8f: {  	_ = 	snop  }
0x90: {  	(tm) =	ssettm $0x1  }
0x91: {  	s17 =	sld [smem:$0x3FFB];
	_ =	sdelay $0x3  }
0x92: {  	_ =	strace s17  }
0x93: {  	s2 =	sld [smem:$0x3FFC];
	_ =	sdelay $0x3  }
0x94: {  	_ =	strace s2  }
0x95: {  	s2 =	sld [smem:$0x3FFD];
	_ =	sdelay $0x3  }
0x96: {  	_ =	strace s2  }
0x97: {  	_ =	strace $0x8FFFFFFF  }
0x98: {  	s18 =	sld [smem:$0x3FDB];
	_ =	sdelay $0x1  }
0x99: {  	s19 =	simm.s32 $_scs_section_size  }
0x9a: {  	s4 =	simm.s32 $_size__tile_overlayer_lowered;
	s5 =	simm.s32 $_tile_overlayer_lowered  }
0x9b: {  	s22 =	simm.s32 $0x1BFF;
	s21 =	sshll.u32 s5, $0x1;
	s2 =	sadd.s32 s19, s18  }
0x9c: {  	s6 =	simm.s32 $0x0;
	s20 =	sshll.u32 s4, $0x1;
	s4 =	sadd.s32 s21, s2  }
0x9d: {  	[timem:s6], [sflag:s22] =	dma.local [hbm:s4], s20  }
0x9e: {  	_ =	swait.ge [sflag:s22], s20  }
0x9f: {  	s3 =	ssub.s32 $0x0, s20;
	[sflag:s22] =	ssyncset.done $0x0  }
0xa0: {  	[sflag:s22] =	ssyncadd.s32 s3;
	_ =	sdelay $0x1  }
0xa1: {  	s23 =	simm.s32 $0x1B8B  }
0xa2: {  	_ =	swait.ge [sflag:s23], $0x1  }
0xa3: {  	[sflag:s23] =	ssyncset.done $0x0  }
0xa4: {  	s25 =	simm.s32 $0x1B8E;
	s24 =	sld [smem:$0x3FFE];
	[sflag:s23] =	ssyncadd.s32 $0xFFFFFFFF  }
0xa5: {  	s26 =	simm.s32 $execute0_lowered;
	[smem:$0x3FD2] =	sst s25  }
0xa6: {  	s4 =	sshll.u32 s26, $0x1;
	_ =	strace $0x80000046;
	[dreg:$0x1] =	wrdreg $0xFFFFFFFF  }
0xa7: {  	s28 =	simm.s32 $_size_execute0_lowered;
	s2 =	sadd.s32 s2, s4;
	[dreg:$0x0] =	wrdreg $0x0  }
0xa8: {  	s4 =	sshll.u32 s28, $0x1;
	[dreg:$0x2] =	wrdreg s2  }
0xa9: {  	[dreg:$0x3] =	wrdreg s4  }
0xaa: {  	[dreg:$0x4] =	wrdreg $0xC0  }
0xab: {  	_ =	task [dreg:s6], $0x5FFFF  }
0xac: {  	[dreg:$0x1] =	wrdreg $0xFFFFFFFF  }
0xad: {  	[dreg:$0x0] =	wrdreg $0x60  }
0xae: {  	[dreg:$0x2] =	wrdreg s24  }
0xaf: {  	[dreg:$0x3] =	wrdreg $0xB3000  }
0xb0: {  	[dreg:$0x4] =	wrdreg $0xA  }
0xb1: {  	_ =	task.clear_ibuf [dreg:s6], $0x5FFFF;
	_ =	strace $0x90000046  }
0xb2: {  	s29 =	simm.s32 $0xA;
	_ =	strace $0x80000048  }
0xb3: {  	_ =	swait.ge [sflag:s29], $0x1  }
0xb4: {  	[sflag:s29] =	ssyncadd.s32 $0xFFFFFFFF  }
0xb5: {  	_ =	strace $0x90000048  }
0xb6: {  	_ =	sfence  }
0xb7: {  	s30 =	sld [smem:$0x0];
	_ =	sdelay $0x2  }
0xb8: {  	s31 =	sshll.u32 s1, $0xD;
	s1 =	sshrl.u32 s1, $0x2  }
0xb9: {  	s3 =	sand.u32 $0x4000, s31;
	s1 =	sadd.s32 s1, s30  }
0xba: {  	s0 =	sor.u32 s3, s0;
	s1 =	sshll.u32 s1, $0x11  }
0xbb: {  	s0 =	sor.u32 s1, s0  }
0xbc: {  	s0 =	sadd.s32 $0x8F2B, s0  }
0xbd: {  	[sflag:s0] =	ssyncadd.remote.s32 $0x1  }
0xbe: {  	_ =	sfence.sel $0xFFFF  }
0xbf: {  	[dreg:$0x0] =	wrdreg $0xFFFFFFFF;
	(pc) =	sbr.abs _section_cstart, $3  }
0xc0: {  	[dreg:$0x1] =	wrdreg $0xFFFFFFFF  }
0xc1: {  	_ =	task.clear_ibuf [dreg:s6], $0x2FFFF;
	_ =	strace $0x9FFFFFFF  }
0xc2: {  	(tm) =	ssettm $0x7FFFFFFF  }
0xc3: {  	_ =	shalt  }
tec
execute0_lowered:
.L_overlay_start_1:
0x0: {  	(tag) =	ssettag $0x1  }
0x1: {  	s0 =	srdreg.scid  }
0x2: {  	s15 =	stileid.u32;
	s5 =	rddreg [dreg:$0x0]  }
0x3: {  	s2 =	rddreg [dreg:$0x1];
	s3 =	simm.s32 $0x0;
	s11 =	simm.s32 $0x2780  }
0x4: {  	s12 =	simm.s32 $0x28;
	s13 =	simm.s32 $0x4F00;
	s14 =	simm.s32 $0x6300  }
0x5: {  	s16 =	simm.s32 $0x7700;
	s18 =	simm.s32 $0x8B00;
	s21 =	simm.s32 $0x1  }
0x6: {  	s28 =	simm.s32 $0x7;
	s29 =	simm.s32 $0x4;
	s30 =	simm.s32 $0x8  }
0x7: {  	s31 =	simm.s32 $0x5;
	s17 =	simm.s32 $0x0;
	s0 =	sand.u32 $0x1, s0  }
0x8: {  	s1 =	sshll.u32 s15, $0x1;
	s6 =	smul.u32 $0x14000, s15;
	[smem:$0x7FF] =	sst s3  }
0x9: {  	s4 =	sadd.s32 $0x15400, s5;
	s9 =	smul.u32 $0x50000, s15;
	s26 =	sshll.u32 s15, $0x6  }
0xa: {  	s1 =	sor.u32 s0, s1;
	s7 =	smul.u32 $0x140000, s0;
	_ =	strace $0x80000047  }
0xb: {  	s0 =	ssub.s32 $0x2, s0;
	s19 =	sor.u32 $0x1C0B, s26;
	s26 =	simm.s32 $0x3  }
0xc: {  	s1 =	smul.u32 $0x4E2, s1;
	s8 =	sshrl.u32 s6, $0x3;
	s23 =	sshrl.u32 s0, $0x1  }
0xd: {  	s25 =	sshrl.u32 s9, $0x2;
	s6 =	sadd.s32 s6, s7;
	s8 =	sadd.s32 s8, s5  }
0xe: {  	s0 =	ssub.s32 s0, s23;
	s23 =	simm.s32 $0x9F00;
	s1 =	sadd.s32 s1, s5  }
0xf: {  	s6 =	sshrl.u32 s6, $0x3;
	s7 =	sadd.s32 $0x3C600, s8;
	s9 =	smax.u32 s0, $0x1  }
0x10: {  	s0 =	simm.s32 $0xA;
	s10 =	sadd.s32 s6, s5;
	s24 =	sadd.s32 $0xB600, s1  }
0x11: {  	s6 =	sadd.s32 $0x1800, s1;
	s1 =	sadd.s32 s25, s2;
	s25 =	simm.s32 $0x6  }
0x12: {  	[dreg:$0x3] =	wrdreg s24;
	s8 =	sadd.s32 $0x64600, s10;
	s10 =	simm.s32 $0xB  }
0x13: {  	s20 =	sshrl.u32 s1, $0x3;
	s24 =	simm.s32 $0x2;
	s1 =	simm.s32 $0x9  }
.LBB2_1:
0x14: {  	s5 =	rddreg [dreg:$0x3]  }
0x15: {  	[tilespmem:s3], [sflag:$0xB] =	stream.linear.gather [hbm4b:s5+s3], $0x2710, $0x38;
	[tilespmem:$0x1F300] =	vst v63  }
0x16: {  	_ =	swait.ge [sflag:s10], $0x2710  }
0x17: {  	[sflag:s10] =	ssyncset.done $0x0  }
0x18: {  	[sflag:s10] =	ssyncadd.s32 $0xFFFFD8F0  }
0x19: {  	[tilespmem:s11], [sflag:$0xB] =	stream.linear.gather [hbm4b:s6+s3], $0x2710, $0x38;
	[tilespmem:$0x1F300] =	vst v63  }
0x1a: {  	_ =	swait.ge [sflag:s10], $0x2710  }
0x1b: {  	[sflag:s10] =	ssyncset.done $0x0  }
0x1c: {  	[sflag:s10] =	ssyncadd.s32 $0xFFFFD8F0  }
0x1d: {  	[tilespmem:s13], [sflag:$0x1] =	stream.indirect.gather [hbm4b:s4+s12], $0x80, s3, s12, $0xb8;
	[tilespmem:$0x1F300] =	vst v63  }
0x1e: {  	_ = 	snop  }
0x1f: {  	[tilespmem:s14], [sflag:$0x2] =	stream.indirect.gather [hbm4b:s4+s12], $0x80, s12, s12, $0xb8;
	[tilespmem:$0x1F300] =	vst v63  }
0x20: {  	s22 =	simm.s32 $0x50  }
0x21: {  	[tilespmem:s16], [sflag:$0x3] =	stream.indirect.gather [hbm4b:s4+s12], $0x80, s22, s12, $0xb8;
	[tilespmem:$0x1F300] =	vst v63  }
0x22: {  	s15 =	simm.s32 $0x78  }
0x23: {  	[tilespmem:s18], [sflag:$0x4] =	stream.indirect.gather [hbm4b:s4+s12], $0x80, s15, s12, $0xb8;
	[tilespmem:$0x1F300] =	vst v63  }
0x24: {  	[spmem:s20], [sflag:s19] =	dma.local [hbm:s7], $0x2800  }
0x25: {  	_ =	swait.ge [sflag:s10], $0x2800  }
0x26: {  	[sflag:s10] =	ssyncset.done $0x0  }
0x27: {  	[sflag:s10] =	ssyncadd.s32 $0xFFFFD800  }
0x28: {  	[bflag:$0x0] =	sbarrier.arrive $0xFFFF  }
0x29: {  	_ =	swait.ge [sflag:s21], $0x1400  }
0x2a: {  	[sflag:s21] =	ssyncset.done $0x0  }
0x2b: {  	[sflag:s21] =	ssyncadd.s32 $0xFFFFEC00  }
0x2c: {  	[spmem:s2] =	stream.indirect.scatter.add.f32 [tilespmem:s13], [sflag:$0x6], $0x80, s11, s12, $0xb8;
	[tilespmem:$0x1F300] =	vst v63  }
0x2d: {  	s22 =	simm.s32 $0xA0  }
0x2e: {  	[tilespmem:s23], [sflag:$0x5] =	stream.indirect.gather [hbm4b:s4+s12], $0x80, s22, s12, $0xb8;
	[tilespmem:$0x1F300] =	vst v63  }
0x2f: {  	_ =	swait.ge [sflag:s24], $0x1400  }
0x30: {  	[sflag:s24] =	ssyncset.done $0x0  }
0x31: {  	s15 =	simm.s32 $0x27A8;
	[sflag:s24] =	ssyncadd.s32 $0xFFFFEC00  }
0x32: {  	[spmem:s2] =	stream.indirect.scatter.add.f32 [tilespmem:s14], [sflag:$0x7], $0x80, s15, s12, $0xb8;
	[tilespmem:$0x1F300] =	vst v63  }
0x33: {  	_ =	swait.ge [sflag:s25], $0x1400  }
0x34: {  	[sflag:s25] =	ssyncset.done $0x0  }
0x35: {  	s5 =	simm.s32 $0xC8;
	[sflag:s25] =	ssyncadd.s32 $0xFFFFEC00  }
0x36: {  	[tilespmem:s13], [sflag:$0x1] =	stream.indirect.gather [hbm4b:s4+s12], $0x80, s5, s12, $0xb8;
	[tilespmem:$0x1F300] =	vst v63  }
0x37: {  	_ =	swait.ge [sflag:s26], $0x1400  }
0x38: {  	[sflag:s26] =	ssyncset.done $0x0  }
0x39: {  	s22 =	simm.s32 $0x27D0;
	[sflag:s26] =	ssyncadd.s32 $0xFFFFEC00  }
0x3a: {  	[spmem:s2] =	stream.indirect.scatter.add.f32 [tilespmem:s16], [sflag:$0x8], $0x80, s22, s12, $0xb8;
	[tilespmem:$0x1F300] =	vst v63  }
0x3b: {  	_ =	swait.ge [sflag:s28], $0x1400  }
0x3c: {  	[sflag:s28] =	ssyncset.done $0x0  }
0x3d: {  	s5 =	simm.s32 $0xF0;
	[sflag:s28] =	ssyncadd.s32 $0xFFFFEC00  }
0x3e: {  	[tilespmem:s14], [sflag:$0x2] =	stream.indirect.gather [hbm4b:s4+s12], $0x80, s5, s12, $0xb8;
	[tilespmem:$0x1F300] =	vst v63  }
0x3f: {  	_ =	swait.ge [sflag:s29], $0x1400  }
0x40: {  	[sflag:s29] =	ssyncset.done $0x0  }
0x41: {  	s22 =	simm.s32 $0x27F8;
	[sflag:s29] =	ssyncadd.s32 $0xFFFFEC00  }
0x42: {  	[spmem:s2] =	stream.indirect.scatter.add.f32 [tilespmem:s18], [sflag:$0x9], $0x80, s22, s12, $0xb8;
	[tilespmem:$0x1F300] =	vst v63  }
0x43: {  	_ =	swait.ge [sflag:s30], $0x1400  }
0x44: {  	[sflag:s30] =	ssyncset.done $0x0  }
0x45: {  	s5 =	simm.s32 $0x118;
	[sflag:s30] =	ssyncadd.s32 $0xFFFFEC00  }
0x46: {  	[tilespmem:s16], [sflag:$0x3] =	stream.indirect.gather [hbm4b:s4+s12], $0x80, s5, s12, $0xb8;
	[tilespmem:$0x1F300] =	vst v63  }
0x47: {  	_ =	swait.ge [sflag:s31], $0x1400  }
0x48: {  	[sflag:s31] =	ssyncset.done $0x0  }
0x49: {  	s22 =	simm.s32 $0x2820;
	[sflag:s31] =	ssyncadd.s32 $0xFFFFEC00  }
0x4a: {  	[spmem:s2] =	stream.indirect.scatter.add.f32 [tilespmem:s23], [sflag:$0xA], $0x80, s22, s12, $0xb8;
	[tilespmem:$0x1F300] =	vst v63  }
0x4b: {  	_ =	swait.ge [sflag:s1], $0x1400  }
0x4c: {  	[sflag:s1] =	ssyncset.done $0x0  }
0x4d: {  	s5 =	simm.s32 $0x140;
	[sflag:s1] =	ssyncadd.s32 $0xFFFFEC00  }
0x4e: {  	[tilespmem:s18], [sflag:$0x4] =	stream.indirect.gather [hbm4b:s4+s12], $0x80, s5, s12, $0xb8;
	[tilespmem:$0x1F300] =	vst v63  }
0x4f: {  	_ =	swait.ge [sflag:s21], $0x1400  }
0x50: {  	[sflag:s21] =	ssyncset.done $0x0  }
0x51: {  	s22 =	simm.s32 $0x2848;
	[sflag:s21] =	ssyncadd.s32 $0xFFFFEC00  }
0x52: {  	[spmem:s2] =	stream.indirect.scatter.add.f32 [tilespmem:s13], [sflag:$0x6], $0x80, s22, s12, $0xb8;
	[tilespmem:$0x1F300] =	vst v63  }
0x53: {  	_ =	swait.ge [sflag:s0], $0x1400  }
0x54: {  	[sflag:s0] =	ssyncset.done $0x0  }
0x55: {  	s15 =	simm.s32 $0x168;
	s22 =	simm.s32 $0x320;
	[sflag:s0] =	ssyncadd.s32 $0xFFFFEC00  }
.LBB2_2:
0x56: {  	[tilespmem:s23], [sflag:$0x5] =	stream.indirect.gather [hbm4b:s4+s12], $0x80, s15, s12, $0xb8;
	[tilespmem:$0x1F300] =	vst v63  }
0x57: {  	s15 =	smov.u32 s22  }
0x58: {  	p0 =	sne.s32 s22, $0x9600;
	s22 =	sadd.s32 $0x320, s22;
	_ =	swait.ge [sflag:s24], $0x1400  }
0x59: {  	s15 =	sshra.s32 s15, $0x2;
	[sflag:s24] =	ssyncset.done $0x0  }
0x5a: {  	s5 =	sadd.s32 $0x27A8, s15;
	[sflag:s24] =	ssyncadd.s32 $0xFFFFEC00  }
0x5b: {  	[spmem:s2] =	stream.indirect.scatter.add.f32 [tilespmem:s14], [sflag:$0x7], $0x80, s5, s12, $0xb8;
	[tilespmem:$0x1F300] =	vst v63  }
0x5c: {  	_ =	swait.ge [sflag:s25], $0x1400  }
0x5d: {  	[sflag:s25] =	ssyncset.done $0x0  }
0x5e: {  	s5 =	sadd.s32 $0xC8, s15;
	[sflag:s25] =	ssyncadd.s32 $0xFFFFEC00  }
0x5f: {  	[tilespmem:s13], [sflag:$0x1] =	stream.indirect.gather [hbm4b:s4+s12], $0x80, s5, s12, $0xb8;
	[tilespmem:$0x1F300] =	vst v63  }
0x60: {  	_ =	swait.ge [sflag:s26], $0x1400  }
0x61: {  	[sflag:s26] =	ssyncset.done $0x0  }
0x62: {  	s5 =	sadd.s32 $0x27D0, s15;
	[sflag:s26] =	ssyncadd.s32 $0xFFFFEC00  }
0x63: {  	[spmem:s2] =	stream.indirect.scatter.add.f32 [tilespmem:s16], [sflag:$0x8], $0x80, s5, s12, $0xb8;
	[tilespmem:$0x1F300] =	vst v63  }
0x64: {  	_ =	swait.ge [sflag:s28], $0x1400  }
0x65: {  	[sflag:s28] =	ssyncset.done $0x0  }
0x66: {  	s5 =	sadd.s32 $0xF0, s15;
	[sflag:s28] =	ssyncadd.s32 $0xFFFFEC00  }
0x67: {  	[tilespmem:s14], [sflag:$0x2] =	stream.indirect.gather [hbm4b:s4+s12], $0x80, s5, s12, $0xb8;
	[tilespmem:$0x1F300] =	vst v63  }
0x68: {  	_ =	swait.ge [sflag:s29], $0x1400  }
0x69: {  	[sflag:s29] =	ssyncset.done $0x0  }
0x6a: {  	s5 =	sadd.s32 $0x27F8, s15;
	[sflag:s29] =	ssyncadd.s32 $0xFFFFEC00  }
0x6b: {  	[spmem:s2] =	stream.indirect.scatter.add.f32 [tilespmem:s18], [sflag:$0x9], $0x80, s5, s12, $0xb8;
	[tilespmem:$0x1F300] =	vst v63  }
0x6c: {  	_ =	swait.ge [sflag:s30], $0x1400  }
0x6d: {  	[sflag:s30] =	ssyncset.done $0x0  }
0x6e: {  	s5 =	sadd.s32 $0x118, s15;
	[sflag:s30] =	ssyncadd.s32 $0xFFFFEC00  }
0x6f: {  	[tilespmem:s16], [sflag:$0x3] =	stream.indirect.gather [hbm4b:s4+s12], $0x80, s5, s12, $0xb8;
	[tilespmem:$0x1F300] =	vst v63  }
0x70: {  	_ =	swait.ge [sflag:s31], $0x1400  }
0x71: {  	[sflag:s31] =	ssyncset.done $0x0  }
0x72: {  	s5 =	sadd.s32 $0x2820, s15;
	[sflag:s31] =	ssyncadd.s32 $0xFFFFEC00  }
0x73: {  	[spmem:s2] =	stream.indirect.scatter.add.f32 [tilespmem:s23], [sflag:$0xA], $0x80, s5, s12, $0xb8;
	[tilespmem:$0x1F300] =	vst v63  }
0x74: {  	_ =	swait.ge [sflag:s1], $0x1400  }
0x75: {  	[sflag:s1] =	ssyncset.done $0x0  }
0x76: {  	s5 =	sadd.s32 $0x140, s15;
	[sflag:s1] =	ssyncadd.s32 $0xFFFFEC00  }
0x77: {  	[tilespmem:s18], [sflag:$0x4] =	stream.indirect.gather [hbm4b:s4+s12], $0x80, s5, s12, $0xb8;
	[tilespmem:$0x1F300] =	vst v63  }
0x78: {  	_ =	swait.ge [sflag:s21], $0x1400  }
0x79: {  	[sflag:s21] =	ssyncset.done $0x0  }
.Ltmp0:
0x7a: {  	s5 =	sadd.s32 $0x2848, s15;
	[sflag:s21] =	ssyncadd.s32 $0xFFFFEC00;
	(pc) =	sbr.rel @p0 .LBB2_2-.Ltmp0, $4  }
0x7b: {  	[spmem:s2] =	stream.indirect.scatter.add.f32 [tilespmem:s13], [sflag:$0x6], $0x80, s5, s12, $0xb8;
	[tilespmem:$0x1F300] =	vst v63  }
0x7c: {  	_ =	swait.ge [sflag:s0], $0x1400  }
0x7d: {  	[sflag:s0] =	ssyncset.done $0x0  }
0x7e: {  	s15 =	sadd.s32 $0x168, s15;
	[sflag:s0] =	ssyncadd.s32 $0xFFFFEC00  }
0x7f: {  	[tilespmem:s23], [sflag:$0x5] =	stream.indirect.gather [hbm4b:s4+s12], $0x80, s15, s12, $0xb8;
	[tilespmem:$0x1F300] =	vst v63  }
0x80: {  	_ =	swait.ge [sflag:s24], $0x1400  }
0x81: {  	[sflag:s24] =	ssyncset.done $0x0  }
0x82: {  	s5 =	simm.s32 $0x4DF0;
	[sflag:s24] =	ssyncadd.s32 $0xFFFFEC00  }
0x83: {  	[spmem:s2] =	stream.indirect.scatter.add.f32 [tilespmem:s14], [sflag:$0x7], $0x80, s5, s12, $0xb8;
	[tilespmem:$0x1F300] =	vst v63  }
0x84: {  	_ =	swait.ge [sflag:s25], $0x1400  }
0x85: {  	[sflag:s25] =	ssyncset.done $0x0  }
0x86: {  	[sflag:s25] =	ssyncadd.s32 $0xFFFFEC00  }
0x87: {  	_ =	swait.ge [sflag:s26], $0x1400  }
0x88: {  	[sflag:s26] =	ssyncset.done $0x0  }
0x89: {  	s22 =	simm.s32 $0x4E18;
	[sflag:s26] =	ssyncadd.s32 $0xFFFFEC00  }
0x8a: {  	[spmem:s2] =	stream.indirect.scatter.add.f32 [tilespmem:s16], [sflag:$0x8], $0x80, s22, s12, $0xb8;
	[tilespmem:$0x1F300] =	vst v63  }
0x8b: {  	_ =	swait.ge [sflag:s28], $0x1400  }
0x8c: {  	[sflag:s28] =	ssyncset.done $0x0  }
0x8d: {  	[sflag:s28] =	ssyncadd.s32 $0xFFFFEC00  }
0x8e: {  	_ =	swait.ge [sflag:s29], $0x1400  }
0x8f: {  	[sflag:s29] =	ssyncset.done $0x0  }
0x90: {  	s15 =	simm.s32 $0x4E40;
	[sflag:s29] =	ssyncadd.s32 $0xFFFFEC00  }
0x91: {  	[spmem:s2] =	stream.indirect.scatter.add.f32 [tilespmem:s18], [sflag:$0x9], $0x80, s15, s12, $0xb8;
	[tilespmem:$0x1F300] =	vst v63  }
0x92: {  	_ =	swait.ge [sflag:s30], $0x1400  }
0x93: {  	[sflag:s30] =	ssyncset.done $0x0  }
0x94: {  	[sflag:s30] =	ssyncadd.s32 $0xFFFFEC00  }
0x95: {  	_ =	swait.ge [sflag:s31], $0x1400  }
0x96: {  	[sflag:s31] =	ssyncset.done $0x0  }
0x97: {  	s22 =	simm.s32 $0x4E68;
	[sflag:s31] =	ssyncadd.s32 $0xFFFFEC00  }
0x98: {  	[spmem:s2] =	stream.indirect.scatter.add.f32 [tilespmem:s23], [sflag:$0xA], $0x80, s22, s12, $0xb8;
	[tilespmem:$0x1F300] =	vst v63  }
0x99: {  	_ =	swait.ge [sflag:s1], $0x1400  }
0x9a: {  	[sflag:s1] =	ssyncset.done $0x0  }
0x9b: {  	[sflag:s1] =	ssyncadd.s32 $0xFFFFEC00  }
0x9c: {  	_ =	swait.ge [sflag:s0], $0x1400  }
0x9d: {  	s17 =	sadd.s32 $0x1, s17;
	[sflag:s0] =	ssyncset.done $0x0  }
0x9e: {  	p0 =	sne.s32 s17, s9;
	[sflag:s0] =	ssyncadd.s32 $0xFFFFEC00  }
.Ltmp1:
0x9f: {  	[bflag:$0x0] =	sbarrier.arrive $0xFFFF;
	(pc) =	sbr.rel @p0 .LBB2_1-.Ltmp1, $4  }
0xa0: {  	[hbm:s8], [sflag:s19] =	dma.local [spmem:s20], $0x2800  }
0xa1: {  	_ =	swait.ge [sflag:s10], $0x2800  }
0xa2: {  	[sflag:s10] =	ssyncset.done $0x0  }
0xa3: {  	[sflag:s10] =	ssyncadd.s32 $0xFFFFD800  }
0xa4: {  	_ =	sfence.sel $0x180000  }
0xa5: {  	[bflag:$0x0] =	sbarrier.arrive $0xFFFF  }
0xa6: {  	_ =	strace $0x90000047  }
0xa7: {  	s0 =	stileid.u32;
	[bflag:$0x2] =	sbarrier.arrive $0xFFFF  }
0xa8: {  	p0 =	sne.s32 s0, $0x0;
	s0 =	rddreg [dreg:$0x2]  }
0xa9: {  	s0 =	sadd.s32 @!p0 $0x100000, s0  }
0xaa: {  	[sflag:s0] =	ssyncadd.tile.s32 @!p0 $0x1;
	_ =	shalt  }
.Lfunc_end2:
_tile_overlayer_lowered:
.L_overlay_start_2:
0xab: {  	(tag) =	ssettag $0x2  }
0xac: {  	s0 =	rddreg [dreg:$0x0];
	s2 =	stileid.u32  }
0xad: {  	s1 =	rddreg [dreg:$0x1];
	p0 =	sne.s32 s2, $0x0  }
0xae: {  	s3 =	rddreg [dreg:$0x2];
	[bflag:$0x3] =	sbarrier.arrive $0xFFFF;
	s2 =	simm.s32 @!p0 $0x1C0B  }
0xaf: {  	[timem:s3], [sflag:s2] =	dma.local @!p0 [hbm:s0], s1  }
0xb0: {  	s0 =	simm.s32 @!p0 $0xB  }
0xb1: {  	_ =	swait.ge @!p0 [sflag:s0], s1  }
0xb2: {  	s1 =	ssub.s32 @!p0 $0x0, s1;
	[sflag:s0] =	ssyncset.done @!p0 $0x0  }
0xb3: {  	[sflag:s0] =	ssyncadd.s32 @!p0 s1  }
0xb4: {  	[bflag:$0x3] =	sbarrier.arrive $0xFFFF  }
0xb5: {  	_ =	shalt  }

// kernel: kernel.14.cloned.1.call-start
scs
__scs_entry_jumppad:
0x0: {  	(pc) =	sbr.rel $0x88, $3  }
0x1: {  	(tag) =	ssettag $0x0;
	lr =	simm.s32 $0x1  }
0x2: {  	[smem:$0x3F9A] =	sst lr;
	_ =	strace $0xD0000000  }
0x3: {  	_ = 	snop  }
0x4: {  	_ = 	snop  }
0x5: {  	_ = 	snop  }
0x6: {  	_ = 	snop  }
0x7: {  	_ = 	snop  }
__scs_overlays_trampoline_lowered:
0x8: {  	[smem:$0x3FA9] =	sst s0  }
0x9: {  	[smem:$0x3FAA] =	sst s1  }
0xa: {  	[smem:$0x3FAB] =	sst s2  }
0xb: {  	[smem:$0x3FAC] =	sst s3  }
0xc: {  	[smem:$0x3FAD] =	sst s4  }
0xd: {  	[smem:$0x3FAE] =	sst s5  }
0xe: {  	[smem:$0x3FAF] =	sst s6  }
0xf: {  	[smem:$0x3FB0] =	sst s7  }
0x10: {  	[smem:$0x3FB1] =	sst s8  }
0x11: {  	[smem:$0x3FB2] =	sst s9;
	s0 =	simm.s32 @!p0 $0x0  }
0x12: {  	s1 =	sld [smem:$0x3F98];
	s0 =	simm.s32 @p0 $0x1  }
0x13: {  	[smem:$0x3FB3] =	sst s0;
	s0 =	simm.s32 @!p1 $0x0  }
0x14: {  	s2 =	sld [smem:$0x3F97];
	s0 =	simm.s32 @p1 $0x1  }
0x15: {  	[smem:$0x3FB4] =	sst s0;
	s0 =	simm.s32 @!p2 $0x0  }
0x16: {  	s3 =	sld [smem:$0x3FDB];
	s0 =	simm.s32 @p2 $0x1  }
0x17: {  	s4 =	simm.s32 $0x1BF5;
	[smem:$0x3FB6] =	sst s0  }
0x18: {  	s0 =	sld [smem:$0x3F99];
	_ =	swait.ge [sflag:s4], $0x0  }
0x19: {  	s7 =	sld [smem:$0x3F9A]  }
0x1a: {  	s8 =	sadd.s32 $0xFFFFE003, lr  }
0x1b: {  	s9 =	sadd.s32 $0xFFFFFEF7, lr;
	s5 =	simm.s32 $0xFFFFFFFF;
	p2 =	slt.u32 s8, $0xFFFFF086  }
0x1c: {  	p1 =	slt.u32 s9, $0xF7A;
	s5 =	simm.s32 @!p2 $0x0  }
0x1d: {  	s5 =	simm.s32 @p1 $0x1;
	p0 =	seq.s32 s7, s2  }
0x1e: {  	s7 =	smul.u32 @!p0 $0xF7A, s2;
	p2 =	seq.s32 @!p0 s5, $0x0  }
0x1f: {  	s9 =	smul.u32 $0xF7A, s1;
	s8 =	simm.s32 @!p0 $0x1BF5;
	p2 =	por !p2, p0  }
0x20: {  	[sflag:s8] =	ssyncset.s32 @!p0 $0xFFFFF086;
	s6 =	sadd.s32 @!p0 s3, s7;
	s7 =	simm.s32 @!p0 $0x108  }
0x21: {  	s3 =	sadd.s32 s3, s9;
	s6 =	sadd.s32 @!p0 $0x88, s6;
	s7 =	simm.s32 @p2 $0x1082  }
0x22: {  	[simem:s7], [sflag:s8] =	dma.local @!p0 [hbm:s6], $0xF7A  }
0x23: {  	s9 =	sor.u32 $0xD0000000, s2;
	s6 =	simm.s32 $0x108;
	_ =	swait.ge @!p0 [sflag:s8], $0x0  }
0x24: {  	s3 =	sadd.s32 $0x88, s3;
	s6 =	simm.s32 @!p1 $0x1082;
	[sflag:s4] =	ssyncset.s32 $0xFFFFF086  }
0x25: {  	[simem:s6], [sflag:s4] =	dma.local [hbm:s3], $0xF7A  }
0x26: {  	[smem:$0x3F9A] =	sst s1;
	(tag) =	ssettag s2;
	_ =	strace s9  }
0x27: {  	s1 =	sld [smem:$0x3FAA]  }
0x28: {  	s2 =	sld [smem:$0x3FAB]  }
0x29: {  	s4 =	sld [smem:$0x3FAD]  }
0x2a: {  	p0 =	seq.s32 s5, $0x0;
	s5 =	sld [smem:$0x3FAE]  }
0x2b: {  	s6 =	sld [smem:$0x3FAF]  }
0x2c: {  	s7 =	sld [smem:$0x3FB0]  }
0x2d: {  	s3 =	simm.s32 $0x108;
	s8 =	sld [smem:$0x3FB1]  }
0x2e: {  	s3 =	simm.s32 @!p0 $0x1082;
	s9 =	sld [smem:$0x3FB2]  }
0x2f: {  	lr =	sadd.s32 s0, s3;
	s0 =	sld [smem:$0x3FA9]  }
0x30: {  	s3 =	sld [smem:$0x3FAC]  }
0x31: {  	[smem:$0x3FB5] =	sst s10  }
0x32: {  	s10 =	sld [smem:$0x3FB3];
	_ =	sdelay $0x3  }
0x33: {  	p0 =	seq.s32 s10, $0x1;
	s10 =	sld [smem:$0x3FB5];
	_ =	sdelay $0x3  }
0x34: {  	[smem:$0x3FB5] =	sst s10  }
0x35: {  	s10 =	sld [smem:$0x3FB4];
	_ =	sdelay $0x3  }
0x36: {  	p1 =	seq.s32 s10, $0x1;
	s10 =	sld [smem:$0x3FB5];
	_ =	sdelay $0x3  }
0x37: {  	[smem:$0x3FB5] =	sst s10  }
0x38: {  	s10 =	sld [smem:$0x3FB6]  }
0x39: {  	_ = 	snop;
	(pc) =	sbr.ind lr, $3  }
0x3a: {  	_ = 	snop  }
0x3b: {  	_ = 	snop  }
0x3c: {  	p2 =	seq.s32 s10, $0x1;
	s10 =	sld [smem:$0x3FB5]  }
0x3d: {  	_ =	shalt  }
0x3e: {  	_ =	shalt  }
0x3f: {  	_ =	shalt  }
0x40: {  	_ =	shalt  }
0x41: {  	_ =	shalt  }
0x42: {  	_ =	shalt  }
0x43: {  	_ =	shalt  }
0x44: {  	_ =	shalt  }
0x45: {  	_ =	shalt  }
0x46: {  	_ =	shalt  }
0x47: {  	_ =	shalt  }
0x48: {  	_ =	shalt  }
0x49: {  	_ =	shalt  }
0x4a: {  	_ =	shalt  }
0x4b: {  	_ =	shalt  }
0x4c: {  	_ =	shalt  }
0x4d: {  	_ =	shalt  }
0x4e: {  	_ =	shalt  }
0x4f: {  	_ =	shalt  }
0x50: {  	_ =	shalt  }
0x51: {  	_ =	shalt  }
0x52: {  	_ =	shalt  }
0x53: {  	_ =	shalt  }
0x54: {  	_ =	shalt  }
0x55: {  	_ =	shalt  }
0x56: {  	_ =	shalt  }
0x57: {  	_ =	shalt  }
0x58: {  	_ =	shalt  }
0x59: {  	_ =	shalt  }
0x5a: {  	_ =	shalt  }
0x5b: {  	_ =	shalt  }
0x5c: {  	_ =	shalt  }
0x5d: {  	_ =	shalt  }
0x5e: {  	_ =	shalt  }
0x5f: {  	_ =	shalt  }
0x60: {  	_ =	shalt  }
0x61: {  	_ =	shalt  }
0x62: {  	_ =	shalt  }
0x63: {  	_ =	shalt  }
0x64: {  	_ =	shalt  }
0x65: {  	_ =	shalt  }
0x66: {  	_ =	shalt  }
0x67: {  	_ =	shalt  }
0x68: {  	_ =	shalt  }
0x69: {  	_ =	shalt  }
0x6a: {  	_ =	shalt  }
0x6b: {  	_ =	shalt  }
0x6c: {  	_ =	shalt  }
0x6d: {  	_ =	shalt  }
0x6e: {  	_ =	shalt  }
0x6f: {  	_ =	shalt  }
0x70: {  	_ =	shalt  }
0x71: {  	_ =	shalt  }
0x72: {  	_ =	shalt  }
0x73: {  	_ =	shalt  }
0x74: {  	_ =	shalt  }
0x75: {  	_ =	shalt  }
0x76: {  	_ =	shalt  }
0x77: {  	_ =	shalt  }
0x78: {  	_ =	shalt  }
0x79: {  	_ =	shalt  }
0x7a: {  	_ =	shalt  }
0x7b: {  	_ =	shalt  }
0x7c: {  	_ =	shalt  }
0x7d: {  	_ =	shalt  }
0x7e: {  	_ =	shalt  }
0x7f: {  	_ =	shalt  }
0x80: {  	_ =	shalt  }
0x81: {  	_ =	shalt  }
0x82: {  	_ =	shalt  }
0x83: {  	_ =	shalt  }
0x84: {  	_ =	shalt  }
0x85: {  	_ =	shalt  }
0x86: {  	_ =	shalt  }
0x87: {  	_ =	shalt  }
.Lfunc_end0:
.L_simem_size_0:
called_computation.2_lowered:
.L_overlay_start_0:
0x88: {  	s2 =	sld [smem:$0x3FD9]  }
0x89: {  	s3 =	sld [smem:$0x3FFE];
	_ =	sdelay $0x1  }
0x8a: {  	s1 =	srdreg.scid  }
0x8b: {  	s0 =	sand.u32 $0x1, s1  }
0x8c: {  	s16 =	sshll.u32 s0, $0xA;
	s2 =	sadd.s32 s3, s2  }
0x8d: {  	s2 =	sadd.s32 s2, s16  }
0x8e: {  	[smem:$0x3FC1] =	sst s2  }
0x8f: {  	_ = 	snop  }
0x90: {  	(tm) =	ssettm $0x1  }
0x91: {  	s17 =	sld [smem:$0x3FFB];
	_ =	sdelay $0x3  }
0x92: {  	_ =	strace s17  }
0x93: {  	s2 =	sld [smem:$0x3FFC];
	_ =	sdelay $0x3  }
0x94: {  	_ =	strace s2  }
0x95: {  	s2 =	sld [smem:$0x3FFD];
	_ =	sdelay $0x3  }
0x96: {  	_ =	strace s2  }
0x97: {  	_ =	strace $0x8FFFFFFF  }
0x98: {  	s18 =	sld [smem:$0x3FDB];
	_ =	sdelay $0x1  }
0x99: {  	s19 =	simm.s32 $_scs_section_size  }
0x9a: {  	s4 =	simm.s32 $_size__tile_overlayer_lowered;
	s5 =	simm.s32 $_tile_overlayer_lowered  }
0x9b: {  	s22 =	simm.s32 $0x1BFF;
	s21 =	sshll.u32 s5, $0x1;
	s2 =	sadd.s32 s19, s18  }
0x9c: {  	s6 =	simm.s32 $0x0;
	s20 =	sshll.u32 s4, $0x1;
	s4 =	sadd.s32 s21, s2  }
0x9d: {  	[timem:s6], [sflag:s22] =	dma.local [hbm:s4], s20  }
0x9e: {  	_ =	swait.ge [sflag:s22], s20  }
0x9f: {  	s3 =	ssub.s32 $0x0, s20;
	[sflag:s22] =	ssyncset.done $0x0  }
0xa0: {  	[sflag:s22] =	ssyncadd.s32 s3;
	_ =	sdelay $0x1  }
0xa1: {  	s23 =	simm.s32 $0x1B8B  }
0xa2: {  	_ =	swait.ge [sflag:s23], $0x1  }
0xa3: {  	[sflag:s23] =	ssyncset.done $0x0  }
0xa4: {  	s25 =	simm.s32 $0x1B8E;
	s24 =	sld [smem:$0x3FFE];
	[sflag:s23] =	ssyncadd.s32 $0xFFFFFFFF  }
0xa5: {  	s26 =	simm.s32 $execute0_lowered;
	[smem:$0x3FD2] =	sst s25  }
0xa6: {  	s4 =	sshll.u32 s26, $0x1;
	_ =	strace $0x8000004C;
	[dreg:$0x1] =	wrdreg $0xFFFFFFFF  }
0xa7: {  	s28 =	simm.s32 $_size_execute0_lowered;
	s2 =	sadd.s32 s2, s4;
	[dreg:$0x0] =	wrdreg $0x0  }
0xa8: {  	s4 =	sshll.u32 s28, $0x1;
	[dreg:$0x2] =	wrdreg s2  }
0xa9: {  	[dreg:$0x3] =	wrdreg s4  }
0xaa: {  	[dreg:$0x4] =	wrdreg $0xC0  }
0xab: {  	_ =	task [dreg:s6], $0x5FFFF  }
0xac: {  	[dreg:$0x1] =	wrdreg $0xFFFFFFFF  }
0xad: {  	[dreg:$0x0] =	wrdreg $0x60  }
0xae: {  	[dreg:$0x2] =	wrdreg s24  }
0xaf: {  	[dreg:$0x3] =	wrdreg $0xB3000  }
0xb0: {  	[dreg:$0x4] =	wrdreg $0x9  }
0xb1: {  	_ =	task.clear_ibuf [dreg:s6], $0x5FFFF;
	_ =	strace $0x9000004C  }
0xb2: {  	s29 =	simm.s32 $0x9;
	_ =	strace $0x8000004E  }
0xb3: {  	_ =	swait.ge [sflag:s29], $0x1  }
0xb4: {  	[sflag:s29] =	ssyncadd.s32 $0xFFFFFFFF  }
0xb5: {  	_ =	strace $0x9000004E  }
0xb6: {  	_ =	sfence  }
0xb7: {  	s30 =	sld [smem:$0x0];
	_ =	sdelay $0x2  }
0xb8: {  	s31 =	sshll.u32 s1, $0xD;
	s1 =	sshrl.u32 s1, $0x2  }
0xb9: {  	s3 =	sand.u32 $0x4000, s31;
	s1 =	sadd.s32 s1, s30  }
0xba: {  	s0 =	sor.u32 s3, s0;
	s1 =	sshll.u32 s1, $0x11  }
0xbb: {  	s0 =	sor.u32 s1, s0  }
0xbc: {  	s0 =	sadd.s32 $0x8F2B, s0  }
0xbd: {  	[sflag:s0] =	ssyncadd.remote.s32 $0x1  }
0xbe: {  	_ =	sfence.sel $0xFFFF  }
0xbf: {  	[dreg:$0x0] =	wrdreg $0xFFFFFFFF;
	(pc) =	sbr.abs _section_cstart, $3  }
0xc0: {  	[dreg:$0x1] =	wrdreg $0xFFFFFFFF  }
0xc1: {  	_ =	task.clear_ibuf [dreg:s6], $0x2FFFF;
	_ =	strace $0x9FFFFFFF  }
0xc2: {  	(tm) =	ssettm $0x7FFFFFFF  }
0xc3: {  	_ =	shalt  }
tec
execute0_lowered:
.L_overlay_start_1:
0x0: {  	(tag) =	ssettag $0x1  }
0x1: {  	s0 =	srdreg.scid  }
0x2: {  	s15 =	stileid.u32;
	s5 =	rddreg [dreg:$0x0]  }
0x3: {  	s2 =	rddreg [dreg:$0x1];
	s3 =	simm.s32 $0x0;
	s11 =	simm.s32 $0x2780  }
0x4: {  	s12 =	simm.s32 $0x28;
	s13 =	simm.s32 $0x4F00;
	s14 =	simm.s32 $0x6300  }
0x5: {  	s16 =	simm.s32 $0x7700;
	s18 =	simm.s32 $0x8B00;
	s21 =	simm.s32 $0x1  }
0x6: {  	s28 =	simm.s32 $0x7;
	s29 =	simm.s32 $0x4;
	s30 =	simm.s32 $0x8  }
0x7: {  	s31 =	simm.s32 $0x5;
	s17 =	simm.s32 $0x0;
	s0 =	sand.u32 $0x1, s0  }
0x8: {  	s1 =	sshll.u32 s15, $0x1;
	s6 =	smul.u32 $0x14000, s15;
	[smem:$0x7FF] =	sst s3  }
0x9: {  	s4 =	sadd.s32 $0x15400, s5;
	s9 =	smul.u32 $0x50000, s15;
	s26 =	sshll.u32 s15, $0x6  }
0xa: {  	s1 =	sor.u32 s0, s1;
	s7 =	smul.u32 $0x140000, s0;
	_ =	strace $0x8000004D  }
0xb: {  	s0 =	ssub.s32 $0x2, s0;
	s19 =	sor.u32 $0x1C0B, s26;
	s26 =	simm.s32 $0x3  }
0xc: {  	s1 =	smul.u32 $0x4E2, s1;
	s8 =	sshrl.u32 s6, $0x3;
	s23 =	sshrl.u32 s0, $0x1  }
0xd: {  	s25 =	sshrl.u32 s9, $0x2;
	s6 =	sadd.s32 s6, s7;
	s8 =	sadd.s32 s8, s5  }
0xe: {  	s0 =	ssub.s32 s0, s23;
	s23 =	simm.s32 $0x9F00;
	s1 =	sadd.s32 s1, s5  }
0xf: {  	s6 =	sshrl.u32 s6, $0x3;
	s7 =	sadd.s32 $0x3C600, s8;
	s9 =	smax.u32 s0, $0x1  }
0x10: {  	s0 =	simm.s32 $0xA;
	s10 =	sadd.s32 s6, s5;
	s24 =	sadd.s32 $0xB600, s1  }
0x11: {  	s6 =	sadd.s32 $0x1800, s1;
	s1 =	sadd.s32 s25, s2;
	s25 =	simm.s32 $0x6  }
0x12: {  	[dreg:$0x3] =	wrdreg s24;
	s8 =	sadd.s32 $0x64600, s10;
	s10 =	simm.s32 $0xB  }
0x13: {  	s20 =	sshrl.u32 s1, $0x3;
	s24 =	simm.s32 $0x2;
	s1 =	simm.s32 $0x9  }
.LBB2_1:
0x14: {  	s5 =	rddreg [dreg:$0x3]  }
0x15: {  	[tilespmem:s3], [sflag:$0xB] =	stream.linear.gather [hbm4b:s5+s3], $0x2710, $0x38;
	[tilespmem:$0x1F300] =	vst v63  }
0x16: {  	_ =	swait.ge [sflag:s10], $0x2710  }
0x17: {  	[sflag:s10] =	ssyncset.done $0x0  }
0x18: {  	[sflag:s10] =	ssyncadd.s32 $0xFFFFD8F0  }
0x19: {  	[tilespmem:s11], [sflag:$0xB] =	stream.linear.gather [hbm4b:s6+s3], $0x2710, $0x38;
	[tilespmem:$0x1F300] =	vst v63  }
0x1a: {  	_ =	swait.ge [sflag:s10], $0x2710  }
0x1b: {  	[sflag:s10] =	ssyncset.done $0x0  }
0x1c: {  	[sflag:s10] =	ssyncadd.s32 $0xFFFFD8F0  }
0x1d: {  	[tilespmem:s13], [sflag:$0x1] =	stream.indirect.gather [hbm4b:s4+s12], $0x80, s3, s12, $0xb8;
	[tilespmem:$0x1F300] =	vst v63  }
0x1e: {  	_ = 	snop  }
0x1f: {  	[tilespmem:s14], [sflag:$0x2] =	stream.indirect.gather [hbm4b:s4+s12], $0x80, s12, s12, $0xb8;
	[tilespmem:$0x1F300] =	vst v63  }
0x20: {  	s22 =	simm.s32 $0x50  }
0x21: {  	[tilespmem:s16], [sflag:$0x3] =	stream.indirect.gather [hbm4b:s4+s12], $0x80, s22, s12, $0xb8;
	[tilespmem:$0x1F300] =	vst v63  }
0x22: {  	s15 =	simm.s32 $0x78  }
0x23: {  	[tilespmem:s18], [sflag:$0x4] =	stream.indirect.gather [hbm4b:s4+s12], $0x80, s15, s12, $0xb8;
	[tilespmem:$0x1F300] =	vst v63  }
0x24: {  	[spmem:s20], [sflag:s19] =	dma.local [hbm:s7], $0x2800  }
0x25: {  	_ =	swait.ge [sflag:s10], $0x2800  }
0x26: {  	[sflag:s10] =	ssyncset.done $0x0  }
0x27: {  	[sflag:s10] =	ssyncadd.s32 $0xFFFFD800  }
0x28: {  	[bflag:$0x0] =	sbarrier.arrive $0xFFFF  }
0x29: {  	_ =	swait.ge [sflag:s21], $0x1400  }
0x2a: {  	[sflag:s21] =	ssyncset.done $0x0  }
0x2b: {  	[sflag:s21] =	ssyncadd.s32 $0xFFFFEC00  }
0x2c: {  	[spmem:s2] =	stream.indirect.scatter.add.f32 [tilespmem:s13], [sflag:$0x6], $0x80, s11, s12, $0xb8;
	[tilespmem:$0x1F300] =	vst v63  }
0x2d: {  	s22 =	simm.s32 $0xA0  }
0x2e: {  	[tilespmem:s23], [sflag:$0x5] =	stream.indirect.gather [hbm4b:s4+s12], $0x80, s22, s12, $0xb8;
	[tilespmem:$0x1F300] =	vst v63  }
0x2f: {  	_ =	swait.ge [sflag:s24], $0x1400  }
0x30: {  	[sflag:s24] =	ssyncset.done $0x0  }
0x31: {  	s15 =	simm.s32 $0x27A8;
	[sflag:s24] =	ssyncadd.s32 $0xFFFFEC00  }
0x32: {  	[spmem:s2] =	stream.indirect.scatter.add.f32 [tilespmem:s14], [sflag:$0x7], $0x80, s15, s12, $0xb8;
	[tilespmem:$0x1F300] =	vst v63  }
0x33: {  	_ =	swait.ge [sflag:s25], $0x1400  }
0x34: {  	[sflag:s25] =	ssyncset.done $0x0  }
0x35: {  	s5 =	simm.s32 $0xC8;
	[sflag:s25] =	ssyncadd.s32 $0xFFFFEC00  }
0x36: {  	[tilespmem:s13], [sflag:$0x1] =	stream.indirect.gather [hbm4b:s4+s12], $0x80, s5, s12, $0xb8;
	[tilespmem:$0x1F300] =	vst v63  }
0x37: {  	_ =	swait.ge [sflag:s26], $0x1400  }
0x38: {  	[sflag:s26] =	ssyncset.done $0x0  }
0x39: {  	s22 =	simm.s32 $0x27D0;
	[sflag:s26] =	ssyncadd.s32 $0xFFFFEC00  }
0x3a: {  	[spmem:s2] =	stream.indirect.scatter.add.f32 [tilespmem:s16], [sflag:$0x8], $0x80, s22, s12, $0xb8;
	[tilespmem:$0x1F300] =	vst v63  }
0x3b: {  	_ =	swait.ge [sflag:s28], $0x1400  }
0x3c: {  	[sflag:s28] =	ssyncset.done $0x0  }
0x3d: {  	s5 =	simm.s32 $0xF0;
	[sflag:s28] =	ssyncadd.s32 $0xFFFFEC00  }
0x3e: {  	[tilespmem:s14], [sflag:$0x2] =	stream.indirect.gather [hbm4b:s4+s12], $0x80, s5, s12, $0xb8;
	[tilespmem:$0x1F300] =	vst v63  }
0x3f: {  	_ =	swait.ge [sflag:s29], $0x1400  }
0x40: {  	[sflag:s29] =	ssyncset.done $0x0  }
0x41: {  	s22 =	simm.s32 $0x27F8;
	[sflag:s29] =	ssyncadd.s32 $0xFFFFEC00  }
0x42: {  	[spmem:s2] =	stream.indirect.scatter.add.f32 [tilespmem:s18], [sflag:$0x9], $0x80, s22, s12, $0xb8;
	[tilespmem:$0x1F300] =	vst v63  }
0x43: {  	_ =	swait.ge [sflag:s30], $0x1400  }
0x44: {  	[sflag:s30] =	ssyncset.done $0x0  }
0x45: {  	s5 =	simm.s32 $0x118;
	[sflag:s30] =	ssyncadd.s32 $0xFFFFEC00  }
0x46: {  	[tilespmem:s16], [sflag:$0x3] =	stream.indirect.gather [hbm4b:s4+s12], $0x80, s5, s12, $0xb8;
	[tilespmem:$0x1F300] =	vst v63  }
0x47: {  	_ =	swait.ge [sflag:s31], $0x1400  }
0x48: {  	[sflag:s31] =	ssyncset.done $0x0  }
0x49: {  	s22 =	simm.s32 $0x2820;
	[sflag:s31] =	ssyncadd.s32 $0xFFFFEC00  }
0x4a: {  	[spmem:s2] =	stream.indirect.scatter.add.f32 [tilespmem:s23], [sflag:$0xA], $0x80, s22, s12, $0xb8;
	[tilespmem:$0x1F300] =	vst v63  }
0x4b: {  	_ =	swait.ge [sflag:s1], $0x1400  }
0x4c: {  	[sflag:s1] =	ssyncset.done $0x0  }
0x4d: {  	s5 =	simm.s32 $0x140;
	[sflag:s1] =	ssyncadd.s32 $0xFFFFEC00  }
0x4e: {  	[tilespmem:s18], [sflag:$0x4] =	stream.indirect.gather [hbm4b:s4+s12], $0x80, s5, s12, $0xb8;
	[tilespmem:$0x1F300] =	vst v63  }
0x4f: {  	_ =	swait.ge [sflag:s21], $0x1400  }
0x50: {  	[sflag:s21] =	ssyncset.done $0x0  }
0x51: {  	s22 =	simm.s32 $0x2848;
	[sflag:s21] =	ssyncadd.s32 $0xFFFFEC00  }
0x52: {  	[spmem:s2] =	stream.indirect.scatter.add.f32 [tilespmem:s13], [sflag:$0x6], $0x80, s22, s12, $0xb8;
	[tilespmem:$0x1F300] =	vst v63  }
0x53: {  	_ =	swait.ge [sflag:s0], $0x1400  }
0x54: {  	[sflag:s0] =	ssyncset.done $0x0  }
0x55: {  	s15 =	simm.s32 $0x168;
	s22 =	simm.s32 $0x320;
	[sflag:s0] =	ssyncadd.s32 $0xFFFFEC00  }
.LBB2_2:
0x56: {  	[tilespmem:s23], [sflag:$0x5] =	stream.indirect.gather [hbm4b:s4+s12], $0x80, s15, s12, $0xb8;
	[tilespmem:$0x1F300] =	vst v63  }
0x57: {  	s15 =	smov.u32 s22  }
0x58: {  	p0 =	sne.s32 s22, $0x9600;
	s22 =	sadd.s32 $0x320, s22;
	_ =	swait.ge [sflag:s24], $0x1400  }
0x59: {  	s15 =	sshra.s32 s15, $0x2;
	[sflag:s24] =	ssyncset.done $0x0  }
0x5a: {  	s5 =	sadd.s32 $0x27A8, s15;
	[sflag:s24] =	ssyncadd.s32 $0xFFFFEC00  }
0x5b: {  	[spmem:s2] =	stream.indirect.scatter.add.f32 [tilespmem:s14], [sflag:$0x7], $0x80, s5, s12, $0xb8;
	[tilespmem:$0x1F300] =	vst v63  }
0x5c: {  	_ =	swait.ge [sflag:s25], $0x1400  }
0x5d: {  	[sflag:s25] =	ssyncset.done $0x0  }
0x5e: {  	s5 =	sadd.s32 $0xC8, s15;
	[sflag:s25] =	ssyncadd.s32 $0xFFFFEC00  }
0x5f: {  	[tilespmem:s13], [sflag:$0x1] =	stream.indirect.gather [hbm4b:s4+s12], $0x80, s5, s12, $0xb8;
	[tilespmem:$0x1F300] =	vst v63  }
0x60: {  	_ =	swait.ge [sflag:s26], $0x1400  }
0x61: {  	[sflag:s26] =	ssyncset.done $0x0  }
0x62: {  	s5 =	sadd.s32 $0x27D0, s15;
	[sflag:s26] =	ssyncadd.s32 $0xFFFFEC00  }
0x63: {  	[spmem:s2] =	stream.indirect.scatter.add.f32 [tilespmem:s16], [sflag:$0x8], $0x80, s5, s12, $0xb8;
	[tilespmem:$0x1F300] =	vst v63  }
0x64: {  	_ =	swait.ge [sflag:s28], $0x1400  }
0x65: {  	[sflag:s28] =	ssyncset.done $0x0  }
0x66: {  	s5 =	sadd.s32 $0xF0, s15;
	[sflag:s28] =	ssyncadd.s32 $0xFFFFEC00  }
0x67: {  	[tilespmem:s14], [sflag:$0x2] =	stream.indirect.gather [hbm4b:s4+s12], $0x80, s5, s12, $0xb8;
	[tilespmem:$0x1F300] =	vst v63  }
0x68: {  	_ =	swait.ge [sflag:s29], $0x1400  }
0x69: {  	[sflag:s29] =	ssyncset.done $0x0  }
0x6a: {  	s5 =	sadd.s32 $0x27F8, s15;
	[sflag:s29] =	ssyncadd.s32 $0xFFFFEC00  }
0x6b: {  	[spmem:s2] =	stream.indirect.scatter.add.f32 [tilespmem:s18], [sflag:$0x9], $0x80, s5, s12, $0xb8;
	[tilespmem:$0x1F300] =	vst v63  }
0x6c: {  	_ =	swait.ge [sflag:s30], $0x1400  }
0x6d: {  	[sflag:s30] =	ssyncset.done $0x0  }
0x6e: {  	s5 =	sadd.s32 $0x118, s15;
	[sflag:s30] =	ssyncadd.s32 $0xFFFFEC00  }
0x6f: {  	[tilespmem:s16], [sflag:$0x3] =	stream.indirect.gather [hbm4b:s4+s12], $0x80, s5, s12, $0xb8;
	[tilespmem:$0x1F300] =	vst v63  }
0x70: {  	_ =	swait.ge [sflag:s31], $0x1400  }
0x71: {  	[sflag:s31] =	ssyncset.done $0x0  }
0x72: {  	s5 =	sadd.s32 $0x2820, s15;
	[sflag:s31] =	ssyncadd.s32 $0xFFFFEC00  }
0x73: {  	[spmem:s2] =	stream.indirect.scatter.add.f32 [tilespmem:s23], [sflag:$0xA], $0x80, s5, s12, $0xb8;
	[tilespmem:$0x1F300] =	vst v63  }
0x74: {  	_ =	swait.ge [sflag:s1], $0x1400  }
0x75: {  	[sflag:s1] =	ssyncset.done $0x0  }
0x76: {  	s5 =	sadd.s32 $0x140, s15;
	[sflag:s1] =	ssyncadd.s32 $0xFFFFEC00  }
0x77: {  	[tilespmem:s18], [sflag:$0x4] =	stream.indirect.gather [hbm4b:s4+s12], $0x80, s5, s12, $0xb8;
	[tilespmem:$0x1F300] =	vst v63  }
0x78: {  	_ =	swait.ge [sflag:s21], $0x1400  }
0x79: {  	[sflag:s21] =	ssyncset.done $0x0  }
.Ltmp0:
0x7a: {  	s5 =	sadd.s32 $0x2848, s15;
	[sflag:s21] =	ssyncadd.s32 $0xFFFFEC00;
	(pc) =	sbr.rel @p0 .LBB2_2-.Ltmp0, $4  }
0x7b: {  	[spmem:s2] =	stream.indirect.scatter.add.f32 [tilespmem:s13], [sflag:$0x6], $0x80, s5, s12, $0xb8;
	[tilespmem:$0x1F300] =	vst v63  }
0x7c: {  	_ =	swait.ge [sflag:s0], $0x1400  }
0x7d: {  	[sflag:s0] =	ssyncset.done $0x0  }
0x7e: {  	s15 =	sadd.s32 $0x168, s15;
	[sflag:s0] =	ssyncadd.s32 $0xFFFFEC00  }
0x7f: {  	[tilespmem:s23], [sflag:$0x5] =	stream.indirect.gather [hbm4b:s4+s12], $0x80, s15, s12, $0xb8;
	[tilespmem:$0x1F300] =	vst v63  }
0x80: {  	_ =	swait.ge [sflag:s24], $0x1400  }
0x81: {  	[sflag:s24] =	ssyncset.done $0x0  }
0x82: {  	s5 =	simm.s32 $0x4DF0;
	[sflag:s24] =	ssyncadd.s32 $0xFFFFEC00  }
0x83: {  	[spmem:s2] =	stream.indirect.scatter.add.f32 [tilespmem:s14], [sflag:$0x7], $0x80, s5, s12, $0xb8;
	[tilespmem:$0x1F300] =	vst v63  }
0x84: {  	_ =	swait.ge [sflag:s25], $0x1400  }
0x85: {  	[sflag:s25] =	ssyncset.done $0x0  }
0x86: {  	[sflag:s25] =	ssyncadd.s32 $0xFFFFEC00  }
0x87: {  	_ =	swait.ge [sflag:s26], $0x1400  }
0x88: {  	[sflag:s26] =	ssyncset.done $0x0  }
0x89: {  	s22 =	simm.s32 $0x4E18;
	[sflag:s26] =	ssyncadd.s32 $0xFFFFEC00  }
0x8a: {  	[spmem:s2] =	stream.indirect.scatter.add.f32 [tilespmem:s16], [sflag:$0x8], $0x80, s22, s12, $0xb8;
	[tilespmem:$0x1F300] =	vst v63  }
0x8b: {  	_ =	swait.ge [sflag:s28], $0x1400  }
0x8c: {  	[sflag:s28] =	ssyncset.done $0x0  }
0x8d: {  	[sflag:s28] =	ssyncadd.s32 $0xFFFFEC00  }
0x8e: {  	_ =	swait.ge [sflag:s29], $0x1400  }
0x8f: {  	[sflag:s29] =	ssyncset.done $0x0  }
0x90: {  	s15 =	simm.s32 $0x4E40;
	[sflag:s29] =	ssyncadd.s32 $0xFFFFEC00  }
0x91: {  	[spmem:s2] =	stream.indirect.scatter.add.f32 [tilespmem:s18], [sflag:$0x9], $0x80, s15, s12, $0xb8;
	[tilespmem:$0x1F300] =	vst v63  }
0x92: {  	_ =	swait.ge [sflag:s30], $0x1400  }
0x93: {  	[sflag:s30] =	ssyncset.done $0x0  }
0x94: {  	[sflag:s30] =	ssyncadd.s32 $0xFFFFEC00  }
0x95: {  	_ =	swait.ge [sflag:s31], $0x1400  }
0x96: {  	[sflag:s31] =	ssyncset.done $0x0  }
0x97: {  	s22 =	simm.s32 $0x4E68;
	[sflag:s31] =	ssyncadd.s32 $0xFFFFEC00  }
0x98: {  	[spmem:s2] =	stream.indirect.scatter.add.f32 [tilespmem:s23], [sflag:$0xA], $0x80, s22, s12, $0xb8;
	[tilespmem:$0x1F300] =	vst v63  }
0x99: {  	_ =	swait.ge [sflag:s1], $0x1400  }
0x9a: {  	[sflag:s1] =	ssyncset.done $0x0  }
0x9b: {  	[sflag:s1] =	ssyncadd.s32 $0xFFFFEC00  }
0x9c: {  	_ =	swait.ge [sflag:s0], $0x1400  }
0x9d: {  	s17 =	sadd.s32 $0x1, s17;
	[sflag:s0] =	ssyncset.done $0x0  }
0x9e: {  	p0 =	sne.s32 s17, s9;
	[sflag:s0] =	ssyncadd.s32 $0xFFFFEC00  }
.Ltmp1:
0x9f: {  	[bflag:$0x0] =	sbarrier.arrive $0xFFFF;
	(pc) =	sbr.rel @p0 .LBB2_1-.Ltmp1, $4  }
0xa0: {  	[hbm:s8], [sflag:s19] =	dma.local [spmem:s20], $0x2800  }
0xa1: {  	_ =	swait.ge [sflag:s10], $0x2800  }
0xa2: {  	[sflag:s10] =	ssyncset.done $0x0  }
0xa3: {  	[sflag:s10] =	ssyncadd.s32 $0xFFFFD800  }
0xa4: {  	_ =	sfence.sel $0x180000  }
0xa5: {  	[bflag:$0x0] =	sbarrier.arrive $0xFFFF  }
0xa6: {  	_ =	strace $0x9000004D  }
0xa7: {  	s0 =	stileid.u32;
	[bflag:$0x2] =	sbarrier.arrive $0xFFFF  }
0xa8: {  	p0 =	sne.s32 s0, $0x0;
	s0 =	rddreg [dreg:$0x2]  }
0xa9: {  	s0 =	sadd.s32 @!p0 $0x100000, s0  }
0xaa: {  	[sflag:s0] =	ssyncadd.tile.s32 @!p0 $0x1;
	_ =	shalt  }
.Lfunc_end2:
_tile_overlayer_lowered:
.L_overlay_start_2:
0xab: {  	(tag) =	ssettag $0x2  }
0xac: {  	s0 =	rddreg [dreg:$0x0];
	s2 =	stileid.u32  }
0xad: {  	s1 =	rddreg [dreg:$0x1];
	p0 =	sne.s32 s2, $0x0  }
0xae: {  	s3 =	rddreg [dreg:$0x2];
	[bflag:$0x3] =	sbarrier.arrive $0xFFFF;
	s2 =	simm.s32 @!p0 $0x1C0B  }
0xaf: {  	[timem:s3], [sflag:s2] =	dma.local @!p0 [hbm:s0], s1  }
0xb0: {  	s0 =	simm.s32 @!p0 $0xB  }
0xb1: {  	_ =	swait.ge @!p0 [sflag:s0], s1  }
0xb2: {  	s1 =	ssub.s32 @!p0 $0x0, s1;
	[sflag:s0] =	ssyncset.done @!p0 $0x0  }
0xb3: {  	[sflag:s0] =	ssyncadd.s32 @!p0 s1  }
0xb4: {  	[bflag:$0x3] =	sbarrier.arrive $0xFFFF  }
0xb5: {  	_ =	shalt  }

// kernel: kernel.8.cloned.1.call-start
scs
__scs_entry_jumppad:
0x0: {  	(pc) =	sbr.rel $0x88, $3  }
0x1: {  	(tag) =	ssettag $0x0;
	lr =	simm.s32 $0x1  }
0x2: {  	[smem:$0x3F9A] =	sst lr;
	_ =	strace $0xD0000000  }
0x3: {  	_ = 	snop  }
0x4: {  	_ = 	snop  }
0x5: {  	_ = 	snop  }
0x6: {  	_ = 	snop  }
0x7: {  	_ = 	snop  }
__scs_overlays_trampoline_lowered:
0x8: {  	[smem:$0x3FA9] =	sst s0  }
0x9: {  	[smem:$0x3FAA] =	sst s1  }
0xa: {  	[smem:$0x3FAB] =	sst s2  }
0xb: {  	[smem:$0x3FAC] =	sst s3  }
0xc: {  	[smem:$0x3FAD] =	sst s4  }
0xd: {  	[smem:$0x3FAE] =	sst s5  }
0xe: {  	[smem:$0x3FAF] =	sst s6  }
0xf: {  	[smem:$0x3FB0] =	sst s7  }
0x10: {  	[smem:$0x3FB1] =	sst s8  }
0x11: {  	[smem:$0x3FB2] =	sst s9;
	s0 =	simm.s32 @!p0 $0x0  }
0x12: {  	s1 =	sld [smem:$0x3F98];
	s0 =	simm.s32 @p0 $0x1  }
0x13: {  	[smem:$0x3FB3] =	sst s0;
	s0 =	simm.s32 @!p1 $0x0  }
0x14: {  	s2 =	sld [smem:$0x3F97];
	s0 =	simm.s32 @p1 $0x1  }
0x15: {  	[smem:$0x3FB4] =	sst s0;
	s0 =	simm.s32 @!p2 $0x0  }
0x16: {  	s3 =	sld [smem:$0x3FDB];
	s0 =	simm.s32 @p2 $0x1  }
0x17: {  	s4 =	simm.s32 $0x1BF5;
	[smem:$0x3FB6] =	sst s0  }
0x18: {  	s0 =	sld [smem:$0x3F99];
	_ =	swait.ge [sflag:s4], $0x0  }
0x19: {  	s7 =	sld [smem:$0x3F9A]  }
0x1a: {  	s8 =	sadd.s32 $0xFFFFE003, lr  }
0x1b: {  	s9 =	sadd.s32 $0xFFFFFEF7, lr;
	s5 =	simm.s32 $0xFFFFFFFF;
	p2 =	slt.u32 s8, $0xFFFFF086  }
0x1c: {  	p1 =	slt.u32 s9, $0xF7A;
	s5 =	simm.s32 @!p2 $0x0  }
0x1d: {  	s5 =	simm.s32 @p1 $0x1;
	p0 =	seq.s32 s7, s2  }
0x1e: {  	s7 =	smul.u32 @!p0 $0xF7A, s2;
	p2 =	seq.s32 @!p0 s5, $0x0  }
0x1f: {  	s9 =	smul.u32 $0xF7A, s1;
	s8 =	simm.s32 @!p0 $0x1BF5;
	p2 =	por !p2, p0  }
0x20: {  	[sflag:s8] =	ssyncset.s32 @!p0 $0xFFFFF086;
	s6 =	sadd.s32 @!p0 s3, s7;
	s7 =	simm.s32 @!p0 $0x108  }
0x21: {  	s3 =	sadd.s32 s3, s9;
	s6 =	sadd.s32 @!p0 $0x88, s6;
	s7 =	simm.s32 @p2 $0x1082  }
0x22: {  	[simem:s7], [sflag:s8] =	dma.local @!p0 [hbm:s6], $0xF7A  }
0x23: {  	s9 =	sor.u32 $0xD0000000, s2;
	s6 =	simm.s32 $0x108;
	_ =	swait.ge @!p0 [sflag:s8], $0x0  }
0x24: {  	s3 =	sadd.s32 $0x88, s3;
	s6 =	simm.s32 @!p1 $0x1082;
	[sflag:s4] =	ssyncset.s32 $0xFFFFF086  }
0x25: {  	[simem:s6], [sflag:s4] =	dma.local [hbm:s3], $0xF7A  }
0x26: {  	[smem:$0x3F9A] =	sst s1;
	(tag) =	ssettag s2;
	_ =	strace s9  }
0x27: {  	s1 =	sld [smem:$0x3FAA]  }
0x28: {  	s2 =	sld [smem:$0x3FAB]  }
0x29: {  	s4 =	sld [smem:$0x3FAD]  }
0x2a: {  	p0 =	seq.s32 s5, $0x0;
	s5 =	sld [smem:$0x3FAE]  }
0x2b: {  	s6 =	sld [smem:$0x3FAF]  }
0x2c: {  	s7 =	sld [smem:$0x3FB0]  }
0x2d: {  	s3 =	simm.s32 $0x108;
	s8 =	sld [smem:$0x3FB1]  }
0x2e: {  	s3 =	simm.s32 @!p0 $0x1082;
	s9 =	sld [smem:$0x3FB2]  }
0x2f: {  	lr =	sadd.s32 s0, s3;
	s0 =	sld [smem:$0x3FA9]  }
0x30: {  	s3 =	sld [smem:$0x3FAC]  }
0x31: {  	[smem:$0x3FB5] =	sst s10  }
0x32: {  	s10 =	sld [smem:$0x3FB3];
	_ =	sdelay $0x3  }
0x33: {  	p0 =	seq.s32 s10, $0x1;
	s10 =	sld [smem:$0x3FB5];
	_ =	sdelay $0x3  }
0x34: {  	[smem:$0x3FB5] =	sst s10  }
0x35: {  	s10 =	sld [smem:$0x3FB4];
	_ =	sdelay $0x3  }
0x36: {  	p1 =	seq.s32 s10, $0x1;
	s10 =	sld [smem:$0x3FB5];
	_ =	sdelay $0x3  }
0x37: {  	[smem:$0x3FB5] =	sst s10  }
0x38: {  	s10 =	sld [smem:$0x3FB6]  }
0x39: {  	_ = 	snop;
	(pc) =	sbr.ind lr, $3  }
0x3a: {  	_ = 	snop  }
0x3b: {  	_ = 	snop  }
0x3c: {  	p2 =	seq.s32 s10, $0x1;
	s10 =	sld [smem:$0x3FB5]  }
0x3d: {  	_ =	shalt  }
0x3e: {  	_ =	shalt  }
0x3f: {  	_ =	shalt  }
0x40: {  	_ =	shalt  }
0x41: {  	_ =	shalt  }
0x42: {  	_ =	shalt  }
0x43: {  	_ =	shalt  }
0x44: {  	_ =	shalt  }
0x45: {  	_ =	shalt  }
0x46: {  	_ =	shalt  }
0x47: {  	_ =	shalt  }
0x48: {  	_ =	shalt  }
0x49: {  	_ =	shalt  }
0x4a: {  	_ =	shalt  }
0x4b: {  	_ =	shalt  }
0x4c: {  	_ =	shalt  }
0x4d: {  	_ =	shalt  }
0x4e: {  	_ =	shalt  }
0x4f: {  	_ =	shalt  }
0x50: {  	_ =	shalt  }
0x51: {  	_ =	shalt  }
0x52: {  	_ =	shalt  }
0x53: {  	_ =	shalt  }
0x54: {  	_ =	shalt  }
0x55: {  	_ =	shalt  }
0x56: {  	_ =	shalt  }
0x57: {  	_ =	shalt  }
0x58: {  	_ =	shalt  }
0x59: {  	_ =	shalt  }
0x5a: {  	_ =	shalt  }
0x5b: {  	_ =	shalt  }
0x5c: {  	_ =	shalt  }
0x5d: {  	_ =	shalt  }
0x5e: {  	_ =	shalt  }
0x5f: {  	_ =	shalt  }
0x60: {  	_ =	shalt  }
0x61: {  	_ =	shalt  }
0x62: {  	_ =	shalt  }
0x63: {  	_ =	shalt  }
0x64: {  	_ =	shalt  }
0x65: {  	_ =	shalt  }
0x66: {  	_ =	shalt  }
0x67: {  	_ =	shalt  }
0x68: {  	_ =	shalt  }
0x69: {  	_ =	shalt  }
0x6a: {  	_ =	shalt  }
0x6b: {  	_ =	shalt  }
0x6c: {  	_ =	shalt  }
0x6d: {  	_ =	shalt  }
0x6e: {  	_ =	shalt  }
0x6f: {  	_ =	shalt  }
0x70: {  	_ =	shalt  }
0x71: {  	_ =	shalt  }
0x72: {  	_ =	shalt  }
0x73: {  	_ =	shalt  }
0x74: {  	_ =	shalt  }
0x75: {  	_ =	shalt  }
0x76: {  	_ =	shalt  }
0x77: {  	_ =	shalt  }
0x78: {  	_ =	shalt  }
0x79: {  	_ =	shalt  }
0x7a: {  	_ =	shalt  }
0x7b: {  	_ =	shalt  }
0x7c: {  	_ =	shalt  }
0x7d: {  	_ =	shalt  }
0x7e: {  	_ =	shalt  }
0x7f: {  	_ =	shalt  }
0x80: {  	_ =	shalt  }
0x81: {  	_ =	shalt  }
0x82: {  	_ =	shalt  }
0x83: {  	_ =	shalt  }
0x84: {  	_ =	shalt  }
0x85: {  	_ =	shalt  }
0x86: {  	_ =	shalt  }
0x87: {  	_ =	shalt  }
.Lfunc_end0:
.L_simem_size_0:
called_computation_lowered:
.L_overlay_start_0:
0x88: {  	s2 =	sld [smem:$0x3FD9]  }
0x89: {  	s3 =	sld [smem:$0x3FFE];
	_ =	sdelay $0x1  }
0x8a: {  	s1 =	srdreg.scid  }
0x8b: {  	s0 =	sand.u32 $0x1, s1  }
0x8c: {  	s17 =	sshll.u32 s0, $0xA;
	s2 =	sadd.s32 s3, s2  }
0x8d: {  	s2 =	sadd.s32 s2, s17  }
0x8e: {  	[smem:$0x3FC1] =	sst s2  }
0x8f: {  	_ = 	snop  }
0x90: {  	s18 =	sld [smem:$0x3FD0];
	(tm) =	ssettm $0x1  }
0x91: {  	s19 =	sld [smem:$0x3FFB];
	_ =	sdelay $0x3  }
0x92: {  	_ =	strace s19  }
0x93: {  	s2 =	sld [smem:$0x3FFC];
	_ =	sdelay $0x3  }
0x94: {  	_ =	strace s2  }
0x95: {  	s2 =	sld [smem:$0x3FFD];
	_ =	sdelay $0x3  }
0x96: {  	_ =	strace s2  }
0x97: {  	_ =	strace $0x8FFFFFFF  }
0x98: {  	s20 =	sld [smem:$0x3FDB];
	_ =	sdelay $0x1  }
0x99: {  	s4 =	simm.s32 $_scs_section_size  }
0x9a: {  	s5 =	simm.s32 $_size__tile_overlayer_lowered;
	s6 =	simm.s32 $_tile_overlayer_lowered  }
0x9b: {  	s7 =	simm.s32 $0x1BFF;
	s21 =	sshll.u32 s6, $0x1;
	s4 =	sadd.s32 s4, s20  }
0x9c: {  	s22 =	simm.s32 $0x0;
	s5 =	sshll.u32 s5, $0x1;
	s6 =	sadd.s32 s21, s4  }
0x9d: {  	[timem:s22], [sflag:s7] =	dma.local [hbm:s6], s5  }
0x9e: {  	_ =	swait.ge [sflag:s7], s5  }
0x9f: {  	s5 =	ssub.s32 $0x0, s5;
	[sflag:s7] =	ssyncset.done $0x0  }
0xa0: {  	[sflag:s7] =	ssyncadd.s32 s5;
	_ =	sdelay $0x1  }
0xa1: {  	s23 =	simm.s32 $0x1B8B  }
0xa2: {  	_ =	swait.ge [sflag:s23], $0x1  }
0xa3: {  	[sflag:s23] =	ssyncset.done $0x0  }
0xa4: {  	[sflag:s23] =	ssyncadd.s32 $0xFFFFFFFF  }
0xa5: {  	s5 =	sld [smem:$0x0]  }
0xa6: {  	s6 =	sand.u32 $0xFFFFFFFE, s1  }
0xa7: {  	p0 =	sne.s32 s1, s6  }
0xa8: {  	s6 =	sshll.u32 @p0 s6, $0xE  }
0xa9: {  	s6 =	sadd.s32 @p0 $0x11B8D, s6;
	s7 =	sshll.u32 @p0 s5, $0x11  }
0xaa: {  	s6 =	sor.u32 @p0 s7, s6  }
0xab: {  	[sflag:s6] =	ssyncadd.remote.s32 @p0 $0x1;
	_ =	sdelay $0x1  }
0xac: {  	s6 =	simm.s32 @p0 $0x1B8D  }
0xad: {  	_ =	swait.eq @p0 [sflag:s6], $0x1  }
0xae: {  	[sflag:s6] =	ssyncadd.s32 @p0 $0xFFFFFFFF  }
0xaf: {  	s7 =	sshll.u32 @!p0 s1, $0xE  }
0xb0: {  	s7 =	sor.u32 @!p0 $0x4000, s7;
	s6 =	simm.s32 @!p0 $0x1B8D  }
0xb1: {  	s5 =	sshll.u32 @!p0 s5, $0x11;
	s7 =	sadd.s32 @!p0 $0x11B8D, s7;
	_ =	swait.eq @!p0 [sflag:s6], $0x1  }
0xb2: {  	s5 =	sor.u32 @!p0 s5, s7;
	[sflag:s6] =	ssyncadd.s32 @!p0 $0xFFFFFFFF  }
0xb3: {  	s25 =	simm.s32 $0x1B8E;
	s24 =	sld [smem:$0x3FFE];
	[sflag:s5] =	ssyncadd.remote.s32 @!p0 $0x1  }
0xb4: {  	s26 =	simm.s32 $execute0_lowered;
	[smem:$0x3FD2] =	sst s25  }
0xb5: {  	s6 =	sshll.u32 s26, $0x1;
	_ =	strace $0x80000049;
	[dreg:$0x1] =	wrdreg $0xFFFFFFFF  }
0xb6: {  	s28 =	simm.s32 $_size_execute0_lowered;
	s4 =	sadd.s32 s4, s6;
	[dreg:$0x0] =	wrdreg $0x0  }
0xb7: {  	s6 =	sshll.u32 s28, $0x1;
	[dreg:$0x2] =	wrdreg s4  }
0xb8: {  	[dreg:$0x3] =	wrdreg s6  }
0xb9: {  	[dreg:$0x4] =	wrdreg $0xC0  }
0xba: {  	_ =	task [dreg:s22], $0x5FFFF  }
0xbb: {  	[dreg:$0x1] =	wrdreg $0xFFFFFFFF  }
0xbc: {  	[dreg:$0x0] =	wrdreg $0x60  }
0xbd: {  	[dreg:$0x2] =	wrdreg s24  }
0xbe: {  	[dreg:$0x3] =	wrdreg s18  }
0xbf: {  	[dreg:$0x4] =	wrdreg $0x4F800  }
0xc0: {  	[dreg:$0x5] =	wrdreg $0x9  }
0xc1: {  	_ =	task.clear_ibuf [dreg:s22], $0x6FFFF;
	_ =	strace $0x90000049  }
0xc2: {  	s29 =	simm.s32 $0x9;
	_ =	strace $0x8000004B  }
0xc3: {  	_ =	swait.ge [sflag:s29], $0x1  }
0xc4: {  	[sflag:s29] =	ssyncadd.s32 $0xFFFFFFFF  }
0xc5: {  	_ =	strace $0x9000004B  }
0xc6: {  	_ =	sfence  }
0xc7: {  	s30 =	sld [smem:$0x0];
	_ =	sdelay $0x2  }
0xc8: {  	s31 =	sshll.u32 s1, $0xD;
	s1 =	sshrl.u32 s1, $0x2  }
0xc9: {  	s4 =	sand.u32 $0x4000, s31;
	s1 =	sadd.s32 s1, s30  }
0xca: {  	s0 =	sor.u32 s4, s0;
	s1 =	sshll.u32 s1, $0x11  }
0xcb: {  	s0 =	sor.u32 s1, s0  }
0xcc: {  	s0 =	sadd.s32 $0x8F2B, s0  }
0xcd: {  	[sflag:s0] =	ssyncadd.remote.s32 $0x1  }
0xce: {  	_ =	sfence.sel $0xFFFF  }
0xcf: {  	[dreg:$0x0] =	wrdreg $0xFFFFFFFF;
	(pc) =	sbr.abs _section_cstart, $3  }
0xd0: {  	[dreg:$0x1] =	wrdreg $0xFFFFFFFF  }
0xd1: {  	_ =	task.clear_ibuf [dreg:s22], $0x2FFFF;
	_ =	strace $0x9FFFFFFF  }
0xd2: {  	(tm) =	ssettm $0x7FFFFFFF  }
0xd3: {  	_ =	shalt  }
tec
execute0_lowered:
.L_overlay_start_1:
0x0: {  	(tag) =	ssettag $0x1  }
0x1: {  	s5 =	rddreg [dreg:$0x0]  }
0x2: {  	s1 =	srdreg.scid;
	s2 =	rddreg [dreg:$0x1]  }
0x3: {  	s0 =	stileid.u32;
	s3 =	rddreg [dreg:$0x2];
	s4 =	simm.s32 $0x0  }
0x4: {  	s13 =	simm.s32 $0x50;
	s14 =	simm.s32 $0xA0;
	s15 =	simm.s32 $0xF0  }
0x5: {  	s16 =	simm.s32 $0x140;
	s17 =	simm.s32 $0x190;
	s18 =	simm.s32 $0x1E0  }
0x6: {  	s19 =	simm.s32 $0x230;
	s20 =	simm.s32 $0x1;
	s21 =	simm.s32 $0x0  }
0x7: {  	s6 =	sand.u32 $0x1, s1;
	s26 =	sshll.u32 s0, $0x1;
	s8 =	smul.u32 $0x14000, s0  }
0x8: {  	[smem:$0x7FF] =	sst s4;
	s28 =	smul.u32 $0x50000, s0;
	s31 =	sshll.u32 s0, $0x6  }
0x9: {  	s1 =	sor.u32 s6, s26;
	s9 =	smul.u32 $0x140000, s6;
	s6 =	ssub.s32 $0x2, s6  }
0xa: {  	s7 =	smul.u32 $0x4E2, s1;
	s1 =	rddreg [dreg:$0x3];
	_ =	strace $0x8000004A  }
0xb: {  	s10 =	sshrl.u32 s8, $0x3;
	s29 =	sshrl.u32 s6, $0x1;
	s30 =	sshrl.u32 s28, $0x2  }
0xc: {  	s8 =	sadd.s32 s8, s9;
	s10 =	sadd.s32 s10, s5;
	s11 =	ssub.s32 s6, s29  }
0xd: {  	s12 =	sadd.s32 s30, s3;
	s6 =	sor.u32 $0x1C02, s31;
	s7 =	sadd.s32 s7, s5  }
0xe: {  	s8 =	sshrl.u32 s8, $0x3;
	s9 =	smax.u32 s11, $0x1;
	s11 =	simm.s32 $0x2  }
0xf: {  	s8 =	sadd.s32 s8, s5;
	s5 =	sadd.s32 $0x3C600, s10;
	s7 =	sadd.s32 $0x1800, s7  }
0x10: {  	s10 =	sshrl.u32 s12, $0x3;
	s12 =	simm.s32 $0x2780;
	s8 =	sadd.s32 $0xB4600, s8  }
.LBB2_1:
0x11: {  	[spmem:s10], [sflag:s6] =	dma.local [hbm:s5], $0x2800  }
0x12: {  	_ =	swait.ge [sflag:s11], $0x2800  }
0x13: {  	[sflag:s11] =	ssyncset.done $0x0  }
0x14: {  	[sflag:s11] =	ssyncadd.s32 $0xFFFFD800  }
0x15: {  	[tilespmem:s12], [sflag:$0x2] =	stream.linear.gather [hbm4b:s2+s4], $0x2800, $0x38;
	[tilespmem:$0x18F80] =	vst v63  }
0x16: {  	_ =	swait.ge [sflag:s11], $0x2800  }
0x17: {  	[sflag:s11] =	ssyncset.done $0x0  }
0x18: {  	[sflag:s11] =	ssyncadd.s32 $0xFFFFD800  }
0x19: {  	[tilespmem:s4], [sflag:$0x2] =	stream.linear.gather [hbm4b:s7+s4], $0x2710, $0x38;
	[tilespmem:$0x18F80] =	vst v63  }
0x1a: {  	_ =	swait.ge [sflag:s11], $0x2710  }
0x1b: {  	[sflag:s11] =	ssyncset.done $0x0  }
0x1c: {  	[sflag:s11] =	ssyncadd.s32 $0xFFFFD8F0  }
0x1d: {  	[bflag:$0x0] =	sbarrier.arrive $0xFFFF  }
0x1e: {  	[spmem:s3] =	stream.indirect.scatter.add.f32 [tilespmem:s12], [sflag:$0x1], $0x80, s4, s13, $0xb8;
	[tilespmem:$0x18F80] =	vst v63  }
0x1f: {  	_ = 	snop  }
0x20: {  	[spmem:s3] =	stream.indirect.scatter.add.f32 [tilespmem:s12], [sflag:$0x1], $0x80, s13, s13, $0xb8;
	[tilespmem:$0x18F80] =	vst v63  }
0x21: {  	_ = 	snop  }
0x22: {  	[spmem:s3] =	stream.indirect.scatter.add.f32 [tilespmem:s12], [sflag:$0x1], $0x80, s14, s13, $0xb8;
	[tilespmem:$0x18F80] =	vst v63  }
0x23: {  	_ = 	snop  }
0x24: {  	[spmem:s3] =	stream.indirect.scatter.add.f32 [tilespmem:s12], [sflag:$0x1], $0x80, s15, s13, $0xb8;
	[tilespmem:$0x18F80] =	vst v63  }
0x25: {  	_ = 	snop  }
0x26: {  	[spmem:s3] =	stream.indirect.scatter.add.f32 [tilespmem:s12], [sflag:$0x1], $0x80, s16, s13, $0xb8;
	[tilespmem:$0x18F80] =	vst v63  }
0x27: {  	_ = 	snop  }
0x28: {  	[spmem:s3] =	stream.indirect.scatter.add.f32 [tilespmem:s12], [sflag:$0x1], $0x80, s17, s13, $0xb8;
	[tilespmem:$0x18F80] =	vst v63  }
0x29: {  	_ = 	snop  }
0x2a: {  	[spmem:s3] =	stream.indirect.scatter.add.f32 [tilespmem:s12], [sflag:$0x1], $0x80, s18, s13, $0xb8;
	[tilespmem:$0x18F80] =	vst v63  }
0x2b: {  	_ = 	snop  }
0x2c: {  	[spmem:s3] =	stream.indirect.scatter.add.f32 [tilespmem:s12], [sflag:$0x1], $0x80, s19, s13, $0xb8;
	[tilespmem:$0x18F80] =	vst v63  }
0x2d: {  	_ =	swait.ge [sflag:s20], $0x2800  }
0x2e: {  	[sflag:s20] =	ssyncset.done $0x0  }
0x2f: {  	s22 =	simm.s32 $0xB40;
	s23 =	simm.s32 $0x280;
	[sflag:s20] =	ssyncadd.s32 $0xFFFFD800  }
.LBB2_2:
0x30: {  	[spmem:s3] =	stream.indirect.scatter.add.f32 [tilespmem:s12], [sflag:$0x1], $0x80, s23, s13, $0xb8;
	[tilespmem:$0x18F80] =	vst v63  }
0x31: {  	s23 =	smov.u32 s22;
	p0 =	sne.s32 s22, $0x9B00  }
.Ltmp0:
0x32: {  	s22 =	sadd.s32 $0x140, s22;
	(pc) =	sbr.rel @p0 .LBB2_2-.Ltmp0, $4  }
0x33: {  	_ = 	snop  }
0x34: {  	_ =	swait.ge [sflag:s20], $0x2800  }
0x35: {  	[sflag:s20] =	ssyncset.done $0x0  }
0x36: {  	s23 =	sshra.s32 s23, $0x2;
	[sflag:s20] =	ssyncadd.s32 $0xFFFFD800  }
0x37: {  	[spmem:s3] =	stream.indirect.scatter.add.f32 [tilespmem:s12], [sflag:$0x1], $0x80, s23, s13, $0xb8;
	[tilespmem:$0x18F80] =	vst v63  }
0x38: {  	_ =	swait.ge [sflag:s20], $0x2800  }
0x39: {  	[sflag:s20] =	ssyncset.done $0x0  }
0x3a: {  	[sflag:s20] =	ssyncadd.s32 $0xFFFFD800  }
0x3b: {  	_ =	swait.ge [sflag:s20], $0x2800  }
0x3c: {  	[sflag:s20] =	ssyncset.done $0x0  }
0x3d: {  	[sflag:s20] =	ssyncadd.s32 $0xFFFFD800  }
0x3e: {  	_ =	swait.ge [sflag:s20], $0x2800  }
0x3f: {  	[sflag:s20] =	ssyncset.done $0x0  }
0x40: {  	[sflag:s20] =	ssyncadd.s32 $0xFFFFD800  }
0x41: {  	_ =	swait.ge [sflag:s20], $0x2800  }
0x42: {  	[sflag:s20] =	ssyncset.done $0x0  }
0x43: {  	[sflag:s20] =	ssyncadd.s32 $0xFFFFD800  }
0x44: {  	_ =	swait.ge [sflag:s20], $0x2800  }
0x45: {  	[sflag:s20] =	ssyncset.done $0x0  }
0x46: {  	[sflag:s20] =	ssyncadd.s32 $0xFFFFD800  }
0x47: {  	_ =	swait.ge [sflag:s20], $0x2800  }
0x48: {  	[sflag:s20] =	ssyncset.done $0x0  }
0x49: {  	[sflag:s20] =	ssyncadd.s32 $0xFFFFD800  }
0x4a: {  	_ =	swait.ge [sflag:s20], $0x2800  }
0x4b: {  	[sflag:s20] =	ssyncset.done $0x0  }
0x4c: {  	[sflag:s20] =	ssyncadd.s32 $0xFFFFD800  }
0x4d: {  	_ =	swait.ge [sflag:s20], $0x2800  }
0x4e: {  	s21 =	sadd.s32 $0x1, s21;
	[sflag:s20] =	ssyncset.done $0x0  }
0x4f: {  	p0 =	sne.s32 s21, s9;
	[sflag:s20] =	ssyncadd.s32 $0xFFFFD800  }
.Ltmp1:
0x50: {  	[bflag:$0x0] =	sbarrier.arrive $0xFFFF;
	(pc) =	sbr.rel @p0 .LBB2_1-.Ltmp1, $4  }
0x51: {  	[hbm:s8], [sflag:s6] =	dma.local [spmem:s10], $0x2800  }
0x52: {  	_ =	swait.ge [sflag:s11], $0x2800  }
0x53: {  	[sflag:s11] =	ssyncset.done $0x0  }
0x54: {  	[sflag:s11] =	ssyncadd.s32 $0xFFFFD800  }
0x55: {  	_ =	sfence.sel $0x180000  }
0x56: {  	[bflag:$0x0] =	sbarrier.arrive $0xFFFF  }
0x57: {  	p0 =	sne.s32 s0, $0x0;
	_ =	strace $0x9000004A  }
0x58: {  	s0 =	sadd.s32 @!p0 $0x100000, s1;
	[bflag:$0x2] =	sbarrier.arrive $0xFFFF  }
0x59: {  	[sflag:s0] =	ssyncadd.tile.s32 @!p0 $0x1;
	_ =	shalt  }
.Lfunc_end2:
_tile_overlayer_lowered:
.L_overlay_start_2:
0x5a: {  	(tag) =	ssettag $0x2  }
0x5b: {  	s0 =	rddreg [dreg:$0x0];
	s2 =	stileid.u32  }
0x5c: {  	s1 =	rddreg [dreg:$0x1];
	p0 =	sne.s32 s2, $0x0  }
0x5d: {  	s3 =	rddreg [dreg:$0x2];
	[bflag:$0x3] =	sbarrier.arrive $0xFFFF;
	s2 =	simm.s32 @!p0 $0x1C02  }
0x5e: {  	[timem:s3], [sflag:s2] =	dma.local @!p0 [hbm:s0], s1  }
0x5f: {  	s0 =	simm.s32 @!p0 $0x2  }
0x60: {  	_ =	swait.ge @!p0 [sflag:s0], s1  }
0x61: {  	s1 =	ssub.s32 @!p0 $0x0, s1;
	[sflag:s0] =	ssyncset.done @!p0 $0x0  }
0x62: {  	[sflag:s0] =	ssyncadd.s32 @!p0 s1  }
0x63: {  	[bflag:$0x3] =	sbarrier.arrive $0xFFFF  }
0x64: {  	_ =	shalt  }

</sc_bundles>
